<compile_context>
chip_gen: v7x
topology: tpu7x:2x2x1
jax: 0.10.2.dev20260603
libtpu: 0.0.44.dev20260713+nightly
codegen_flags: <defaults>
</compile_context>

<pallas_src>
import functools

import jax
import jax.numpy as jnp
from jax import lax
from jax.experimental import pallas as pl
from jax.experimental.pallas import tpu as pltpu
from jax.experimental.pallas import tpu_sc as plsc

N = 100000
C = 16
Z, Y, X = 41, 400, 400
KVOL = 27
G = Z * Y * X
GROWS = G // 16

NC, NS, L = 2, 16, 16
NW = NC * NS
T = 3200
NPAD = NW * T
NBLK = T // 16
DGRP = 3200
NGRP = T // DGRP
YGRP = 128

MM_B = 512


def _mm_body(x_ref, w_ref, o_ref):
    o_ref[...] = jnp.dot(x_ref[...], w_ref[...],
                         preferred_element_type=jnp.float32)


def _offsets():
    out = []
    for dz in (-1, 0, 1):
        for dy in (-1, 0, 1):
            for dx in (-1, 0, 1):
                out.append((dz, dy, dx, (dz * Y + dy) * X + dx))
    return out


def _sc_body(zs, ys, xs, grid1, yr, bias_h, out,
             zc, yc, xc, cellc, idxb, gidxb, vlist, wb, acc, stage, biasv,
             kpar, sem_g, sem_y):
    wid = lax.axis_index("s") * NC + lax.axis_index("c")
    base = wid * T

    pltpu.sync_copy(zs.at[pl.ds(base, T)], zc)
    pltpu.sync_copy(ys.at[pl.ds(base, T)], yc)
    pltpu.sync_copy(xs.at[pl.ds(base, T)], xc)
    pltpu.sync_copy(bias_h, biasv)
    for kk, (dz, dy, dx, dk) in enumerate(_offsets()):
        kpar[kk, 0] = dz
        kpar[kk, 1] = dy
        kpar[kk, 2] = dx
        kpar[kk, 3] = dk
    bv = biasv[...]

    def _init(i, _):
        s = pl.ds(i * L, L)
        cellc[s] = (zc[s] * (Y * X) + yc[s] * X + xc[s])
        return ()
    lax.fori_loop(0, NBLK, _init, (), unroll=4)

    iota = lax.iota(jnp.int32, L)
    zerov = jnp.zeros((L,), jnp.int32)

    def _binit(i, _):
        acc[pl.ds(i * L, L)] = bv
        return ()
    lax.fori_loop(0, T, _binit, (), unroll=8)

    def _zinit(i, _):
        s = pl.ds(i * L, L)
        gidxb[s] = zerov
        vlist[s] = zerov
        return ()
    lax.fori_loop(0, (T + YGRP) // L, _zinit, (), unroll=4)

    def _p1_loop(dz, dy, dx, dk):
        def _p1(i, _):
            s = pl.ds(i * L, L)
            nbr = cellc[s] + dk
            okz = (zc[s] + dz >= 0) & (zc[s] + dz <= Z - 1)
            oky = (yc[s] + dy >= 0) & (yc[s] + dy <= Y - 1)
            okx = (xc[s] + dx >= 0) & (xc[s] + dx <= X - 1)
            idxb[s] = jnp.where(okz & oky & okx, nbr, zerov)
            return ()
        lax.fori_loop(0, NBLK, _p1, (), unroll=2)

    d0 = _offsets()[0]
    _p1_loop(d0[0], d0[1], d0[2], d0[3])
    pltpu.async_copy(grid1.at[idxb], wb, sem_g)

    def _per_offset(k, _):
        dz = kpar[k, 0]
        dy = kpar[k, 1]
        dx = kpar[k, 2]
        dk = kpar[k, 3]

        pltpu.make_async_copy(grid1.at[pl.ds(0, T)], wb, sem_g).wait()

        def _p2(i, cnt):
            s = pl.ds(i * L, L)
            okz = (zc[s] + dz >= 0) & (zc[s] + dz <= Z - 1)
            oky = (yc[s] + dy >= 0) & (yc[s] + dy <= Y - 1)
            okx = (xc[s] + dx >= 0) & (xc[s] + dx <= X - 1)
            j = wb[s]
            ok = okz & oky & okx & (j >= 0)
            jj = jnp.where(ok, j, jnp.full((L,), N, jnp.int32))
            gidxb[pl.ds(cnt * L, L)] = jj * KVOL + k
            vlist[pl.ds(cnt, L)] = jnp.full((L,), 1, jnp.int32) * i
            oki = jnp.where(ok, jnp.full((L,), 1, jnp.int32), zerov)
            anyv = oki[0]
            for l in range(1, L):
                anyv = anyv | oki[l]
            return cnt + anyv
        cnt = lax.fori_loop(0, NBLK, _p2, jnp.int32(0))

        @pl.when(k < KVOL - 1)
        def _next_probe():
            _p1_loop(kpar[k + 1, 0], kpar[k + 1, 1], kpar[k + 1, 2],
                     kpar[k + 1, 3])
            pltpu.async_copy(grid1.at[idxb], wb, sem_g)

        ngrp = (cnt * L + (YGRP - 1)) // YGRP

        def _gat(g, _):
            sl = pl.ds(g * YGRP, YGRP)
            pltpu.async_copy(yr.at[gidxb.at[sl]], stage.at[sl, :],
                             sem_y).wait()
            return ()
        lax.fori_loop(0, ngrp, _gat, ())

        def _sadd(cb, _):
            i0 = vlist[pl.ds(cb, L)][0]
            for w in range(L):
                plsc.addupdate(acc.at[pl.ds(i0 * (L * L) + w * L, L)],
                               stage[cb * L + w, :])
            return ()
        lax.fori_loop(0, cnt, _sadd, ())
        return ()

    lax.fori_loop(0, KVOL, _per_offset, ())

    def _relu(i, _):
        s = pl.ds(i * L, L)
        acc[s] = jnp.maximum(acc[s], 0.0)
        return ()
    lax.fori_loop(0, T, _relu, (), unroll=8)

    pltpu.sync_copy(acc.at[pl.ds(0, T * C)], out.at[pl.ds(base * C, T * C)])


@functools.partial(
    pl.kernel,
    out_type=jax.ShapeDtypeStruct((NPAD * C,), jnp.float32),
    mesh=plsc.VectorSubcoreMesh(core_axis_name="c", subcore_axis_name="s"),
    scratch_types=[
        pltpu.VMEM((T,), jnp.int32),
        pltpu.VMEM((T,), jnp.int32),
        pltpu.VMEM((T,), jnp.int32),
        pltpu.VMEM((T,), jnp.int32),
        pltpu.VMEM((T,), jnp.int32),
        pltpu.VMEM((T + YGRP,), jnp.int32),
        pltpu.VMEM((T + YGRP,), jnp.int32),
        pltpu.VMEM((T,), jnp.int32),
        pltpu.VMEM(((T + 1) * C,), jnp.float32),
        pltpu.VMEM((T, C), jnp.float32),
        pltpu.VMEM((C,), jnp.float32),
        pltpu.SMEM((KVOL, 4), jnp.int32),
        pltpu.SemaphoreType.DMA,
        pltpu.SemaphoreType.DMA,
    ],
    compiler_params=pltpu.CompilerParams(use_tc_tiling_on_sc=False),
)
def _sc_conv(zs, ys, xs, grid1, yr, bias_h, out, *scratch):
    _sc_body(zs, ys, xs, grid1, yr, bias_h, out, *scratch)


def kernel(in_feats, in_coors, weight, bias):
    zi = in_coors[:, 1]
    yi = in_coors[:, 2]
    xi = in_coors[:, 3]

    cells = (zi * (Y * X) + yi * X + xi).astype(jnp.int32)
    grid = jnp.full((G,), -1, jnp.int32).at[cells].set(
        jnp.arange(N, dtype=jnp.int32))

    pad = jnp.full((NPAD - N,), -10000, jnp.int32)
    zs = jnp.concatenate([zi, pad])
    ys = jnp.concatenate([yi, pad])
    xs = jnp.concatenate([xi, pad])

    feats_pad = jnp.zeros((NPAD, C), jnp.float32).at[:N].set(in_feats)
    wflat = jnp.transpose(weight, (1, 0, 2)).reshape(C, KVOL * C)
    ytab = pl.pallas_call(
        _mm_body,
        grid=(NPAD // MM_B,),
        in_specs=[
            pl.BlockSpec((MM_B, C), lambda i: (i, 0)),
            pl.BlockSpec((C, KVOL * C), lambda i: (0, 0)),
        ],
        out_specs=pl.BlockSpec((MM_B, KVOL * C), lambda i: (i, 0)),
        out_shape=jax.ShapeDtypeStruct((NPAD, KVOL * C), jnp.float32),
    )(feats_pad, wflat)
    yr = ytab.reshape(NPAD * KVOL, C)

    res = _sc_conv(zs, ys, xs, grid, yr, bias)
    return res.reshape(NPAD, C)[:N]

# --- scband reference (transcript-rebuilt; emitter-appended) ---
"""Pipeline reference for scband-infer-sp-conv-module-36799279792421 (READ-ONLY COPY).

The authoritative reference and input builder live on the scoring server;
editing this copy changes nothing except your own understanding.
"""

import jax, jax.numpy as jnp
import numpy as np

N = 100000
C_IN = 16
C_OUT = 16
Z, Y, X = 41, 400, 400
KVOL = 27


def setup_inputs(seed: int = 0) -> dict:
    key = jax.random.key(seed)
    k1, k2, k3, k4, k5, k6 = jax.random.split(key, 6)
    z = jax.random.randint(k1, (N,), 0, Z, dtype=jnp.int32)
    y = jax.random.randint(k2, (N,), 0, Y, dtype=jnp.int32)
    x = jax.random.randint(k3, (N,), 0, X, dtype=jnp.int32)
    b = jnp.zeros((N,), jnp.int32)
    in_coors = jnp.stack([b, z, y, x], axis=1)  # [N, 4] = (batch, z, y, x)
    in_feats = jax.random.normal(k4, (N, C_IN), dtype=jnp.float32)
    # weight layout matches InferSpConvModule.only_weight: (kvol, in_channels, out_channels)
    weight = jax.random.normal(k5, (KVOL, C_IN, C_OUT), dtype=jnp.float32) * 0.05
    bias = jax.random.normal(k6, (C_OUT,), dtype=jnp.float32) * 0.01
    return {"in_feats": in_feats, "in_coors": in_coors, "weight": weight, "bias": bias}


def reference(in_feats, in_coors, weight, bias):
    # Submanifold sparse conv 3x3x3, stride 1, pad 1 (what SpConvIdx3d+SpConvMM compute
    # inside the TRT plugin). Rulebook built via a dense coordinate->row-index grid.
    grid = -jnp.ones((Z, Y, X), dtype=jnp.int32)
    grid = grid.at[in_coors[:, 1], in_coors[:, 2], in_coors[:, 3]].set(
        jnp.arange(N, dtype=jnp.int32)
    )
    out = jnp.zeros((N, C_OUT), dtype=jnp.float32)
    kidx = 0
    for dz in (-1, 0, 1):
        for dy in (-1, 0, 1):
            for dx in (-1, 0, 1):
                nz = in_coors[:, 1] + dz
                ny = in_coors[:, 2] + dy
                nx = in_coors[:, 3] + dx
                valid = (nz >= 0) & (nz < Z) & (ny >= 0) & (ny < Y) & (nx >= 0) & (nx < X)
                nzc = jnp.clip(nz, 0, Z - 1)
                nyc = jnp.clip(ny, 0, Y - 1)
                nxc = jnp.clip(nx, 0, X - 1)
                j = grid[nzc, nyc, nxc]  # gather neighbor row index
                valid = valid & (j >= 0)
                jc = jnp.maximum(j, 0)
                gathered = jnp.where(valid[:, None], jnp.take(in_feats, jc, axis=0), 0.0)
                out = out + gathered @ weight[kidx]
                kidx += 1
    out = out + bias[None, :]
    out = jax.nn.relu(out)  # self.act
    return out

if __name__ == "__main__":
    import jax
    _d = setup_inputs()
    print(jax.jit(kernel)(*tuple(_d.values())))

</pallas_src>

<mosaic_0001>
#map = affine_map<(d0, d1) -> (0)>
#map1 = affine_map<(d0, d1) -> (0, 0)>
module attributes {stable_mosaic.version = 14 : i64} {
  func.func @_sc_conv(%arg0: i32, %arg1: i32, %arg2: memref<102400xi32, #tpu.memory_space<hbm>>, %arg3: memref<102400xi32, #tpu.memory_space<hbm>>, %arg4: memref<102400xi32, #tpu.memory_space<hbm>>, %arg5: memref<6560000xi32, #tpu.memory_space<hbm>>, %arg6: memref<2764800x16xf32, #tpu.memory_space<hbm>>, %arg7: memref<16xf32, #tpu.memory_space<hbm>>, %arg8: memref<1638400xf32, #tpu.memory_space<hbm>>, %arg9: memref<3200xi32, #tpu.memory_space<vmem>>, %arg10: memref<3200xi32, #tpu.memory_space<vmem>>, %arg11: memref<3200xi32, #tpu.memory_space<vmem>>, %arg12: memref<3200xi32, #tpu.memory_space<vmem>>, %arg13: memref<3200xi32, #tpu.memory_space<vmem>>, %arg14: memref<3328xi32, #tpu.memory_space<vmem>>, %arg15: memref<3328xi32, #tpu.memory_space<vmem>>, %arg16: memref<3200xi32, #tpu.memory_space<vmem>>, %arg17: memref<51216xf32, #tpu.memory_space<vmem>>, %arg18: memref<3200x16xf32, #tpu.memory_space<vmem>>, %arg19: memref<16xf32, #tpu.memory_space<vmem>>, %arg20: memref<27x4xi32, #tpu.memory_space<smem>>, %arg21: memref<!tpu.dma_semaphore, #tpu.memory_space<semaphore_mem>>, %arg22: memref<!tpu.dma_semaphore, #tpu.memory_space<semaphore_mem>>) attributes {dimension_semantics = [#tpu.dimension_semantics<core_parallel>, #tpu.dimension_semantics<subcore_parallel>], iteration_bounds = array<i64: 2, 16>, scalar_prefetch = 0 : i64, scratch_operands = 14 : i64, tpu.core_type = #tpu.core_type<sc_vector_subcore>, window_params = [{transform_indices = #map}, {transform_indices = #map}, {transform_indices = #map}, {transform_indices = #map}, {transform_indices = #map1}, {transform_indices = #map}, {transform_indices = #map}]} {
    %mul3A = arith.constant 2 : i32
    %mul3A_0 = arith.muli %arg1, %mul3A : i32
    %add3A = arith.addi %mul3A_0, %arg0 : i32
    %mul3A_1 = arith.constant 3200 : i32
    %mul3A_2 = arith.muli %add3A, %mul3A_1 : i32
    "tpu.region"() ({
      %run_scoped3A = tpu.sem_alloc : memref<!tpu.dma_semaphore, #tpu.memory_space<semaphore_mem>>
      %dma_start3A_685 = tpu.memref_slice %arg2[%mul3A_2] : memref<102400xi32, #tpu.memory_space<hbm>> -> memref<3200xi32, #tpu.memory_space<hbm>>
      %dma_start3A_686 = tpu.memref_slice %arg2[%mul3A_2] : memref<102400xi32, #tpu.memory_space<hbm>> -> memref<3200xi32, #tpu.memory_space<hbm>>
      tpu.enqueue_dma source(%dma_start3A_686 : memref<3200xi32, #tpu.memory_space<hbm>>) target(%arg9 : memref<3200xi32, #tpu.memory_space<vmem>>) target_semaphore(%run_scoped3A : memref<!tpu.dma_semaphore, #tpu.memory_space<semaphore_mem>>)
      %dma_wait3A = tpu.memref_slice %arg2[%mul3A_2] : memref<102400xi32, #tpu.memory_space<hbm>> -> memref<3200xi32, #tpu.memory_space<hbm>>
      %dma_wait3A_687 = tpu.memref_slice %arg2[%mul3A_2] : memref<102400xi32, #tpu.memory_space<hbm>> -> memref<3200xi32, #tpu.memory_space<hbm>>
      tpu.wait_dma2 semaphore(%run_scoped3A : memref<!tpu.dma_semaphore, #tpu.memory_space<semaphore_mem>>) src(%dma_wait3A_687 : memref<3200xi32, #tpu.memory_space<hbm>>) dst(%arg9 : memref<3200xi32, #tpu.memory_space<vmem>>)
      tpu.yield
    }) : () -> ()
    "tpu.region"() ({
      %run_scoped3A = tpu.sem_alloc : memref<!tpu.dma_semaphore, #tpu.memory_space<semaphore_mem>>
      %dma_start3A_685 = tpu.memref_slice %arg3[%mul3A_2] : memref<102400xi32, #tpu.memory_space<hbm>> -> memref<3200xi32, #tpu.memory_space<hbm>>
      %dma_start3A_686 = tpu.memref_slice %arg3[%mul3A_2] : memref<102400xi32, #tpu.memory_space<hbm>> -> memref<3200xi32, #tpu.memory_space<hbm>>
      tpu.enqueue_dma source(%dma_start3A_686 : memref<3200xi32, #tpu.memory_space<hbm>>) target(%arg10 : memref<3200xi32, #tpu.memory_space<vmem>>) target_semaphore(%run_scoped3A : memref<!tpu.dma_semaphore, #tpu.memory_space<semaphore_mem>>)
      %dma_wait3A = tpu.memref_slice %arg3[%mul3A_2] : memref<102400xi32, #tpu.memory_space<hbm>> -> memref<3200xi32, #tpu.memory_space<hbm>>
      %dma_wait3A_687 = tpu.memref_slice %arg3[%mul3A_2] : memref<102400xi32, #tpu.memory_space<hbm>> -> memref<3200xi32, #tpu.memory_space<hbm>>
      tpu.wait_dma2 semaphore(%run_scoped3A : memref<!tpu.dma_semaphore, #tpu.memory_space<semaphore_mem>>) src(%dma_wait3A_687 : memref<3200xi32, #tpu.memory_space<hbm>>) dst(%arg10 : memref<3200xi32, #tpu.memory_space<vmem>>)
      tpu.yield
    }) : () -> ()
    "tpu.region"() ({
      %run_scoped3A = tpu.sem_alloc : memref<!tpu.dma_semaphore, #tpu.memory_space<semaphore_mem>>
      %dma_start3A_685 = tpu.memref_slice %arg4[%mul3A_2] : memref<102400xi32, #tpu.memory_space<hbm>> -> memref<3200xi32, #tpu.memory_space<hbm>>
      %dma_start3A_686 = tpu.memref_slice %arg4[%mul3A_2] : memref<102400xi32, #tpu.memory_space<hbm>> -> memref<3200xi32, #tpu.memory_space<hbm>>
      tpu.enqueue_dma source(%dma_start3A_686 : memref<3200xi32, #tpu.memory_space<hbm>>) target(%arg11 : memref<3200xi32, #tpu.memory_space<vmem>>) target_semaphore(%run_scoped3A : memref<!tpu.dma_semaphore, #tpu.memory_space<semaphore_mem>>)
      %dma_wait3A = tpu.memref_slice %arg4[%mul3A_2] : memref<102400xi32, #tpu.memory_space<hbm>> -> memref<3200xi32, #tpu.memory_space<hbm>>
      %dma_wait3A_687 = tpu.memref_slice %arg4[%mul3A_2] : memref<102400xi32, #tpu.memory_space<hbm>> -> memref<3200xi32, #tpu.memory_space<hbm>>
      tpu.wait_dma2 semaphore(%run_scoped3A : memref<!tpu.dma_semaphore, #tpu.memory_space<semaphore_mem>>) src(%dma_wait3A_687 : memref<3200xi32, #tpu.memory_space<hbm>>) dst(%arg11 : memref<3200xi32, #tpu.memory_space<vmem>>)
      tpu.yield
    }) : () -> ()
    "tpu.region"() ({
      %run_scoped3A = tpu.sem_alloc : memref<!tpu.dma_semaphore, #tpu.memory_space<semaphore_mem>>
      tpu.enqueue_dma source(%arg7 : memref<16xf32, #tpu.memory_space<hbm>>) target(%arg19 : memref<16xf32, #tpu.memory_space<vmem>>) target_semaphore(%run_scoped3A : memref<!tpu.dma_semaphore, #tpu.memory_space<semaphore_mem>>)
      tpu.wait_dma2 semaphore(%run_scoped3A : memref<!tpu.dma_semaphore, #tpu.memory_space<semaphore_mem>>) src(%arg7 : memref<16xf32, #tpu.memory_space<hbm>>) dst(%arg19 : memref<16xf32, #tpu.memory_space<vmem>>)
      tpu.yield
    }) : () -> ()
    %swap3A = arith.constant -1 : i32
    %swap3A_3 = arith.constant 0 : i32
    %swap3A_4 = arith.constant 0 : i32
    %swap3A_5 = arith.index_cast %swap3A_3 : i32 to index
    %swap3A_6 = arith.index_cast %swap3A_4 : i32 to index
    %swap3A_7 = memref.load %arg20[%swap3A_5, %swap3A_6] : memref<27x4xi32, #tpu.memory_space<smem>>
    memref.store %swap3A, %arg20[%swap3A_5, %swap3A_6] : memref<27x4xi32, #tpu.memory_space<smem>>
    %swap3A_8 = arith.constant -1 : i32
    %swap3A_9 = arith.constant 0 : i32
    %swap3A_10 = arith.constant 1 : i32
    %swap3A_11 = arith.index_cast %swap3A_9 : i32 to index
    %swap3A_12 = arith.index_cast %swap3A_10 : i32 to index
    %swap3A_13 = memref.load %arg20[%swap3A_11, %swap3A_12] : memref<27x4xi32, #tpu.memory_space<smem>>
    memref.store %swap3A_8, %arg20[%swap3A_11, %swap3A_12] : memref<27x4xi32, #tpu.memory_space<smem>>
    %swap3A_14 = arith.constant -1 : i32
    %swap3A_15 = arith.constant 0 : i32
    %swap3A_16 = arith.constant 2 : i32
    %swap3A_17 = arith.index_cast %swap3A_15 : i32 to index
    %swap3A_18 = arith.index_cast %swap3A_16 : i32 to index
    %swap3A_19 = memref.load %arg20[%swap3A_17, %swap3A_18] : memref<27x4xi32, #tpu.memory_space<smem>>
    memref.store %swap3A_14, %arg20[%swap3A_17, %swap3A_18] : memref<27x4xi32, #tpu.memory_space<smem>>
    %swap3A_20 = arith.constant -160401 : i32
    %swap3A_21 = arith.constant 0 : i32
    %swap3A_22 = arith.constant 3 : i32
    %swap3A_23 = arith.index_cast %swap3A_21 : i32 to index
    %swap3A_24 = arith.index_cast %swap3A_22 : i32 to index
    %swap3A_25 = memref.load %arg20[%swap3A_23, %swap3A_24] : memref<27x4xi32, #tpu.memory_space<smem>>
    memref.store %swap3A_20, %arg20[%swap3A_23, %swap3A_24] : memref<27x4xi32, #tpu.memory_space<smem>>
    %swap3A_26 = arith.constant -1 : i32
    %swap3A_27 = arith.constant 1 : i32
    %swap3A_28 = arith.constant 0 : i32
    %swap3A_29 = arith.index_cast %swap3A_27 : i32 to index
    %swap3A_30 = arith.index_cast %swap3A_28 : i32 to index
    %swap3A_31 = memref.load %arg20[%swap3A_29, %swap3A_30] : memref<27x4xi32, #tpu.memory_space<smem>>
    memref.store %swap3A_26, %arg20[%swap3A_29, %swap3A_30] : memref<27x4xi32, #tpu.memory_space<smem>>
    %swap3A_32 = arith.constant -1 : i32
    %swap3A_33 = arith.constant 1 : i32
    %swap3A_34 = arith.constant 1 : i32
    %swap3A_35 = arith.index_cast %swap3A_33 : i32 to index
    %swap3A_36 = arith.index_cast %swap3A_34 : i32 to index
    %swap3A_37 = memref.load %arg20[%swap3A_35, %swap3A_36] : memref<27x4xi32, #tpu.memory_space<smem>>
    memref.store %swap3A_32, %arg20[%swap3A_35, %swap3A_36] : memref<27x4xi32, #tpu.memory_space<smem>>
    %swap3A_38 = arith.constant 0 : i32
    %swap3A_39 = arith.constant 1 : i32
    %swap3A_40 = arith.constant 2 : i32
    %swap3A_41 = arith.index_cast %swap3A_39 : i32 to index
    %swap3A_42 = arith.index_cast %swap3A_40 : i32 to index
    %swap3A_43 = memref.load %arg20[%swap3A_41, %swap3A_42] : memref<27x4xi32, #tpu.memory_space<smem>>
    memref.store %swap3A_38, %arg20[%swap3A_41, %swap3A_42] : memref<27x4xi32, #tpu.memory_space<smem>>
    %swap3A_44 = arith.constant -160400 : i32
    %swap3A_45 = arith.constant 1 : i32
    %swap3A_46 = arith.constant 3 : i32
    %swap3A_47 = arith.index_cast %swap3A_45 : i32 to index
    %swap3A_48 = arith.index_cast %swap3A_46 : i32 to index
    %swap3A_49 = memref.load %arg20[%swap3A_47, %swap3A_48] : memref<27x4xi32, #tpu.memory_space<smem>>
    memref.store %swap3A_44, %arg20[%swap3A_47, %swap3A_48] : memref<27x4xi32, #tpu.memory_space<smem>>
    %swap3A_50 = arith.constant -1 : i32
    %swap3A_51 = arith.constant 2 : i32
    %swap3A_52 = arith.constant 0 : i32
    %swap3A_53 = arith.index_cast %swap3A_51 : i32 to index
    %swap3A_54 = arith.index_cast %swap3A_52 : i32 to index
    %swap3A_55 = memref.load %arg20[%swap3A_53, %swap3A_54] : memref<27x4xi32, #tpu.memory_space<smem>>
    memref.store %swap3A_50, %arg20[%swap3A_53, %swap3A_54] : memref<27x4xi32, #tpu.memory_space<smem>>
    %swap3A_56 = arith.constant -1 : i32
    %swap3A_57 = arith.constant 2 : i32
    %swap3A_58 = arith.constant 1 : i32
    %swap3A_59 = arith.index_cast %swap3A_57 : i32 to index
    %swap3A_60 = arith.index_cast %swap3A_58 : i32 to index
    %swap3A_61 = memref.load %arg20[%swap3A_59, %swap3A_60] : memref<27x4xi32, #tpu.memory_space<smem>>
    memref.store %swap3A_56, %arg20[%swap3A_59, %swap3A_60] : memref<27x4xi32, #tpu.memory_space<smem>>
    %swap3A_62 = arith.constant 1 : i32
    %swap3A_63 = arith.constant 2 : i32
    %swap3A_64 = arith.constant 2 : i32
    %swap3A_65 = arith.index_cast %swap3A_63 : i32 to index
    %swap3A_66 = arith.index_cast %swap3A_64 : i32 to index
    %swap3A_67 = memref.load %arg20[%swap3A_65, %swap3A_66] : memref<27x4xi32, #tpu.memory_space<smem>>
    memref.store %swap3A_62, %arg20[%swap3A_65, %swap3A_66] : memref<27x4xi32, #tpu.memory_space<smem>>
    %swap3A_68 = arith.constant -160399 : i32
    %swap3A_69 = arith.constant 2 : i32
    %swap3A_70 = arith.constant 3 : i32
    %swap3A_71 = arith.index_cast %swap3A_69 : i32 to index
    %swap3A_72 = arith.index_cast %swap3A_70 : i32 to index
    %swap3A_73 = memref.load %arg20[%swap3A_71, %swap3A_72] : memref<27x4xi32, #tpu.memory_space<smem>>
    memref.store %swap3A_68, %arg20[%swap3A_71, %swap3A_72] : memref<27x4xi32, #tpu.memory_space<smem>>
    %swap3A_74 = arith.constant -1 : i32
    %swap3A_75 = arith.constant 3 : i32
    %swap3A_76 = arith.constant 0 : i32
    %swap3A_77 = arith.index_cast %swap3A_75 : i32 to index
    %swap3A_78 = arith.index_cast %swap3A_76 : i32 to index
    %swap3A_79 = memref.load %arg20[%swap3A_77, %swap3A_78] : memref<27x4xi32, #tpu.memory_space<smem>>
    memref.store %swap3A_74, %arg20[%swap3A_77, %swap3A_78] : memref<27x4xi32, #tpu.memory_space<smem>>
    %swap3A_80 = arith.constant 0 : i32
    %swap3A_81 = arith.constant 3 : i32
    %swap3A_82 = arith.constant 1 : i32
    %swap3A_83 = arith.index_cast %swap3A_81 : i32 to index
    %swap3A_84 = arith.index_cast %swap3A_82 : i32 to index
    %swap3A_85 = memref.load %arg20[%swap3A_83, %swap3A_84] : memref<27x4xi32, #tpu.memory_space<smem>>
    memref.store %swap3A_80, %arg20[%swap3A_83, %swap3A_84] : memref<27x4xi32, #tpu.memory_space<smem>>
    %swap3A_86 = arith.constant -1 : i32
    %swap3A_87 = arith.constant 3 : i32
    %swap3A_88 = arith.constant 2 : i32
    %swap3A_89 = arith.index_cast %swap3A_87 : i32 to index
    %swap3A_90 = arith.index_cast %swap3A_88 : i32 to index
    %swap3A_91 = memref.load %arg20[%swap3A_89, %swap3A_90] : memref<27x4xi32, #tpu.memory_space<smem>>
    memref.store %swap3A_86, %arg20[%swap3A_89, %swap3A_90] : memref<27x4xi32, #tpu.memory_space<smem>>
    %swap3A_92 = arith.constant -160001 : i32
    %swap3A_93 = arith.constant 3 : i32
    %swap3A_94 = arith.constant 3 : i32
    %swap3A_95 = arith.index_cast %swap3A_93 : i32 to index
    %swap3A_96 = arith.index_cast %swap3A_94 : i32 to index
    %swap3A_97 = memref.load %arg20[%swap3A_95, %swap3A_96] : memref<27x4xi32, #tpu.memory_space<smem>>
    memref.store %swap3A_92, %arg20[%swap3A_95, %swap3A_96] : memref<27x4xi32, #tpu.memory_space<smem>>
    %swap3A_98 = arith.constant -1 : i32
    %swap3A_99 = arith.constant 4 : i32
    %swap3A_100 = arith.constant 0 : i32
    %swap3A_101 = arith.index_cast %swap3A_99 : i32 to index
    %swap3A_102 = arith.index_cast %swap3A_100 : i32 to index
    %swap3A_103 = memref.load %arg20[%swap3A_101, %swap3A_102] : memref<27x4xi32, #tpu.memory_space<smem>>
    memref.store %swap3A_98, %arg20[%swap3A_101, %swap3A_102] : memref<27x4xi32, #tpu.memory_space<smem>>
    %swap3A_104 = arith.constant 0 : i32
    %swap3A_105 = arith.constant 4 : i32
    %swap3A_106 = arith.constant 1 : i32
    %swap3A_107 = arith.index_cast %swap3A_105 : i32 to index
    %swap3A_108 = arith.index_cast %swap3A_106 : i32 to index
    %swap3A_109 = memref.load %arg20[%swap3A_107, %swap3A_108] : memref<27x4xi32, #tpu.memory_space<smem>>
    memref.store %swap3A_104, %arg20[%swap3A_107, %swap3A_108] : memref<27x4xi32, #tpu.memory_space<smem>>
    %swap3A_110 = arith.constant 0 : i32
    %swap3A_111 = arith.constant 4 : i32
    %swap3A_112 = arith.constant 2 : i32
    %swap3A_113 = arith.index_cast %swap3A_111 : i32 to index
    %swap3A_114 = arith.index_cast %swap3A_112 : i32 to index
    %swap3A_115 = memref.load %arg20[%swap3A_113, %swap3A_114] : memref<27x4xi32, #tpu.memory_space<smem>>
    memref.store %swap3A_110, %arg20[%swap3A_113, %swap3A_114] : memref<27x4xi32, #tpu.memory_space<smem>>
    %swap3A_116 = arith.constant -160000 : i32
    %swap3A_117 = arith.constant 4 : i32
    %swap3A_118 = arith.constant 3 : i32
    %swap3A_119 = arith.index_cast %swap3A_117 : i32 to index
    %swap3A_120 = arith.index_cast %swap3A_118 : i32 to index
    %swap3A_121 = memref.load %arg20[%swap3A_119, %swap3A_120] : memref<27x4xi32, #tpu.memory_space<smem>>
    memref.store %swap3A_116, %arg20[%swap3A_119, %swap3A_120] : memref<27x4xi32, #tpu.memory_space<smem>>
    %swap3A_122 = arith.constant -1 : i32
    %swap3A_123 = arith.constant 5 : i32
    %swap3A_124 = arith.constant 0 : i32
    %swap3A_125 = arith.index_cast %swap3A_123 : i32 to index
    %swap3A_126 = arith.index_cast %swap3A_124 : i32 to index
    %swap3A_127 = memref.load %arg20[%swap3A_125, %swap3A_126] : memref<27x4xi32, #tpu.memory_space<smem>>
    memref.store %swap3A_122, %arg20[%swap3A_125, %swap3A_126] : memref<27x4xi32, #tpu.memory_space<smem>>
    %swap3A_128 = arith.constant 0 : i32
    %swap3A_129 = arith.constant 5 : i32
    %swap3A_130 = arith.constant 1 : i32
    %swap3A_131 = arith.index_cast %swap3A_129 : i32 to index
    %swap3A_132 = arith.index_cast %swap3A_130 : i32 to index
    %swap3A_133 = memref.load %arg20[%swap3A_131, %swap3A_132] : memref<27x4xi32, #tpu.memory_space<smem>>
    memref.store %swap3A_128, %arg20[%swap3A_131, %swap3A_132] : memref<27x4xi32, #tpu.memory_space<smem>>
    %swap3A_134 = arith.constant 1 : i32
    %swap3A_135 = arith.constant 5 : i32
    %swap3A_136 = arith.constant 2 : i32
    %swap3A_137 = arith.index_cast %swap3A_135 : i32 to index
    %swap3A_138 = arith.index_cast %swap3A_136 : i32 to index
    %swap3A_139 = memref.load %arg20[%swap3A_137, %swap3A_138] : memref<27x4xi32, #tpu.memory_space<smem>>
    memref.store %swap3A_134, %arg20[%swap3A_137, %swap3A_138] : memref<27x4xi32, #tpu.memory_space<smem>>
    %swap3A_140 = arith.constant -159999 : i32
    %swap3A_141 = arith.constant 5 : i32
    %swap3A_142 = arith.constant 3 : i32
    %swap3A_143 = arith.index_cast %swap3A_141 : i32 to index
    %swap3A_144 = arith.index_cast %swap3A_142 : i32 to index
    %swap3A_145 = memref.load %arg20[%swap3A_143, %swap3A_144] : memref<27x4xi32, #tpu.memory_space<smem>>
    memref.store %swap3A_140, %arg20[%swap3A_143, %swap3A_144] : memref<27x4xi32, #tpu.memory_space<smem>>
    %swap3A_146 = arith.constant -1 : i32
    %swap3A_147 = arith.constant 6 : i32
    %swap3A_148 = arith.constant 0 : i32
    %swap3A_149 = arith.index_cast %swap3A_147 : i32 to index
    %swap3A_150 = arith.index_cast %swap3A_148 : i32 to index
    %swap3A_151 = memref.load %arg20[%swap3A_149, %swap3A_150] : memref<27x4xi32, #tpu.memory_space<smem>>
    memref.store %swap3A_146, %arg20[%swap3A_149, %swap3A_150] : memref<27x4xi32, #tpu.memory_space<smem>>
    %swap3A_152 = arith.constant 1 : i32
    %swap3A_153 = arith.constant 6 : i32
    %swap3A_154 = arith.constant 1 : i32
    %swap3A_155 = arith.index_cast %swap3A_153 : i32 to index
    %swap3A_156 = arith.index_cast %swap3A_154 : i32 to index
    %swap3A_157 = memref.load %arg20[%swap3A_155, %swap3A_156] : memref<27x4xi32, #tpu.memory_space<smem>>
    memref.store %swap3A_152, %arg20[%swap3A_155, %swap3A_156] : memref<27x4xi32, #tpu.memory_space<smem>>
    %swap3A_158 = arith.constant -1 : i32
    %swap3A_159 = arith.constant 6 : i32
    %swap3A_160 = arith.constant 2 : i32
    %swap3A_161 = arith.index_cast %swap3A_159 : i32 to index
    %swap3A_162 = arith.index_cast %swap3A_160 : i32 to index
    %swap3A_163 = memref.load %arg20[%swap3A_161, %swap3A_162] : memref<27x4xi32, #tpu.memory_space<smem>>
    memref.store %swap3A_158, %arg20[%swap3A_161, %swap3A_162] : memref<27x4xi32, #tpu.memory_space<smem>>
    %swap3A_164 = arith.constant -159601 : i32
    %swap3A_165 = arith.constant 6 : i32
    %swap3A_166 = arith.constant 3 : i32
    %swap3A_167 = arith.index_cast %swap3A_165 : i32 to index
    %swap3A_168 = arith.index_cast %swap3A_166 : i32 to index
    %swap3A_169 = memref.load %arg20[%swap3A_167, %swap3A_168] : memref<27x4xi32, #tpu.memory_space<smem>>
    memref.store %swap3A_164, %arg20[%swap3A_167, %swap3A_168] : memref<27x4xi32, #tpu.memory_space<smem>>
    %swap3A_170 = arith.constant -1 : i32
    %swap3A_171 = arith.constant 7 : i32
    %swap3A_172 = arith.constant 0 : i32
    %swap3A_173 = arith.index_cast %swap3A_171 : i32 to index
    %swap3A_174 = arith.index_cast %swap3A_172 : i32 to index
    %swap3A_175 = memref.load %arg20[%swap3A_173, %swap3A_174] : memref<27x4xi32, #tpu.memory_space<smem>>
    memref.store %swap3A_170, %arg20[%swap3A_173, %swap3A_174] : memref<27x4xi32, #tpu.memory_space<smem>>
    %swap3A_176 = arith.constant 1 : i32
    %swap3A_177 = arith.constant 7 : i32
    %swap3A_178 = arith.constant 1 : i32
    %swap3A_179 = arith.index_cast %swap3A_177 : i32 to index
    %swap3A_180 = arith.index_cast %swap3A_178 : i32 to index
    %swap3A_181 = memref.load %arg20[%swap3A_179, %swap3A_180] : memref<27x4xi32, #tpu.memory_space<smem>>
    memref.store %swap3A_176, %arg20[%swap3A_179, %swap3A_180] : memref<27x4xi32, #tpu.memory_space<smem>>
    %swap3A_182 = arith.constant 0 : i32
    %swap3A_183 = arith.constant 7 : i32
    %swap3A_184 = arith.constant 2 : i32
    %swap3A_185 = arith.index_cast %swap3A_183 : i32 to index
    %swap3A_186 = arith.index_cast %swap3A_184 : i32 to index
    %swap3A_187 = memref.load %arg20[%swap3A_185, %swap3A_186] : memref<27x4xi32, #tpu.memory_space<smem>>
    memref.store %swap3A_182, %arg20[%swap3A_185, %swap3A_186] : memref<27x4xi32, #tpu.memory_space<smem>>
    %swap3A_188 = arith.constant -159600 : i32
    %swap3A_189 = arith.constant 7 : i32
    %swap3A_190 = arith.constant 3 : i32
    %swap3A_191 = arith.index_cast %swap3A_189 : i32 to index
    %swap3A_192 = arith.index_cast %swap3A_190 : i32 to index
    %swap3A_193 = memref.load %arg20[%swap3A_191, %swap3A_192] : memref<27x4xi32, #tpu.memory_space<smem>>
    memref.store %swap3A_188, %arg20[%swap3A_191, %swap3A_192] : memref<27x4xi32, #tpu.memory_space<smem>>
    %swap3A_194 = arith.constant -1 : i32
    %swap3A_195 = arith.constant 8 : i32
    %swap3A_196 = arith.constant 0 : i32
    %swap3A_197 = arith.index_cast %swap3A_195 : i32 to index
    %swap3A_198 = arith.index_cast %swap3A_196 : i32 to index
    %swap3A_199 = memref.load %arg20[%swap3A_197, %swap3A_198] : memref<27x4xi32, #tpu.memory_space<smem>>
    memref.store %swap3A_194, %arg20[%swap3A_197, %swap3A_198] : memref<27x4xi32, #tpu.memory_space<smem>>
    %swap3A_200 = arith.constant 1 : i32
    %swap3A_201 = arith.constant 8 : i32
    %swap3A_202 = arith.constant 1 : i32
    %swap3A_203 = arith.index_cast %swap3A_201 : i32 to index
    %swap3A_204 = arith.index_cast %swap3A_202 : i32 to index
    %swap3A_205 = memref.load %arg20[%swap3A_203, %swap3A_204] : memref<27x4xi32, #tpu.memory_space<smem>>
    memref.store %swap3A_200, %arg20[%swap3A_203, %swap3A_204] : memref<27x4xi32, #tpu.memory_space<smem>>
    %swap3A_206 = arith.constant 1 : i32
    %swap3A_207 = arith.constant 8 : i32
    %swap3A_208 = arith.constant 2 : i32
    %swap3A_209 = arith.index_cast %swap3A_207 : i32 to index
    %swap3A_210 = arith.index_cast %swap3A_208 : i32 to index
    %swap3A_211 = memref.load %arg20[%swap3A_209, %swap3A_210] : memref<27x4xi32, #tpu.memory_space<smem>>
    memref.store %swap3A_206, %arg20[%swap3A_209, %swap3A_210] : memref<27x4xi32, #tpu.memory_space<smem>>
    %swap3A_212 = arith.constant -159599 : i32
    %swap3A_213 = arith.constant 8 : i32
    %swap3A_214 = arith.constant 3 : i32
    %swap3A_215 = arith.index_cast %swap3A_213 : i32 to index
    %swap3A_216 = arith.index_cast %swap3A_214 : i32 to index
    %swap3A_217 = memref.load %arg20[%swap3A_215, %swap3A_216] : memref<27x4xi32, #tpu.memory_space<smem>>
    memref.store %swap3A_212, %arg20[%swap3A_215, %swap3A_216] : memref<27x4xi32, #tpu.memory_space<smem>>
    %swap3A_218 = arith.constant 0 : i32
    %swap3A_219 = arith.constant 9 : i32
    %swap3A_220 = arith.constant 0 : i32
    %swap3A_221 = arith.index_cast %swap3A_219 : i32 to index
    %swap3A_222 = arith.index_cast %swap3A_220 : i32 to index
    %swap3A_223 = memref.load %arg20[%swap3A_221, %swap3A_222] : memref<27x4xi32, #tpu.memory_space<smem>>
    memref.store %swap3A_218, %arg20[%swap3A_221, %swap3A_222] : memref<27x4xi32, #tpu.memory_space<smem>>
    %swap3A_224 = arith.constant -1 : i32
    %swap3A_225 = arith.constant 9 : i32
    %swap3A_226 = arith.constant 1 : i32
    %swap3A_227 = arith.index_cast %swap3A_225 : i32 to index
    %swap3A_228 = arith.index_cast %swap3A_226 : i32 to index
    %swap3A_229 = memref.load %arg20[%swap3A_227, %swap3A_228] : memref<27x4xi32, #tpu.memory_space<smem>>
    memref.store %swap3A_224, %arg20[%swap3A_227, %swap3A_228] : memref<27x4xi32, #tpu.memory_space<smem>>
    %swap3A_230 = arith.constant -1 : i32
    %swap3A_231 = arith.constant 9 : i32
    %swap3A_232 = arith.constant 2 : i32
    %swap3A_233 = arith.index_cast %swap3A_231 : i32 to index
    %swap3A_234 = arith.index_cast %swap3A_232 : i32 to index
    %swap3A_235 = memref.load %arg20[%swap3A_233, %swap3A_234] : memref<27x4xi32, #tpu.memory_space<smem>>
    memref.store %swap3A_230, %arg20[%swap3A_233, %swap3A_234] : memref<27x4xi32, #tpu.memory_space<smem>>
    %swap3A_236 = arith.constant -401 : i32
    %swap3A_237 = arith.constant 9 : i32
    %swap3A_238 = arith.constant 3 : i32
    %swap3A_239 = arith.index_cast %swap3A_237 : i32 to index
    %swap3A_240 = arith.index_cast %swap3A_238 : i32 to index
    %swap3A_241 = memref.load %arg20[%swap3A_239, %swap3A_240] : memref<27x4xi32, #tpu.memory_space<smem>>
    memref.store %swap3A_236, %arg20[%swap3A_239, %swap3A_240] : memref<27x4xi32, #tpu.memory_space<smem>>
    %swap3A_242 = arith.constant 0 : i32
    %swap3A_243 = arith.constant 10 : i32
    %swap3A_244 = arith.constant 0 : i32
    %swap3A_245 = arith.index_cast %swap3A_243 : i32 to index
    %swap3A_246 = arith.index_cast %swap3A_244 : i32 to index
    %swap3A_247 = memref.load %arg20[%swap3A_245, %swap3A_246] : memref<27x4xi32, #tpu.memory_space<smem>>
    memref.store %swap3A_242, %arg20[%swap3A_245, %swap3A_246] : memref<27x4xi32, #tpu.memory_space<smem>>
    %swap3A_248 = arith.constant -1 : i32
    %swap3A_249 = arith.constant 10 : i32
    %swap3A_250 = arith.constant 1 : i32
    %swap3A_251 = arith.index_cast %swap3A_249 : i32 to index
    %swap3A_252 = arith.index_cast %swap3A_250 : i32 to index
    %swap3A_253 = memref.load %arg20[%swap3A_251, %swap3A_252] : memref<27x4xi32, #tpu.memory_space<smem>>
    memref.store %swap3A_248, %arg20[%swap3A_251, %swap3A_252] : memref<27x4xi32, #tpu.memory_space<smem>>
    %swap3A_254 = arith.constant 0 : i32
    %swap3A_255 = arith.constant 10 : i32
    %swap3A_256 = arith.constant 2 : i32
    %swap3A_257 = arith.index_cast %swap3A_255 : i32 to index
    %swap3A_258 = arith.index_cast %swap3A_256 : i32 to index
    %swap3A_259 = memref.load %arg20[%swap3A_257, %swap3A_258] : memref<27x4xi32, #tpu.memory_space<smem>>
    memref.store %swap3A_254, %arg20[%swap3A_257, %swap3A_258] : memref<27x4xi32, #tpu.memory_space<smem>>
    %swap3A_260 = arith.constant -400 : i32
    %swap3A_261 = arith.constant 10 : i32
    %swap3A_262 = arith.constant 3 : i32
    %swap3A_263 = arith.index_cast %swap3A_261 : i32 to index
    %swap3A_264 = arith.index_cast %swap3A_262 : i32 to index
    %swap3A_265 = memref.load %arg20[%swap3A_263, %swap3A_264] : memref<27x4xi32, #tpu.memory_space<smem>>
    memref.store %swap3A_260, %arg20[%swap3A_263, %swap3A_264] : memref<27x4xi32, #tpu.memory_space<smem>>
    %swap3A_266 = arith.constant 0 : i32
    %swap3A_267 = arith.constant 11 : i32
    %swap3A_268 = arith.constant 0 : i32
    %swap3A_269 = arith.index_cast %swap3A_267 : i32 to index
    %swap3A_270 = arith.index_cast %swap3A_268 : i32 to index
    %swap3A_271 = memref.load %arg20[%swap3A_269, %swap3A_270] : memref<27x4xi32, #tpu.memory_space<smem>>
    memref.store %swap3A_266, %arg20[%swap3A_269, %swap3A_270] : memref<27x4xi32, #tpu.memory_space<smem>>
    %swap3A_272 = arith.constant -1 : i32
    %swap3A_273 = arith.constant 11 : i32
    %swap3A_274 = arith.constant 1 : i32
    %swap3A_275 = arith.index_cast %swap3A_273 : i32 to index
    %swap3A_276 = arith.index_cast %swap3A_274 : i32 to index
    %swap3A_277 = memref.load %arg20[%swap3A_275, %swap3A_276] : memref<27x4xi32, #tpu.memory_space<smem>>
    memref.store %swap3A_272, %arg20[%swap3A_275, %swap3A_276] : memref<27x4xi32, #tpu.memory_space<smem>>
    %swap3A_278 = arith.constant 1 : i32
    %swap3A_279 = arith.constant 11 : i32
    %swap3A_280 = arith.constant 2 : i32
    %swap3A_281 = arith.index_cast %swap3A_279 : i32 to index
    %swap3A_282 = arith.index_cast %swap3A_280 : i32 to index
    %swap3A_283 = memref.load %arg20[%swap3A_281, %swap3A_282] : memref<27x4xi32, #tpu.memory_space<smem>>
    memref.store %swap3A_278, %arg20[%swap3A_281, %swap3A_282] : memref<27x4xi32, #tpu.memory_space<smem>>
    %swap3A_284 = arith.constant -399 : i32
    %swap3A_285 = arith.constant 11 : i32
    %swap3A_286 = arith.constant 3 : i32
    %swap3A_287 = arith.index_cast %swap3A_285 : i32 to index
    %swap3A_288 = arith.index_cast %swap3A_286 : i32 to index
    %swap3A_289 = memref.load %arg20[%swap3A_287, %swap3A_288] : memref<27x4xi32, #tpu.memory_space<smem>>
    memref.store %swap3A_284, %arg20[%swap3A_287, %swap3A_288] : memref<27x4xi32, #tpu.memory_space<smem>>
    %swap3A_290 = arith.constant 0 : i32
    %swap3A_291 = arith.constant 12 : i32
    %swap3A_292 = arith.constant 0 : i32
    %swap3A_293 = arith.index_cast %swap3A_291 : i32 to index
    %swap3A_294 = arith.index_cast %swap3A_292 : i32 to index
    %swap3A_295 = memref.load %arg20[%swap3A_293, %swap3A_294] : memref<27x4xi32, #tpu.memory_space<smem>>
    memref.store %swap3A_290, %arg20[%swap3A_293, %swap3A_294] : memref<27x4xi32, #tpu.memory_space<smem>>
    %swap3A_296 = arith.constant 0 : i32
    %swap3A_297 = arith.constant 12 : i32
    %swap3A_298 = arith.constant 1 : i32
    %swap3A_299 = arith.index_cast %swap3A_297 : i32 to index
    %swap3A_300 = arith.index_cast %swap3A_298 : i32 to index
    %swap3A_301 = memref.load %arg20[%swap3A_299, %swap3A_300] : memref<27x4xi32, #tpu.memory_space<smem>>
    memref.store %swap3A_296, %arg20[%swap3A_299, %swap3A_300] : memref<27x4xi32, #tpu.memory_space<smem>>
    %swap3A_302 = arith.constant -1 : i32
    %swap3A_303 = arith.constant 12 : i32
    %swap3A_304 = arith.constant 2 : i32
    %swap3A_305 = arith.index_cast %swap3A_303 : i32 to index
    %swap3A_306 = arith.index_cast %swap3A_304 : i32 to index
    %swap3A_307 = memref.load %arg20[%swap3A_305, %swap3A_306] : memref<27x4xi32, #tpu.memory_space<smem>>
    memref.store %swap3A_302, %arg20[%swap3A_305, %swap3A_306] : memref<27x4xi32, #tpu.memory_space<smem>>
    %swap3A_308 = arith.constant -1 : i32
    %swap3A_309 = arith.constant 12 : i32
    %swap3A_310 = arith.constant 3 : i32
    %swap3A_311 = arith.index_cast %swap3A_309 : i32 to index
    %swap3A_312 = arith.index_cast %swap3A_310 : i32 to index
    %swap3A_313 = memref.load %arg20[%swap3A_311, %swap3A_312] : memref<27x4xi32, #tpu.memory_space<smem>>
    memref.store %swap3A_308, %arg20[%swap3A_311, %swap3A_312] : memref<27x4xi32, #tpu.memory_space<smem>>
    %swap3A_314 = arith.constant 0 : i32
    %swap3A_315 = arith.constant 13 : i32
    %swap3A_316 = arith.constant 0 : i32
    %swap3A_317 = arith.index_cast %swap3A_315 : i32 to index
    %swap3A_318 = arith.index_cast %swap3A_316 : i32 to index
    %swap3A_319 = memref.load %arg20[%swap3A_317, %swap3A_318] : memref<27x4xi32, #tpu.memory_space<smem>>
    memref.store %swap3A_314, %arg20[%swap3A_317, %swap3A_318] : memref<27x4xi32, #tpu.memory_space<smem>>
    %swap3A_320 = arith.constant 0 : i32
    %swap3A_321 = arith.constant 13 : i32
    %swap3A_322 = arith.constant 1 : i32
    %swap3A_323 = arith.index_cast %swap3A_321 : i32 to index
    %swap3A_324 = arith.index_cast %swap3A_322 : i32 to index
    %swap3A_325 = memref.load %arg20[%swap3A_323, %swap3A_324] : memref<27x4xi32, #tpu.memory_space<smem>>
    memref.store %swap3A_320, %arg20[%swap3A_323, %swap3A_324] : memref<27x4xi32, #tpu.memory_space<smem>>
    %swap3A_326 = arith.constant 0 : i32
    %swap3A_327 = arith.constant 13 : i32
    %swap3A_328 = arith.constant 2 : i32
    %swap3A_329 = arith.index_cast %swap3A_327 : i32 to index
    %swap3A_330 = arith.index_cast %swap3A_328 : i32 to index
    %swap3A_331 = memref.load %arg20[%swap3A_329, %swap3A_330] : memref<27x4xi32, #tpu.memory_space<smem>>
    memref.store %swap3A_326, %arg20[%swap3A_329, %swap3A_330] : memref<27x4xi32, #tpu.memory_space<smem>>
    %swap3A_332 = arith.constant 0 : i32
    %swap3A_333 = arith.constant 13 : i32
    %swap3A_334 = arith.constant 3 : i32
    %swap3A_335 = arith.index_cast %swap3A_333 : i32 to index
    %swap3A_336 = arith.index_cast %swap3A_334 : i32 to index
    %swap3A_337 = memref.load %arg20[%swap3A_335, %swap3A_336] : memref<27x4xi32, #tpu.memory_space<smem>>
    memref.store %swap3A_332, %arg20[%swap3A_335, %swap3A_336] : memref<27x4xi32, #tpu.memory_space<smem>>
    %swap3A_338 = arith.constant 0 : i32
    %swap3A_339 = arith.constant 14 : i32
    %swap3A_340 = arith.constant 0 : i32
    %swap3A_341 = arith.index_cast %swap3A_339 : i32 to index
    %swap3A_342 = arith.index_cast %swap3A_340 : i32 to index
    %swap3A_343 = memref.load %arg20[%swap3A_341, %swap3A_342] : memref<27x4xi32, #tpu.memory_space<smem>>
    memref.store %swap3A_338, %arg20[%swap3A_341, %swap3A_342] : memref<27x4xi32, #tpu.memory_space<smem>>
    %swap3A_344 = arith.constant 0 : i32
    %swap3A_345 = arith.constant 14 : i32
    %swap3A_346 = arith.constant 1 : i32
    %swap3A_347 = arith.index_cast %swap3A_345 : i32 to index
    %swap3A_348 = arith.index_cast %swap3A_346 : i32 to index
    %swap3A_349 = memref.load %arg20[%swap3A_347, %swap3A_348] : memref<27x4xi32, #tpu.memory_space<smem>>
    memref.store %swap3A_344, %arg20[%swap3A_347, %swap3A_348] : memref<27x4xi32, #tpu.memory_space<smem>>
    %swap3A_350 = arith.constant 1 : i32
    %swap3A_351 = arith.constant 14 : i32
    %swap3A_352 = arith.constant 2 : i32
    %swap3A_353 = arith.index_cast %swap3A_351 : i32 to index
    %swap3A_354 = arith.index_cast %swap3A_352 : i32 to index
    %swap3A_355 = memref.load %arg20[%swap3A_353, %swap3A_354] : memref<27x4xi32, #tpu.memory_space<smem>>
    memref.store %swap3A_350, %arg20[%swap3A_353, %swap3A_354] : memref<27x4xi32, #tpu.memory_space<smem>>
    %swap3A_356 = arith.constant 1 : i32
    %swap3A_357 = arith.constant 14 : i32
    %swap3A_358 = arith.constant 3 : i32
    %swap3A_359 = arith.index_cast %swap3A_357 : i32 to index
    %swap3A_360 = arith.index_cast %swap3A_358 : i32 to index
    %swap3A_361 = memref.load %arg20[%swap3A_359, %swap3A_360] : memref<27x4xi32, #tpu.memory_space<smem>>
    memref.store %swap3A_356, %arg20[%swap3A_359, %swap3A_360] : memref<27x4xi32, #tpu.memory_space<smem>>
    %swap3A_362 = arith.constant 0 : i32
    %swap3A_363 = arith.constant 15 : i32
    %swap3A_364 = arith.constant 0 : i32
    %swap3A_365 = arith.index_cast %swap3A_363 : i32 to index
    %swap3A_366 = arith.index_cast %swap3A_364 : i32 to index
    %swap3A_367 = memref.load %arg20[%swap3A_365, %swap3A_366] : memref<27x4xi32, #tpu.memory_space<smem>>
    memref.store %swap3A_362, %arg20[%swap3A_365, %swap3A_366] : memref<27x4xi32, #tpu.memory_space<smem>>
    %swap3A_368 = arith.constant 1 : i32
    %swap3A_369 = arith.constant 15 : i32
    %swap3A_370 = arith.constant 1 : i32
    %swap3A_371 = arith.index_cast %swap3A_369 : i32 to index
    %swap3A_372 = arith.index_cast %swap3A_370 : i32 to index
    %swap3A_373 = memref.load %arg20[%swap3A_371, %swap3A_372] : memref<27x4xi32, #tpu.memory_space<smem>>
    memref.store %swap3A_368, %arg20[%swap3A_371, %swap3A_372] : memref<27x4xi32, #tpu.memory_space<smem>>
    %swap3A_374 = arith.constant -1 : i32
    %swap3A_375 = arith.constant 15 : i32
    %swap3A_376 = arith.constant 2 : i32
    %swap3A_377 = arith.index_cast %swap3A_375 : i32 to index
    %swap3A_378 = arith.index_cast %swap3A_376 : i32 to index
    %swap3A_379 = memref.load %arg20[%swap3A_377, %swap3A_378] : memref<27x4xi32, #tpu.memory_space<smem>>
    memref.store %swap3A_374, %arg20[%swap3A_377, %swap3A_378] : memref<27x4xi32, #tpu.memory_space<smem>>
    %swap3A_380 = arith.constant 399 : i32
    %swap3A_381 = arith.constant 15 : i32
    %swap3A_382 = arith.constant 3 : i32
    %swap3A_383 = arith.index_cast %swap3A_381 : i32 to index
    %swap3A_384 = arith.index_cast %swap3A_382 : i32 to index
    %swap3A_385 = memref.load %arg20[%swap3A_383, %swap3A_384] : memref<27x4xi32, #tpu.memory_space<smem>>
    memref.store %swap3A_380, %arg20[%swap3A_383, %swap3A_384] : memref<27x4xi32, #tpu.memory_space<smem>>
    %swap3A_386 = arith.constant 0 : i32
    %swap3A_387 = arith.constant 16 : i32
    %swap3A_388 = arith.constant 0 : i32
    %swap3A_389 = arith.index_cast %swap3A_387 : i32 to index
    %swap3A_390 = arith.index_cast %swap3A_388 : i32 to index
    %swap3A_391 = memref.load %arg20[%swap3A_389, %swap3A_390] : memref<27x4xi32, #tpu.memory_space<smem>>
    memref.store %swap3A_386, %arg20[%swap3A_389, %swap3A_390] : memref<27x4xi32, #tpu.memory_space<smem>>
    %swap3A_392 = arith.constant 1 : i32
    %swap3A_393 = arith.constant 16 : i32
    %swap3A_394 = arith.constant 1 : i32
    %swap3A_395 = arith.index_cast %swap3A_393 : i32 to index
    %swap3A_396 = arith.index_cast %swap3A_394 : i32 to index
    %swap3A_397 = memref.load %arg20[%swap3A_395, %swap3A_396] : memref<27x4xi32, #tpu.memory_space<smem>>
    memref.store %swap3A_392, %arg20[%swap3A_395, %swap3A_396] : memref<27x4xi32, #tpu.memory_space<smem>>
    %swap3A_398 = arith.constant 0 : i32
    %swap3A_399 = arith.constant 16 : i32
    %swap3A_400 = arith.constant 2 : i32
    %swap3A_401 = arith.index_cast %swap3A_399 : i32 to index
    %swap3A_402 = arith.index_cast %swap3A_400 : i32 to index
    %swap3A_403 = memref.load %arg20[%swap3A_401, %swap3A_402] : memref<27x4xi32, #tpu.memory_space<smem>>
    memref.store %swap3A_398, %arg20[%swap3A_401, %swap3A_402] : memref<27x4xi32, #tpu.memory_space<smem>>
    %swap3A_404 = arith.constant 400 : i32
    %swap3A_405 = arith.constant 16 : i32
    %swap3A_406 = arith.constant 3 : i32
    %swap3A_407 = arith.index_cast %swap3A_405 : i32 to index
    %swap3A_408 = arith.index_cast %swap3A_406 : i32 to index
    %swap3A_409 = memref.load %arg20[%swap3A_407, %swap3A_408] : memref<27x4xi32, #tpu.memory_space<smem>>
    memref.store %swap3A_404, %arg20[%swap3A_407, %swap3A_408] : memref<27x4xi32, #tpu.memory_space<smem>>
    %swap3A_410 = arith.constant 0 : i32
    %swap3A_411 = arith.constant 17 : i32
    %swap3A_412 = arith.constant 0 : i32
    %swap3A_413 = arith.index_cast %swap3A_411 : i32 to index
    %swap3A_414 = arith.index_cast %swap3A_412 : i32 to index
    %swap3A_415 = memref.load %arg20[%swap3A_413, %swap3A_414] : memref<27x4xi32, #tpu.memory_space<smem>>
    memref.store %swap3A_410, %arg20[%swap3A_413, %swap3A_414] : memref<27x4xi32, #tpu.memory_space<smem>>
    %swap3A_416 = arith.constant 1 : i32
    %swap3A_417 = arith.constant 17 : i32
    %swap3A_418 = arith.constant 1 : i32
    %swap3A_419 = arith.index_cast %swap3A_417 : i32 to index
    %swap3A_420 = arith.index_cast %swap3A_418 : i32 to index
    %swap3A_421 = memref.load %arg20[%swap3A_419, %swap3A_420] : memref<27x4xi32, #tpu.memory_space<smem>>
    memref.store %swap3A_416, %arg20[%swap3A_419, %swap3A_420] : memref<27x4xi32, #tpu.memory_space<smem>>
    %swap3A_422 = arith.constant 1 : i32
    %swap3A_423 = arith.constant 17 : i32
    %swap3A_424 = arith.constant 2 : i32
    %swap3A_425 = arith.index_cast %swap3A_423 : i32 to index
    %swap3A_426 = arith.index_cast %swap3A_424 : i32 to index
    %swap3A_427 = memref.load %arg20[%swap3A_425, %swap3A_426] : memref<27x4xi32, #tpu.memory_space<smem>>
    memref.store %swap3A_422, %arg20[%swap3A_425, %swap3A_426] : memref<27x4xi32, #tpu.memory_space<smem>>
    %swap3A_428 = arith.constant 401 : i32
    %swap3A_429 = arith.constant 17 : i32
    %swap3A_430 = arith.constant 3 : i32
    %swap3A_431 = arith.index_cast %swap3A_429 : i32 to index
    %swap3A_432 = arith.index_cast %swap3A_430 : i32 to index
    %swap3A_433 = memref.load %arg20[%swap3A_431, %swap3A_432] : memref<27x4xi32, #tpu.memory_space<smem>>
    memref.store %swap3A_428, %arg20[%swap3A_431, %swap3A_432] : memref<27x4xi32, #tpu.memory_space<smem>>
    %swap3A_434 = arith.constant 1 : i32
    %swap3A_435 = arith.constant 18 : i32
    %swap3A_436 = arith.constant 0 : i32
    %swap3A_437 = arith.index_cast %swap3A_435 : i32 to index
    %swap3A_438 = arith.index_cast %swap3A_436 : i32 to index
    %swap3A_439 = memref.load %arg20[%swap3A_437, %swap3A_438] : memref<27x4xi32, #tpu.memory_space<smem>>
    memref.store %swap3A_434, %arg20[%swap3A_437, %swap3A_438] : memref<27x4xi32, #tpu.memory_space<smem>>
    %swap3A_440 = arith.constant -1 : i32
    %swap3A_441 = arith.constant 18 : i32
    %swap3A_442 = arith.constant 1 : i32
    %swap3A_443 = arith.index_cast %swap3A_441 : i32 to index
    %swap3A_444 = arith.index_cast %swap3A_442 : i32 to index
    %swap3A_445 = memref.load %arg20[%swap3A_443, %swap3A_444] : memref<27x4xi32, #tpu.memory_space<smem>>
    memref.store %swap3A_440, %arg20[%swap3A_443, %swap3A_444] : memref<27x4xi32, #tpu.memory_space<smem>>
    %swap3A_446 = arith.constant -1 : i32
    %swap3A_447 = arith.constant 18 : i32
    %swap3A_448 = arith.constant 2 : i32
    %swap3A_449 = arith.index_cast %swap3A_447 : i32 to index
    %swap3A_450 = arith.index_cast %swap3A_448 : i32 to index
    %swap3A_451 = memref.load %arg20[%swap3A_449, %swap3A_450] : memref<27x4xi32, #tpu.memory_space<smem>>
    memref.store %swap3A_446, %arg20[%swap3A_449, %swap3A_450] : memref<27x4xi32, #tpu.memory_space<smem>>
    %swap3A_452 = arith.constant 159599 : i32
    %swap3A_453 = arith.constant 18 : i32
    %swap3A_454 = arith.constant 3 : i32
    %swap3A_455 = arith.index_cast %swap3A_453 : i32 to index
    %swap3A_456 = arith.index_cast %swap3A_454 : i32 to index
    %swap3A_457 = memref.load %arg20[%swap3A_455, %swap3A_456] : memref<27x4xi32, #tpu.memory_space<smem>>
    memref.store %swap3A_452, %arg20[%swap3A_455, %swap3A_456] : memref<27x4xi32, #tpu.memory_space<smem>>
    %swap3A_458 = arith.constant 1 : i32
    %swap3A_459 = arith.constant 19 : i32
    %swap3A_460 = arith.constant 0 : i32
    %swap3A_461 = arith.index_cast %swap3A_459 : i32 to index
    %swap3A_462 = arith.index_cast %swap3A_460 : i32 to index
    %swap3A_463 = memref.load %arg20[%swap3A_461, %swap3A_462] : memref<27x4xi32, #tpu.memory_space<smem>>
    memref.store %swap3A_458, %arg20[%swap3A_461, %swap3A_462] : memref<27x4xi32, #tpu.memory_space<smem>>
    %swap3A_464 = arith.constant -1 : i32
    %swap3A_465 = arith.constant 19 : i32
    %swap3A_466 = arith.constant 1 : i32
    %swap3A_467 = arith.index_cast %swap3A_465 : i32 to index
    %swap3A_468 = arith.index_cast %swap3A_466 : i32 to index
    %swap3A_469 = memref.load %arg20[%swap3A_467, %swap3A_468] : memref<27x4xi32, #tpu.memory_space<smem>>
    memref.store %swap3A_464, %arg20[%swap3A_467, %swap3A_468] : memref<27x4xi32, #tpu.memory_space<smem>>
    %swap3A_470 = arith.constant 0 : i32
    %swap3A_471 = arith.constant 19 : i32
    %swap3A_472 = arith.constant 2 : i32
    %swap3A_473 = arith.index_cast %swap3A_471 : i32 to index
    %swap3A_474 = arith.index_cast %swap3A_472 : i32 to index
    %swap3A_475 = memref.load %arg20[%swap3A_473, %swap3A_474] : memref<27x4xi32, #tpu.memory_space<smem>>
    memref.store %swap3A_470, %arg20[%swap3A_473, %swap3A_474] : memref<27x4xi32, #tpu.memory_space<smem>>
    %swap3A_476 = arith.constant 159600 : i32
    %swap3A_477 = arith.constant 19 : i32
    %swap3A_478 = arith.constant 3 : i32
    %swap3A_479 = arith.index_cast %swap3A_477 : i32 to index
    %swap3A_480 = arith.index_cast %swap3A_478 : i32 to index
    %swap3A_481 = memref.load %arg20[%swap3A_479, %swap3A_480] : memref<27x4xi32, #tpu.memory_space<smem>>
    memref.store %swap3A_476, %arg20[%swap3A_479, %swap3A_480] : memref<27x4xi32, #tpu.memory_space<smem>>
    %swap3A_482 = arith.constant 1 : i32
    %swap3A_483 = arith.constant 20 : i32
    %swap3A_484 = arith.constant 0 : i32
    %swap3A_485 = arith.index_cast %swap3A_483 : i32 to index
    %swap3A_486 = arith.index_cast %swap3A_484 : i32 to index
    %swap3A_487 = memref.load %arg20[%swap3A_485, %swap3A_486] : memref<27x4xi32, #tpu.memory_space<smem>>
    memref.store %swap3A_482, %arg20[%swap3A_485, %swap3A_486] : memref<27x4xi32, #tpu.memory_space<smem>>
    %swap3A_488 = arith.constant -1 : i32
    %swap3A_489 = arith.constant 20 : i32
    %swap3A_490 = arith.constant 1 : i32
    %swap3A_491 = arith.index_cast %swap3A_489 : i32 to index
    %swap3A_492 = arith.index_cast %swap3A_490 : i32 to index
    %swap3A_493 = memref.load %arg20[%swap3A_491, %swap3A_492] : memref<27x4xi32, #tpu.memory_space<smem>>
    memref.store %swap3A_488, %arg20[%swap3A_491, %swap3A_492] : memref<27x4xi32, #tpu.memory_space<smem>>
    %swap3A_494 = arith.constant 1 : i32
    %swap3A_495 = arith.constant 20 : i32
    %swap3A_496 = arith.constant 2 : i32
    %swap3A_497 = arith.index_cast %swap3A_495 : i32 to index
    %swap3A_498 = arith.index_cast %swap3A_496 : i32 to index
    %swap3A_499 = memref.load %arg20[%swap3A_497, %swap3A_498] : memref<27x4xi32, #tpu.memory_space<smem>>
    memref.store %swap3A_494, %arg20[%swap3A_497, %swap3A_498] : memref<27x4xi32, #tpu.memory_space<smem>>
    %swap3A_500 = arith.constant 159601 : i32
    %swap3A_501 = arith.constant 20 : i32
    %swap3A_502 = arith.constant 3 : i32
    %swap3A_503 = arith.index_cast %swap3A_501 : i32 to index
    %swap3A_504 = arith.index_cast %swap3A_502 : i32 to index
    %swap3A_505 = memref.load %arg20[%swap3A_503, %swap3A_504] : memref<27x4xi32, #tpu.memory_space<smem>>
    memref.store %swap3A_500, %arg20[%swap3A_503, %swap3A_504] : memref<27x4xi32, #tpu.memory_space<smem>>
    %swap3A_506 = arith.constant 1 : i32
    %swap3A_507 = arith.constant 21 : i32
    %swap3A_508 = arith.constant 0 : i32
    %swap3A_509 = arith.index_cast %swap3A_507 : i32 to index
    %swap3A_510 = arith.index_cast %swap3A_508 : i32 to index
    %swap3A_511 = memref.load %arg20[%swap3A_509, %swap3A_510] : memref<27x4xi32, #tpu.memory_space<smem>>
    memref.store %swap3A_506, %arg20[%swap3A_509, %swap3A_510] : memref<27x4xi32, #tpu.memory_space<smem>>
    %swap3A_512 = arith.constant 0 : i32
    %swap3A_513 = arith.constant 21 : i32
    %swap3A_514 = arith.constant 1 : i32
    %swap3A_515 = arith.index_cast %swap3A_513 : i32 to index
    %swap3A_516 = arith.index_cast %swap3A_514 : i32 to index
    %swap3A_517 = memref.load %arg20[%swap3A_515, %swap3A_516] : memref<27x4xi32, #tpu.memory_space<smem>>
    memref.store %swap3A_512, %arg20[%swap3A_515, %swap3A_516] : memref<27x4xi32, #tpu.memory_space<smem>>
    %swap3A_518 = arith.constant -1 : i32
    %swap3A_519 = arith.constant 21 : i32
    %swap3A_520 = arith.constant 2 : i32
    %swap3A_521 = arith.index_cast %swap3A_519 : i32 to index
    %swap3A_522 = arith.index_cast %swap3A_520 : i32 to index
    %swap3A_523 = memref.load %arg20[%swap3A_521, %swap3A_522] : memref<27x4xi32, #tpu.memory_space<smem>>
    memref.store %swap3A_518, %arg20[%swap3A_521, %swap3A_522] : memref<27x4xi32, #tpu.memory_space<smem>>
    %swap3A_524 = arith.constant 159999 : i32
    %swap3A_525 = arith.constant 21 : i32
    %swap3A_526 = arith.constant 3 : i32
    %swap3A_527 = arith.index_cast %swap3A_525 : i32 to index
    %swap3A_528 = arith.index_cast %swap3A_526 : i32 to index
    %swap3A_529 = memref.load %arg20[%swap3A_527, %swap3A_528] : memref<27x4xi32, #tpu.memory_space<smem>>
    memref.store %swap3A_524, %arg20[%swap3A_527, %swap3A_528] : memref<27x4xi32, #tpu.memory_space<smem>>
    %swap3A_530 = arith.constant 1 : i32
    %swap3A_531 = arith.constant 22 : i32
    %swap3A_532 = arith.constant 0 : i32
    %swap3A_533 = arith.index_cast %swap3A_531 : i32 to index
    %swap3A_534 = arith.index_cast %swap3A_532 : i32 to index
    %swap3A_535 = memref.load %arg20[%swap3A_533, %swap3A_534] : memref<27x4xi32, #tpu.memory_space<smem>>
    memref.store %swap3A_530, %arg20[%swap3A_533, %swap3A_534] : memref<27x4xi32, #tpu.memory_space<smem>>
    %swap3A_536 = arith.constant 0 : i32
    %swap3A_537 = arith.constant 22 : i32
    %swap3A_538 = arith.constant 1 : i32
    %swap3A_539 = arith.index_cast %swap3A_537 : i32 to index
    %swap3A_540 = arith.index_cast %swap3A_538 : i32 to index
    %swap3A_541 = memref.load %arg20[%swap3A_539, %swap3A_540] : memref<27x4xi32, #tpu.memory_space<smem>>
    memref.store %swap3A_536, %arg20[%swap3A_539, %swap3A_540] : memref<27x4xi32, #tpu.memory_space<smem>>
    %swap3A_542 = arith.constant 0 : i32
    %swap3A_543 = arith.constant 22 : i32
    %swap3A_544 = arith.constant 2 : i32
    %swap3A_545 = arith.index_cast %swap3A_543 : i32 to index
    %swap3A_546 = arith.index_cast %swap3A_544 : i32 to index
    %swap3A_547 = memref.load %arg20[%swap3A_545, %swap3A_546] : memref<27x4xi32, #tpu.memory_space<smem>>
    memref.store %swap3A_542, %arg20[%swap3A_545, %swap3A_546] : memref<27x4xi32, #tpu.memory_space<smem>>
    %swap3A_548 = arith.constant 160000 : i32
    %swap3A_549 = arith.constant 22 : i32
    %swap3A_550 = arith.constant 3 : i32
    %swap3A_551 = arith.index_cast %swap3A_549 : i32 to index
    %swap3A_552 = arith.index_cast %swap3A_550 : i32 to index
    %swap3A_553 = memref.load %arg20[%swap3A_551, %swap3A_552] : memref<27x4xi32, #tpu.memory_space<smem>>
    memref.store %swap3A_548, %arg20[%swap3A_551, %swap3A_552] : memref<27x4xi32, #tpu.memory_space<smem>>
    %swap3A_554 = arith.constant 1 : i32
    %swap3A_555 = arith.constant 23 : i32
    %swap3A_556 = arith.constant 0 : i32
    %swap3A_557 = arith.index_cast %swap3A_555 : i32 to index
    %swap3A_558 = arith.index_cast %swap3A_556 : i32 to index
    %swap3A_559 = memref.load %arg20[%swap3A_557, %swap3A_558] : memref<27x4xi32, #tpu.memory_space<smem>>
    memref.store %swap3A_554, %arg20[%swap3A_557, %swap3A_558] : memref<27x4xi32, #tpu.memory_space<smem>>
    %swap3A_560 = arith.constant 0 : i32
    %swap3A_561 = arith.constant 23 : i32
    %swap3A_562 = arith.constant 1 : i32
    %swap3A_563 = arith.index_cast %swap3A_561 : i32 to index
    %swap3A_564 = arith.index_cast %swap3A_562 : i32 to index
    %swap3A_565 = memref.load %arg20[%swap3A_563, %swap3A_564] : memref<27x4xi32, #tpu.memory_space<smem>>
    memref.store %swap3A_560, %arg20[%swap3A_563, %swap3A_564] : memref<27x4xi32, #tpu.memory_space<smem>>
    %swap3A_566 = arith.constant 1 : i32
    %swap3A_567 = arith.constant 23 : i32
    %swap3A_568 = arith.constant 2 : i32
    %swap3A_569 = arith.index_cast %swap3A_567 : i32 to index
    %swap3A_570 = arith.index_cast %swap3A_568 : i32 to index
    %swap3A_571 = memref.load %arg20[%swap3A_569, %swap3A_570] : memref<27x4xi32, #tpu.memory_space<smem>>
    memref.store %swap3A_566, %arg20[%swap3A_569, %swap3A_570] : memref<27x4xi32, #tpu.memory_space<smem>>
    %swap3A_572 = arith.constant 160001 : i32
    %swap3A_573 = arith.constant 23 : i32
    %swap3A_574 = arith.constant 3 : i32
    %swap3A_575 = arith.index_cast %swap3A_573 : i32 to index
    %swap3A_576 = arith.index_cast %swap3A_574 : i32 to index
    %swap3A_577 = memref.load %arg20[%swap3A_575, %swap3A_576] : memref<27x4xi32, #tpu.memory_space<smem>>
    memref.store %swap3A_572, %arg20[%swap3A_575, %swap3A_576] : memref<27x4xi32, #tpu.memory_space<smem>>
    %swap3A_578 = arith.constant 1 : i32
    %swap3A_579 = arith.constant 24 : i32
    %swap3A_580 = arith.constant 0 : i32
    %swap3A_581 = arith.index_cast %swap3A_579 : i32 to index
    %swap3A_582 = arith.index_cast %swap3A_580 : i32 to index
    %swap3A_583 = memref.load %arg20[%swap3A_581, %swap3A_582] : memref<27x4xi32, #tpu.memory_space<smem>>
    memref.store %swap3A_578, %arg20[%swap3A_581, %swap3A_582] : memref<27x4xi32, #tpu.memory_space<smem>>
    %swap3A_584 = arith.constant 1 : i32
    %swap3A_585 = arith.constant 24 : i32
    %swap3A_586 = arith.constant 1 : i32
    %swap3A_587 = arith.index_cast %swap3A_585 : i32 to index
    %swap3A_588 = arith.index_cast %swap3A_586 : i32 to index
    %swap3A_589 = memref.load %arg20[%swap3A_587, %swap3A_588] : memref<27x4xi32, #tpu.memory_space<smem>>
    memref.store %swap3A_584, %arg20[%swap3A_587, %swap3A_588] : memref<27x4xi32, #tpu.memory_space<smem>>
    %swap3A_590 = arith.constant -1 : i32
    %swap3A_591 = arith.constant 24 : i32
    %swap3A_592 = arith.constant 2 : i32
    %swap3A_593 = arith.index_cast %swap3A_591 : i32 to index
    %swap3A_594 = arith.index_cast %swap3A_592 : i32 to index
    %swap3A_595 = memref.load %arg20[%swap3A_593, %swap3A_594] : memref<27x4xi32, #tpu.memory_space<smem>>
    memref.store %swap3A_590, %arg20[%swap3A_593, %swap3A_594] : memref<27x4xi32, #tpu.memory_space<smem>>
    %swap3A_596 = arith.constant 160399 : i32
    %swap3A_597 = arith.constant 24 : i32
    %swap3A_598 = arith.constant 3 : i32
    %swap3A_599 = arith.index_cast %swap3A_597 : i32 to index
    %swap3A_600 = arith.index_cast %swap3A_598 : i32 to index
    %swap3A_601 = memref.load %arg20[%swap3A_599, %swap3A_600] : memref<27x4xi32, #tpu.memory_space<smem>>
    memref.store %swap3A_596, %arg20[%swap3A_599, %swap3A_600] : memref<27x4xi32, #tpu.memory_space<smem>>
    %swap3A_602 = arith.constant 1 : i32
    %swap3A_603 = arith.constant 25 : i32
    %swap3A_604 = arith.constant 0 : i32
    %swap3A_605 = arith.index_cast %swap3A_603 : i32 to index
    %swap3A_606 = arith.index_cast %swap3A_604 : i32 to index
    %swap3A_607 = memref.load %arg20[%swap3A_605, %swap3A_606] : memref<27x4xi32, #tpu.memory_space<smem>>
    memref.store %swap3A_602, %arg20[%swap3A_605, %swap3A_606] : memref<27x4xi32, #tpu.memory_space<smem>>
    %swap3A_608 = arith.constant 1 : i32
    %swap3A_609 = arith.constant 25 : i32
    %swap3A_610 = arith.constant 1 : i32
    %swap3A_611 = arith.index_cast %swap3A_609 : i32 to index
    %swap3A_612 = arith.index_cast %swap3A_610 : i32 to index
    %swap3A_613 = memref.load %arg20[%swap3A_611, %swap3A_612] : memref<27x4xi32, #tpu.memory_space<smem>>
    memref.store %swap3A_608, %arg20[%swap3A_611, %swap3A_612] : memref<27x4xi32, #tpu.memory_space<smem>>
    %swap3A_614 = arith.constant 0 : i32
    %swap3A_615 = arith.constant 25 : i32
    %swap3A_616 = arith.constant 2 : i32
    %swap3A_617 = arith.index_cast %swap3A_615 : i32 to index
    %swap3A_618 = arith.index_cast %swap3A_616 : i32 to index
    %swap3A_619 = memref.load %arg20[%swap3A_617, %swap3A_618] : memref<27x4xi32, #tpu.memory_space<smem>>
    memref.store %swap3A_614, %arg20[%swap3A_617, %swap3A_618] : memref<27x4xi32, #tpu.memory_space<smem>>
    %swap3A_620 = arith.constant 160400 : i32
    %swap3A_621 = arith.constant 25 : i32
    %swap3A_622 = arith.constant 3 : i32
    %swap3A_623 = arith.index_cast %swap3A_621 : i32 to index
    %swap3A_624 = arith.index_cast %swap3A_622 : i32 to index
    %swap3A_625 = memref.load %arg20[%swap3A_623, %swap3A_624] : memref<27x4xi32, #tpu.memory_space<smem>>
    memref.store %swap3A_620, %arg20[%swap3A_623, %swap3A_624] : memref<27x4xi32, #tpu.memory_space<smem>>
    %swap3A_626 = arith.constant 1 : i32
    %swap3A_627 = arith.constant 26 : i32
    %swap3A_628 = arith.constant 0 : i32
    %swap3A_629 = arith.index_cast %swap3A_627 : i32 to index
    %swap3A_630 = arith.index_cast %swap3A_628 : i32 to index
    %swap3A_631 = memref.load %arg20[%swap3A_629, %swap3A_630] : memref<27x4xi32, #tpu.memory_space<smem>>
    memref.store %swap3A_626, %arg20[%swap3A_629, %swap3A_630] : memref<27x4xi32, #tpu.memory_space<smem>>
    %swap3A_632 = arith.constant 1 : i32
    %swap3A_633 = arith.constant 26 : i32
    %swap3A_634 = arith.constant 1 : i32
    %swap3A_635 = arith.index_cast %swap3A_633 : i32 to index
    %swap3A_636 = arith.index_cast %swap3A_634 : i32 to index
    %swap3A_637 = memref.load %arg20[%swap3A_635, %swap3A_636] : memref<27x4xi32, #tpu.memory_space<smem>>
    memref.store %swap3A_632, %arg20[%swap3A_635, %swap3A_636] : memref<27x4xi32, #tpu.memory_space<smem>>
    %swap3A_638 = arith.constant 1 : i32
    %swap3A_639 = arith.constant 26 : i32
    %swap3A_640 = arith.constant 2 : i32
    %swap3A_641 = arith.index_cast %swap3A_639 : i32 to index
    %swap3A_642 = arith.index_cast %swap3A_640 : i32 to index
    %swap3A_643 = memref.load %arg20[%swap3A_641, %swap3A_642] : memref<27x4xi32, #tpu.memory_space<smem>>
    memref.store %swap3A_638, %arg20[%swap3A_641, %swap3A_642] : memref<27x4xi32, #tpu.memory_space<smem>>
    %swap3A_644 = arith.constant 160401 : i32
    %swap3A_645 = arith.constant 26 : i32
    %swap3A_646 = arith.constant 3 : i32
    %swap3A_647 = arith.index_cast %swap3A_645 : i32 to index
    %swap3A_648 = arith.index_cast %swap3A_646 : i32 to index
    %swap3A_649 = memref.load %arg20[%swap3A_647, %swap3A_648] : memref<27x4xi32, #tpu.memory_space<smem>>
    memref.store %swap3A_644, %arg20[%swap3A_647, %swap3A_648] : memref<27x4xi32, #tpu.memory_space<smem>>
    %get3A = arith.constant 0 : index
    %get3A_650 = tpu.vector_load %arg19[%get3A] {strides = array<i32>} : memref<16xf32, #tpu.memory_space<vmem>>, vector<16xf32>,
    %get3A_651 = vector.shape_cast %get3A_650 : vector<16xf32> to vector<16xf32>
    %scan3A = arith.constant 0 : i32
    %scan3A_652 = arith.constant 200 : i32
    %scan3A_653 = arith.addi %scan3A, %scan3A_652 : i32
    %scan3A_654 = arith.constant 4 : i32
    scf.for %scan3A_685 = %scan3A to %scan3A_653 step %scan3A_654  : i32 {
      %mul3A_686 = arith.constant 16 : i32
      %mul3A_687 = arith.muli %scan3A_685, %mul3A_686 : i32
      %get3A_688 = arith.index_cast %mul3A_687 : i32 to index
      %get3A_689 = tpu.vector_load %arg9[%get3A_688] {strides = array<i32>} : memref<3200xi32, #tpu.memory_space<vmem>>, vector<16xi32>,
      %get3A_690 = vector.shape_cast %get3A_689 : vector<16xi32> to vector<16xi32>
      %mul3A_691 = arith.constant 160000 : i32
      %mul3A_692 = vector.broadcast %mul3A_691 : i32 to vector<16xi32>
      %mul3A_693 = arith.muli %get3A_690, %mul3A_692 : vector<16xi32>
      %get3A_694 = arith.index_cast %mul3A_687 : i32 to index
      %get3A_695 = tpu.vector_load %arg10[%get3A_694] {strides = array<i32>} : memref<3200xi32, #tpu.memory_space<vmem>>, vector<16xi32>,
      %get3A_696 = vector.shape_cast %get3A_695 : vector<16xi32> to vector<16xi32>
      %mul3A_697 = arith.constant 400 : i32
      %mul3A_698 = vector.broadcast %mul3A_697 : i32 to vector<16xi32>
      %mul3A_699 = arith.muli %get3A_696, %mul3A_698 : vector<16xi32>
      %add3A_700 = arith.addi %mul3A_693, %mul3A_699 : vector<16xi32>
      %get3A_701 = arith.index_cast %mul3A_687 : i32 to index
      %get3A_702 = tpu.vector_load %arg11[%get3A_701] {strides = array<i32>} : memref<3200xi32, #tpu.memory_space<vmem>>, vector<16xi32>,
      %get3A_703 = vector.shape_cast %get3A_702 : vector<16xi32> to vector<16xi32>
      %add3A_704 = arith.addi %add3A_700, %get3A_703 : vector<16xi32>
      %swap3A_705 = arith.index_cast %mul3A_687 : i32 to index
      %swap3A_706 = tpu.vector_load %arg12[%swap3A_705] {strides = array<i32>} : memref<3200xi32, #tpu.memory_space<vmem>>, vector<16xi32>,
      %swap3A_707 = vector.shape_cast %swap3A_706 : vector<16xi32> to vector<16xi32>
      %swap3A_708 = vector.shape_cast %add3A_704 : vector<16xi32> to vector<16xi32>
      tpu.vector_store %arg12[%swap3A_705], %swap3A_708 {strides = array<i32>} : memref<3200xi32, #tpu.memory_space<vmem>>, vector<16xi32>,
      %scan3A_709 = arith.constant 1 : i32
      %scan3A_710 = arith.addi %scan3A_685, %scan3A_709 : i32
      %mul3A_711 = arith.constant 16 : i32
      %mul3A_712 = arith.muli %scan3A_710, %mul3A_711 : i32
      %get3A_713 = arith.index_cast %mul3A_712 : i32 to index
      %get3A_714 = tpu.vector_load %arg9[%get3A_713] {strides = array<i32>} : memref<3200xi32, #tpu.memory_space<vmem>>, vector<16xi32>,
      %get3A_715 = vector.shape_cast %get3A_714 : vector<16xi32> to vector<16xi32>
      %mul3A_716 = arith.constant 160000 : i32
      %mul3A_717 = vector.broadcast %mul3A_716 : i32 to vector<16xi32>
      %mul3A_718 = arith.muli %get3A_715, %mul3A_717 : vector<16xi32>
      %get3A_719 = arith.index_cast %mul3A_712 : i32 to index
      %get3A_720 = tpu.vector_load %arg10[%get3A_719] {strides = array<i32>} : memref<3200xi32, #tpu.memory_space<vmem>>, vector<16xi32>,
      %get3A_721 = vector.shape_cast %get3A_720 : vector<16xi32> to vector<16xi32>
      %mul3A_722 = arith.constant 400 : i32
      %mul3A_723 = vector.broadcast %mul3A_722 : i32 to vector<16xi32>
      %mul3A_724 = arith.muli %get3A_721, %mul3A_723 : vector<16xi32>
      %add3A_725 = arith.addi %mul3A_718, %mul3A_724 : vector<16xi32>
      %get3A_726 = arith.index_cast %mul3A_712 : i32 to index
      %get3A_727 = tpu.vector_load %arg11[%get3A_726] {strides = array<i32>} : memref<3200xi32, #tpu.memory_space<vmem>>, vector<16xi32>,
      %get3A_728 = vector.shape_cast %get3A_727 : vector<16xi32> to vector<16xi32>
      %add3A_729 = arith.addi %add3A_725, %get3A_728 : vector<16xi32>
      %swap3A_730 = arith.index_cast %mul3A_712 : i32 to index
      %swap3A_731 = tpu.vector_load %arg12[%swap3A_730] {strides = array<i32>} : memref<3200xi32, #tpu.memory_space<vmem>>, vector<16xi32>,
      %swap3A_732 = vector.shape_cast %swap3A_731 : vector<16xi32> to vector<16xi32>
      %swap3A_733 = vector.shape_cast %add3A_729 : vector<16xi32> to vector<16xi32>
      tpu.vector_store %arg12[%swap3A_730], %swap3A_733 {strides = array<i32>} : memref<3200xi32, #tpu.memory_space<vmem>>, vector<16xi32>,
      %scan3A_734 = arith.constant 2 : i32
      %scan3A_735 = arith.addi %scan3A_685, %scan3A_734 : i32
      %mul3A_736 = arith.constant 16 : i32
      %mul3A_737 = arith.muli %scan3A_735, %mul3A_736 : i32
      %get3A_738 = arith.index_cast %mul3A_737 : i32 to index
      %get3A_739 = tpu.vector_load %arg9[%get3A_738] {strides = array<i32>} : memref<3200xi32, #tpu.memory_space<vmem>>, vector<16xi32>,
      %get3A_740 = vector.shape_cast %get3A_739 : vector<16xi32> to vector<16xi32>
      %mul3A_741 = arith.constant 160000 : i32
      %mul3A_742 = vector.broadcast %mul3A_741 : i32 to vector<16xi32>
      %mul3A_743 = arith.muli %get3A_740, %mul3A_742 : vector<16xi32>
      %get3A_744 = arith.index_cast %mul3A_737 : i32 to index
      %get3A_745 = tpu.vector_load %arg10[%get3A_744] {strides = array<i32>} : memref<3200xi32, #tpu.memory_space<vmem>>, vector<16xi32>,
      %get3A_746 = vector.shape_cast %get3A_745 : vector<16xi32> to vector<16xi32>
      %mul3A_747 = arith.constant 400 : i32
      %mul3A_748 = vector.broadcast %mul3A_747 : i32 to vector<16xi32>
      %mul3A_749 = arith.muli %get3A_746, %mul3A_748 : vector<16xi32>
      %add3A_750 = arith.addi %mul3A_743, %mul3A_749 : vector<16xi32>
      %get3A_751 = arith.index_cast %mul3A_737 : i32 to index
      %get3A_752 = tpu.vector_load %arg11[%get3A_751] {strides = array<i32>} : memref<3200xi32, #tpu.memory_space<vmem>>, vector<16xi32>,
      %get3A_753 = vector.shape_cast %get3A_752 : vector<16xi32> to vector<16xi32>
      %add3A_754 = arith.addi %add3A_750, %get3A_753 : vector<16xi32>
      %swap3A_755 = arith.index_cast %mul3A_737 : i32 to index
      %swap3A_756 = tpu.vector_load %arg12[%swap3A_755] {strides = array<i32>} : memref<3200xi32, #tpu.memory_space<vmem>>, vector<16xi32>,
      %swap3A_757 = vector.shape_cast %swap3A_756 : vector<16xi32> to vector<16xi32>
      %swap3A_758 = vector.shape_cast %add3A_754 : vector<16xi32> to vector<16xi32>
      tpu.vector_store %arg12[%swap3A_755], %swap3A_758 {strides = array<i32>} : memref<3200xi32, #tpu.memory_space<vmem>>, vector<16xi32>,
      %scan3A_759 = arith.constant 3 : i32
      %scan3A_760 = arith.addi %scan3A_685, %scan3A_759 : i32
      %mul3A_761 = arith.constant 16 : i32
      %mul3A_762 = arith.muli %scan3A_760, %mul3A_761 : i32
      %get3A_763 = arith.index_cast %mul3A_762 : i32 to index
      %get3A_764 = tpu.vector_load %arg9[%get3A_763] {strides = array<i32>} : memref<3200xi32, #tpu.memory_space<vmem>>, vector<16xi32>,
      %get3A_765 = vector.shape_cast %get3A_764 : vector<16xi32> to vector<16xi32>
      %mul3A_766 = arith.constant 160000 : i32
      %mul3A_767 = vector.broadcast %mul3A_766 : i32 to vector<16xi32>
      %mul3A_768 = arith.muli %get3A_765, %mul3A_767 : vector<16xi32>
      %get3A_769 = arith.index_cast %mul3A_762 : i32 to index
      %get3A_770 = tpu.vector_load %arg10[%get3A_769] {strides = array<i32>} : memref<3200xi32, #tpu.memory_space<vmem>>, vector<16xi32>,
      %get3A_771 = vector.shape_cast %get3A_770 : vector<16xi32> to vector<16xi32>
      %mul3A_772 = arith.constant 400 : i32
      %mul3A_773 = vector.broadcast %mul3A_772 : i32 to vector<16xi32>
      %mul3A_774 = arith.muli %get3A_771, %mul3A_773 : vector<16xi32>
      %add3A_775 = arith.addi %mul3A_768, %mul3A_774 : vector<16xi32>
      %get3A_776 = arith.index_cast %mul3A_762 : i32 to index
      %get3A_777 = tpu.vector_load %arg11[%get3A_776] {strides = array<i32>} : memref<3200xi32, #tpu.memory_space<vmem>>, vector<16xi32>,
      %get3A_778 = vector.shape_cast %get3A_777 : vector<16xi32> to vector<16xi32>
      %add3A_779 = arith.addi %add3A_775, %get3A_778 : vector<16xi32>
      %swap3A_780 = arith.index_cast %mul3A_762 : i32 to index
      %swap3A_781 = tpu.vector_load %arg12[%swap3A_780] {strides = array<i32>} : memref<3200xi32, #tpu.memory_space<vmem>>, vector<16xi32>,
      %swap3A_782 = vector.shape_cast %swap3A_781 : vector<16xi32> to vector<16xi32>
      %swap3A_783 = vector.shape_cast %add3A_779 : vector<16xi32> to vector<16xi32>
      tpu.vector_store %arg12[%swap3A_780], %swap3A_783 {strides = array<i32>} : memref<3200xi32, #tpu.memory_space<vmem>>, vector<16xi32>,
    }
    %scan3A_655 = arith.constant 200 : i32
    %iota3A = tpu.iota {dimensions = array<i32: 0>} : vector<16xi32>
    %broadcast_in_dim3A = arith.constant 0 : i32
    %broadcast_in_dim3A_656 = vector.broadcast %broadcast_in_dim3A : i32 to vector<16xi32>
    %scan3A_657 = arith.constant 0 : i32
    %scan3A_658 = arith.constant 3200 : i32
    %scan3A_659 = arith.addi %scan3A_657, %scan3A_658 : i32
    %scan3A_660 = arith.constant 8 : i32
    scf.for %scan3A_685 = %scan3A_657 to %scan3A_659 step %scan3A_660  : i32 {
      %mul3A_686 = arith.constant 16 : i32
      %mul3A_687 = arith.muli %scan3A_685, %mul3A_686 : i32
      %swap3A_688 = arith.index_cast %mul3A_687 : i32 to index
      %swap3A_689 = tpu.vector_load %arg17[%swap3A_688] {strides = array<i32>} : memref<51216xf32, #tpu.memory_space<vmem>>, vector<16xf32>,
      %swap3A_690 = vector.shape_cast %swap3A_689 : vector<16xf32> to vector<16xf32>
      %swap3A_691 = vector.shape_cast %get3A_651 : vector<16xf32> to vector<16xf32>
      tpu.vector_store %arg17[%swap3A_688], %swap3A_691 {strides = array<i32>} : memref<51216xf32, #tpu.memory_space<vmem>>, vector<16xf32>,
      %scan3A_692 = arith.constant 1 : i32
      %scan3A_693 = arith.addi %scan3A_685, %scan3A_692 : i32
      %mul3A_694 = arith.constant 16 : i32
      %mul3A_695 = arith.muli %scan3A_693, %mul3A_694 : i32
      %swap3A_696 = arith.index_cast %mul3A_695 : i32 to index
      %swap3A_697 = tpu.vector_load %arg17[%swap3A_696] {strides = array<i32>} : memref<51216xf32, #tpu.memory_space<vmem>>, vector<16xf32>,
      %swap3A_698 = vector.shape_cast %swap3A_697 : vector<16xf32> to vector<16xf32>
      %swap3A_699 = vector.shape_cast %get3A_651 : vector<16xf32> to vector<16xf32>
      tpu.vector_store %arg17[%swap3A_696], %swap3A_699 {strides = array<i32>} : memref<51216xf32, #tpu.memory_space<vmem>>, vector<16xf32>,
      %scan3A_700 = arith.constant 2 : i32
      %scan3A_701 = arith.addi %scan3A_685, %scan3A_700 : i32
      %mul3A_702 = arith.constant 16 : i32
      %mul3A_703 = arith.muli %scan3A_701, %mul3A_702 : i32
      %swap3A_704 = arith.index_cast %mul3A_703 : i32 to index
      %swap3A_705 = tpu.vector_load %arg17[%swap3A_704] {strides = array<i32>} : memref<51216xf32, #tpu.memory_space<vmem>>, vector<16xf32>,
      %swap3A_706 = vector.shape_cast %swap3A_705 : vector<16xf32> to vector<16xf32>
      %swap3A_707 = vector.shape_cast %get3A_651 : vector<16xf32> to vector<16xf32>
      tpu.vector_store %arg17[%swap3A_704], %swap3A_707 {strides = array<i32>} : memref<51216xf32, #tpu.memory_space<vmem>>, vector<16xf32>,
      %scan3A_708 = arith.constant 3 : i32
      %scan3A_709 = arith.addi %scan3A_685, %scan3A_708 : i32
      %mul3A_710 = arith.constant 16 : i32
      %mul3A_711 = arith.muli %scan3A_709, %mul3A_710 : i32
      %swap3A_712 = arith.index_cast %mul3A_711 : i32 to index
      %swap3A_713 = tpu.vector_load %arg17[%swap3A_712] {strides = array<i32>} : memref<51216xf32, #tpu.memory_space<vmem>>, vector<16xf32>,
      %swap3A_714 = vector.shape_cast %swap3A_713 : vector<16xf32> to vector<16xf32>
      %swap3A_715 = vector.shape_cast %get3A_651 : vector<16xf32> to vector<16xf32>
      tpu.vector_store %arg17[%swap3A_712], %swap3A_715 {strides = array<i32>} : memref<51216xf32, #tpu.memory_space<vmem>>, vector<16xf32>,
      %scan3A_716 = arith.constant 4 : i32
      %scan3A_717 = arith.addi %scan3A_685, %scan3A_716 : i32
      %mul3A_718 = arith.constant 16 : i32
      %mul3A_719 = arith.muli %scan3A_717, %mul3A_718 : i32
      %swap3A_720 = arith.index_cast %mul3A_719 : i32 to index
      %swap3A_721 = tpu.vector_load %arg17[%swap3A_720] {strides = array<i32>} : memref<51216xf32, #tpu.memory_space<vmem>>, vector<16xf32>,
      %swap3A_722 = vector.shape_cast %swap3A_721 : vector<16xf32> to vector<16xf32>
      %swap3A_723 = vector.shape_cast %get3A_651 : vector<16xf32> to vector<16xf32>
      tpu.vector_store %arg17[%swap3A_720], %swap3A_723 {strides = array<i32>} : memref<51216xf32, #tpu.memory_space<vmem>>, vector<16xf32>,
      %scan3A_724 = arith.constant 5 : i32
      %scan3A_725 = arith.addi %scan3A_685, %scan3A_724 : i32
      %mul3A_726 = arith.constant 16 : i32
      %mul3A_727 = arith.muli %scan3A_725, %mul3A_726 : i32
      %swap3A_728 = arith.index_cast %mul3A_727 : i32 to index
      %swap3A_729 = tpu.vector_load %arg17[%swap3A_728] {strides = array<i32>} : memref<51216xf32, #tpu.memory_space<vmem>>, vector<16xf32>,
      %swap3A_730 = vector.shape_cast %swap3A_729 : vector<16xf32> to vector<16xf32>
      %swap3A_731 = vector.shape_cast %get3A_651 : vector<16xf32> to vector<16xf32>
      tpu.vector_store %arg17[%swap3A_728], %swap3A_731 {strides = array<i32>} : memref<51216xf32, #tpu.memory_space<vmem>>, vector<16xf32>,
      %scan3A_732 = arith.constant 6 : i32
      %scan3A_733 = arith.addi %scan3A_685, %scan3A_732 : i32
      %mul3A_734 = arith.constant 16 : i32
      %mul3A_735 = arith.muli %scan3A_733, %mul3A_734 : i32
      %swap3A_736 = arith.index_cast %mul3A_735 : i32 to index
      %swap3A_737 = tpu.vector_load %arg17[%swap3A_736] {strides = array<i32>} : memref<51216xf32, #tpu.memory_space<vmem>>, vector<16xf32>,
      %swap3A_738 = vector.shape_cast %swap3A_737 : vector<16xf32> to vector<16xf32>
      %swap3A_739 = vector.shape_cast %get3A_651 : vector<16xf32> to vector<16xf32>
      tpu.vector_store %arg17[%swap3A_736], %swap3A_739 {strides = array<i32>} : memref<51216xf32, #tpu.memory_space<vmem>>, vector<16xf32>,
      %scan3A_740 = arith.constant 7 : i32
      %scan3A_741 = arith.addi %scan3A_685, %scan3A_740 : i32
      %mul3A_742 = arith.constant 16 : i32
      %mul3A_743 = arith.muli %scan3A_741, %mul3A_742 : i32
      %swap3A_744 = arith.index_cast %mul3A_743 : i32 to index
      %swap3A_745 = tpu.vector_load %arg17[%swap3A_744] {strides = array<i32>} : memref<51216xf32, #tpu.memory_space<vmem>>, vector<16xf32>,
      %swap3A_746 = vector.shape_cast %swap3A_745 : vector<16xf32> to vector<16xf32>
      %swap3A_747 = vector.shape_cast %get3A_651 : vector<16xf32> to vector<16xf32>
      tpu.vector_store %arg17[%swap3A_744], %swap3A_747 {strides = array<i32>} : memref<51216xf32, #tpu.memory_space<vmem>>, vector<16xf32>,
    }
    %scan3A_661 = arith.constant 3200 : i32
    %scan3A_662 = arith.constant 0 : i32
    %scan3A_663 = arith.constant 208 : i32
    %scan3A_664 = arith.addi %scan3A_662, %scan3A_663 : i32
    %scan3A_665 = arith.constant 4 : i32
    scf.for %scan3A_685 = %scan3A_662 to %scan3A_664 step %scan3A_665  : i32 {
      %mul3A_686 = arith.constant 16 : i32
      %mul3A_687 = arith.muli %scan3A_685, %mul3A_686 : i32
      %swap3A_688 = arith.index_cast %mul3A_687 : i32 to index
      %swap3A_689 = tpu.vector_load %arg14[%swap3A_688] {strides = array<i32>} : memref<3328xi32, #tpu.memory_space<vmem>>, vector<16xi32>,
      %swap3A_690 = vector.shape_cast %swap3A_689 : vector<16xi32> to vector<16xi32>
      %swap3A_691 = vector.shape_cast %broadcast_in_dim3A_656 : vector<16xi32> to vector<16xi32>
      tpu.vector_store %arg14[%swap3A_688], %swap3A_691 {strides = array<i32>} : memref<3328xi32, #tpu.memory_space<vmem>>, vector<16xi32>,
      %swap3A_692 = arith.index_cast %mul3A_687 : i32 to index
      %swap3A_693 = tpu.vector_load %arg15[%swap3A_692] {strides = array<i32>} : memref<3328xi32, #tpu.memory_space<vmem>>, vector<16xi32>,
      %swap3A_694 = vector.shape_cast %swap3A_693 : vector<16xi32> to vector<16xi32>
      %swap3A_695 = vector.shape_cast %broadcast_in_dim3A_656 : vector<16xi32> to vector<16xi32>
      tpu.vector_store %arg15[%swap3A_692], %swap3A_695 {strides = array<i32>} : memref<3328xi32, #tpu.memory_space<vmem>>, vector<16xi32>,
      %scan3A_696 = arith.constant 1 : i32
      %scan3A_697 = arith.addi %scan3A_685, %scan3A_696 : i32
      %mul3A_698 = arith.constant 16 : i32
      %mul3A_699 = arith.muli %scan3A_697, %mul3A_698 : i32
      %swap3A_700 = arith.index_cast %mul3A_699 : i32 to index
      %swap3A_701 = tpu.vector_load %arg14[%swap3A_700] {strides = array<i32>} : memref<3328xi32, #tpu.memory_space<vmem>>, vector<16xi32>,
      %swap3A_702 = vector.shape_cast %swap3A_701 : vector<16xi32> to vector<16xi32>
      %swap3A_703 = vector.shape_cast %broadcast_in_dim3A_656 : vector<16xi32> to vector<16xi32>
      tpu.vector_store %arg14[%swap3A_700], %swap3A_703 {strides = array<i32>} : memref<3328xi32, #tpu.memory_space<vmem>>, vector<16xi32>,
      %swap3A_704 = arith.index_cast %mul3A_699 : i32 to index
      %swap3A_705 = tpu.vector_load %arg15[%swap3A_704] {strides = array<i32>} : memref<3328xi32, #tpu.memory_space<vmem>>, vector<16xi32>,
      %swap3A_706 = vector.shape_cast %swap3A_705 : vector<16xi32> to vector<16xi32>
      %swap3A_707 = vector.shape_cast %broadcast_in_dim3A_656 : vector<16xi32> to vector<16xi32>
      tpu.vector_store %arg15[%swap3A_704], %swap3A_707 {strides = array<i32>} : memref<3328xi32, #tpu.memory_space<vmem>>, vector<16xi32>,
      %scan3A_708 = arith.constant 2 : i32
      %scan3A_709 = arith.addi %scan3A_685, %scan3A_708 : i32
      %mul3A_710 = arith.constant 16 : i32
      %mul3A_711 = arith.muli %scan3A_709, %mul3A_710 : i32
      %swap3A_712 = arith.index_cast %mul3A_711 : i32 to index
      %swap3A_713 = tpu.vector_load %arg14[%swap3A_712] {strides = array<i32>} : memref<3328xi32, #tpu.memory_space<vmem>>, vector<16xi32>,
      %swap3A_714 = vector.shape_cast %swap3A_713 : vector<16xi32> to vector<16xi32>
      %swap3A_715 = vector.shape_cast %broadcast_in_dim3A_656 : vector<16xi32> to vector<16xi32>
      tpu.vector_store %arg14[%swap3A_712], %swap3A_715 {strides = array<i32>} : memref<3328xi32, #tpu.memory_space<vmem>>, vector<16xi32>,
      %swap3A_716 = arith.index_cast %mul3A_711 : i32 to index
      %swap3A_717 = tpu.vector_load %arg15[%swap3A_716] {strides = array<i32>} : memref<3328xi32, #tpu.memory_space<vmem>>, vector<16xi32>,
      %swap3A_718 = vector.shape_cast %swap3A_717 : vector<16xi32> to vector<16xi32>
      %swap3A_719 = vector.shape_cast %broadcast_in_dim3A_656 : vector<16xi32> to vector<16xi32>
      tpu.vector_store %arg15[%swap3A_716], %swap3A_719 {strides = array<i32>} : memref<3328xi32, #tpu.memory_space<vmem>>, vector<16xi32>,
      %scan3A_720 = arith.constant 3 : i32
      %scan3A_721 = arith.addi %scan3A_685, %scan3A_720 : i32
      %mul3A_722 = arith.constant 16 : i32
      %mul3A_723 = arith.muli %scan3A_721, %mul3A_722 : i32
      %swap3A_724 = arith.index_cast %mul3A_723 : i32 to index
      %swap3A_725 = tpu.vector_load %arg14[%swap3A_724] {strides = array<i32>} : memref<3328xi32, #tpu.memory_space<vmem>>, vector<16xi32>,
      %swap3A_726 = vector.shape_cast %swap3A_725 : vector<16xi32> to vector<16xi32>
      %swap3A_727 = vector.shape_cast %broadcast_in_dim3A_656 : vector<16xi32> to vector<16xi32>
      tpu.vector_store %arg14[%swap3A_724], %swap3A_727 {strides = array<i32>} : memref<3328xi32, #tpu.memory_space<vmem>>, vector<16xi32>,
      %swap3A_728 = arith.index_cast %mul3A_723 : i32 to index
      %swap3A_729 = tpu.vector_load %arg15[%swap3A_728] {strides = array<i32>} : memref<3328xi32, #tpu.memory_space<vmem>>, vector<16xi32>,
      %swap3A_730 = vector.shape_cast %swap3A_729 : vector<16xi32> to vector<16xi32>
      %swap3A_731 = vector.shape_cast %broadcast_in_dim3A_656 : vector<16xi32> to vector<16xi32>
      tpu.vector_store %arg15[%swap3A_728], %swap3A_731 {strides = array<i32>} : memref<3328xi32, #tpu.memory_space<vmem>>, vector<16xi32>,
    }
    %scan3A_666 = arith.constant 208 : i32
    %scan3A_667 = arith.constant 0 : i32
    %scan3A_668 = arith.constant 200 : i32
    %scan3A_669 = arith.addi %scan3A_667, %scan3A_668 : i32
    %scan3A_670 = arith.constant 2 : i32
    scf.for %scan3A_685 = %scan3A_667 to %scan3A_669 step %scan3A_670  : i32 {
      %mul3A_686 = arith.constant 16 : i32
      %mul3A_687 = arith.muli %scan3A_685, %mul3A_686 : i32
      %get3A_688 = arith.index_cast %mul3A_687 : i32 to index
      %get3A_689 = tpu.vector_load %arg12[%get3A_688] {strides = array<i32>} : memref<3200xi32, #tpu.memory_space<vmem>>, vector<16xi32>,
      %get3A_690 = vector.shape_cast %get3A_689 : vector<16xi32> to vector<16xi32>
      %add3A_691 = arith.constant -160401 : i32
      %add3A_692 = vector.broadcast %add3A_691 : i32 to vector<16xi32>
      %add3A_693 = arith.addi %get3A_690, %add3A_692 : vector<16xi32>
      %get3A_694 = arith.index_cast %mul3A_687 : i32 to index
      %get3A_695 = tpu.vector_load %arg9[%get3A_694] {strides = array<i32>} : memref<3200xi32, #tpu.memory_space<vmem>>, vector<16xi32>,
      %get3A_696 = vector.shape_cast %get3A_695 : vector<16xi32> to vector<16xi32>
      %add3A_697 = arith.constant -1 : i32
      %add3A_698 = vector.broadcast %add3A_697 : i32 to vector<16xi32>
      %add3A_699 = arith.addi %get3A_696, %add3A_698 : vector<16xi32>
      %ge3A = arith.constant 0 : i32
      %ge3A_700 = vector.broadcast %ge3A : i32 to vector<16xi32>
      %ge3A_701 = arith.cmpi sge, %add3A_699, %ge3A_700 : vector<16xi32>
      %get3A_702 = arith.index_cast %mul3A_687 : i32 to index
      %get3A_703 = tpu.vector_load %arg9[%get3A_702] {strides = array<i32>} : memref<3200xi32, #tpu.memory_space<vmem>>, vector<16xi32>,
      %get3A_704 = vector.shape_cast %get3A_703 : vector<16xi32> to vector<16xi32>
      %add3A_705 = arith.constant -1 : i32
      %add3A_706 = vector.broadcast %add3A_705 : i32 to vector<16xi32>
      %add3A_707 = arith.addi %get3A_704, %add3A_706 : vector<16xi32>
      %le3A = arith.constant 40 : i32
      %le3A_708 = vector.broadcast %le3A : i32 to vector<16xi32>
      %le3A_709 = arith.cmpi sle, %add3A_707, %le3A_708 : vector<16xi32>
      %and3A = arith.andi %ge3A_701, %le3A_709 : vector<16xi1>
      %get3A_710 = arith.index_cast %mul3A_687 : i32 to index
      %get3A_711 = tpu.vector_load %arg10[%get3A_710] {strides = array<i32>} : memref<3200xi32, #tpu.memory_space<vmem>>, vector<16xi32>,
      %get3A_712 = vector.shape_cast %get3A_711 : vector<16xi32> to vector<16xi32>
      %add3A_713 = arith.constant -1 : i32
      %add3A_714 = vector.broadcast %add3A_713 : i32 to vector<16xi32>
      %add3A_715 = arith.addi %get3A_712, %add3A_714 : vector<16xi32>
      %ge3A_716 = arith.constant 0 : i32
      %ge3A_717 = vector.broadcast %ge3A_716 : i32 to vector<16xi32>
      %ge3A_718 = arith.cmpi sge, %add3A_715, %ge3A_717 : vector<16xi32>
      %get3A_719 = arith.index_cast %mul3A_687 : i32 to index
      %get3A_720 = tpu.vector_load %arg10[%get3A_719] {strides = array<i32>} : memref<3200xi32, #tpu.memory_space<vmem>>, vector<16xi32>,
      %get3A_721 = vector.shape_cast %get3A_720 : vector<16xi32> to vector<16xi32>
      %add3A_722 = arith.constant -1 : i32
      %add3A_723 = vector.broadcast %add3A_722 : i32 to vector<16xi32>
      %add3A_724 = arith.addi %get3A_721, %add3A_723 : vector<16xi32>
      %le3A_725 = arith.constant 399 : i32
      %le3A_726 = vector.broadcast %le3A_725 : i32 to vector<16xi32>
      %le3A_727 = arith.cmpi sle, %add3A_724, %le3A_726 : vector<16xi32>
      %and3A_728 = arith.andi %ge3A_718, %le3A_727 : vector<16xi1>
      %get3A_729 = arith.index_cast %mul3A_687 : i32 to index
      %get3A_730 = tpu.vector_load %arg11[%get3A_729] {strides = array<i32>} : memref<3200xi32, #tpu.memory_space<vmem>>, vector<16xi32>,
      %get3A_731 = vector.shape_cast %get3A_730 : vector<16xi32> to vector<16xi32>
      %add3A_732 = arith.constant -1 : i32
      %add3A_733 = vector.broadcast %add3A_732 : i32 to vector<16xi32>
      %add3A_734 = arith.addi %get3A_731, %add3A_733 : vector<16xi32>
      %ge3A_735 = arith.constant 0 : i32
      %ge3A_736 = vector.broadcast %ge3A_735 : i32 to vector<16xi32>
      %ge3A_737 = arith.cmpi sge, %add3A_734, %ge3A_736 : vector<16xi32>
      %get3A_738 = arith.index_cast %mul3A_687 : i32 to index
      %get3A_739 = tpu.vector_load %arg11[%get3A_738] {strides = array<i32>} : memref<3200xi32, #tpu.memory_space<vmem>>, vector<16xi32>,
      %get3A_740 = vector.shape_cast %get3A_739 : vector<16xi32> to vector<16xi32>
      %add3A_741 = arith.constant -1 : i32
      %add3A_742 = vector.broadcast %add3A_741 : i32 to vector<16xi32>
      %add3A_743 = arith.addi %get3A_740, %add3A_742 : vector<16xi32>
      %le3A_744 = arith.constant 399 : i32
      %le3A_745 = vector.broadcast %le3A_744 : i32 to vector<16xi32>
      %le3A_746 = arith.cmpi sle, %add3A_743, %le3A_745 : vector<16xi32>
      %and3A_747 = arith.andi %ge3A_737, %le3A_746 : vector<16xi1>
      %and3A_748 = arith.andi %and3A, %and3A_728 : vector<16xi1>
      %and3A_749 = arith.andi %and3A_748, %and3A_747 : vector<16xi1>
      %select_n3A = arith.select %and3A_749, %add3A_693, %broadcast_in_dim3A_656 : vector<16xi1>, vector<16xi32>
      %swap3A_750 = arith.index_cast %mul3A_687 : i32 to index
      %swap3A_751 = tpu.vector_load %arg13[%swap3A_750] {strides = array<i32>} : memref<3200xi32, #tpu.memory_space<vmem>>, vector<16xi32>,
      %swap3A_752 = vector.shape_cast %swap3A_751 : vector<16xi32> to vector<16xi32>
      %swap3A_753 = vector.shape_cast %select_n3A : vector<16xi32> to vector<16xi32>
      tpu.vector_store %arg13[%swap3A_750], %swap3A_753 {strides = array<i32>} : memref<3200xi32, #tpu.memory_space<vmem>>, vector<16xi32>,
      %scan3A_754 = arith.constant 1 : i32
      %scan3A_755 = arith.addi %scan3A_685, %scan3A_754 : i32
      %mul3A_756 = arith.constant 16 : i32
      %mul3A_757 = arith.muli %scan3A_755, %mul3A_756 : i32
      %get3A_758 = arith.index_cast %mul3A_757 : i32 to index
      %get3A_759 = tpu.vector_load %arg12[%get3A_758] {strides = array<i32>} : memref<3200xi32, #tpu.memory_space<vmem>>, vector<16xi32>,
      %get3A_760 = vector.shape_cast %get3A_759 : vector<16xi32> to vector<16xi32>
      %add3A_761 = arith.constant -160401 : i32
      %add3A_762 = vector.broadcast %add3A_761 : i32 to vector<16xi32>
      %add3A_763 = arith.addi %get3A_760, %add3A_762 : vector<16xi32>
      %get3A_764 = arith.index_cast %mul3A_757 : i32 to index
      %get3A_765 = tpu.vector_load %arg9[%get3A_764] {strides = array<i32>} : memref<3200xi32, #tpu.memory_space<vmem>>, vector<16xi32>,
      %get3A_766 = vector.shape_cast %get3A_765 : vector<16xi32> to vector<16xi32>
      %add3A_767 = arith.constant -1 : i32
      %add3A_768 = vector.broadcast %add3A_767 : i32 to vector<16xi32>
      %add3A_769 = arith.addi %get3A_766, %add3A_768 : vector<16xi32>
      %ge3A_770 = arith.constant 0 : i32
      %ge3A_771 = vector.broadcast %ge3A_770 : i32 to vector<16xi32>
      %ge3A_772 = arith.cmpi sge, %add3A_769, %ge3A_771 : vector<16xi32>
      %get3A_773 = arith.index_cast %mul3A_757 : i32 to index
      %get3A_774 = tpu.vector_load %arg9[%get3A_773] {strides = array<i32>} : memref<3200xi32, #tpu.memory_space<vmem>>, vector<16xi32>,
      %get3A_775 = vector.shape_cast %get3A_774 : vector<16xi32> to vector<16xi32>
      %add3A_776 = arith.constant -1 : i32
      %add3A_777 = vector.broadcast %add3A_776 : i32 to vector<16xi32>
      %add3A_778 = arith.addi %get3A_775, %add3A_777 : vector<16xi32>
      %le3A_779 = arith.constant 40 : i32
      %le3A_780 = vector.broadcast %le3A_779 : i32 to vector<16xi32>
      %le3A_781 = arith.cmpi sle, %add3A_778, %le3A_780 : vector<16xi32>
      %and3A_782 = arith.andi %ge3A_772, %le3A_781 : vector<16xi1>
      %get3A_783 = arith.index_cast %mul3A_757 : i32 to index
      %get3A_784 = tpu.vector_load %arg10[%get3A_783] {strides = array<i32>} : memref<3200xi32, #tpu.memory_space<vmem>>, vector<16xi32>,
      %get3A_785 = vector.shape_cast %get3A_784 : vector<16xi32> to vector<16xi32>
      %add3A_786 = arith.constant -1 : i32
      %add3A_787 = vector.broadcast %add3A_786 : i32 to vector<16xi32>
      %add3A_788 = arith.addi %get3A_785, %add3A_787 : vector<16xi32>
      %ge3A_789 = arith.constant 0 : i32
      %ge3A_790 = vector.broadcast %ge3A_789 : i32 to vector<16xi32>
      %ge3A_791 = arith.cmpi sge, %add3A_788, %ge3A_790 : vector<16xi32>
      %get3A_792 = arith.index_cast %mul3A_757 : i32 to index
      %get3A_793 = tpu.vector_load %arg10[%get3A_792] {strides = array<i32>} : memref<3200xi32, #tpu.memory_space<vmem>>, vector<16xi32>,
      %get3A_794 = vector.shape_cast %get3A_793 : vector<16xi32> to vector<16xi32>
      %add3A_795 = arith.constant -1 : i32
      %add3A_796 = vector.broadcast %add3A_795 : i32 to vector<16xi32>
      %add3A_797 = arith.addi %get3A_794, %add3A_796 : vector<16xi32>
      %le3A_798 = arith.constant 399 : i32
      %le3A_799 = vector.broadcast %le3A_798 : i32 to vector<16xi32>
      %le3A_800 = arith.cmpi sle, %add3A_797, %le3A_799 : vector<16xi32>
      %and3A_801 = arith.andi %ge3A_791, %le3A_800 : vector<16xi1>
      %get3A_802 = arith.index_cast %mul3A_757 : i32 to index
      %get3A_803 = tpu.vector_load %arg11[%get3A_802] {strides = array<i32>} : memref<3200xi32, #tpu.memory_space<vmem>>, vector<16xi32>,
      %get3A_804 = vector.shape_cast %get3A_803 : vector<16xi32> to vector<16xi32>
      %add3A_805 = arith.constant -1 : i32
      %add3A_806 = vector.broadcast %add3A_805 : i32 to vector<16xi32>
      %add3A_807 = arith.addi %get3A_804, %add3A_806 : vector<16xi32>
      %ge3A_808 = arith.constant 0 : i32
      %ge3A_809 = vector.broadcast %ge3A_808 : i32 to vector<16xi32>
      %ge3A_810 = arith.cmpi sge, %add3A_807, %ge3A_809 : vector<16xi32>
      %get3A_811 = arith.index_cast %mul3A_757 : i32 to index
      %get3A_812 = tpu.vector_load %arg11[%get3A_811] {strides = array<i32>} : memref<3200xi32, #tpu.memory_space<vmem>>, vector<16xi32>,
      %get3A_813 = vector.shape_cast %get3A_812 : vector<16xi32> to vector<16xi32>
      %add3A_814 = arith.constant -1 : i32
      %add3A_815 = vector.broadcast %add3A_814 : i32 to vector<16xi32>
      %add3A_816 = arith.addi %get3A_813, %add3A_815 : vector<16xi32>
      %le3A_817 = arith.constant 399 : i32
      %le3A_818 = vector.broadcast %le3A_817 : i32 to vector<16xi32>
      %le3A_819 = arith.cmpi sle, %add3A_816, %le3A_818 : vector<16xi32>
      %and3A_820 = arith.andi %ge3A_810, %le3A_819 : vector<16xi1>
      %and3A_821 = arith.andi %and3A_782, %and3A_801 : vector<16xi1>
      %and3A_822 = arith.andi %and3A_821, %and3A_820 : vector<16xi1>
      %select_n3A_823 = arith.select %and3A_822, %add3A_763, %broadcast_in_dim3A_656 : vector<16xi1>, vector<16xi32>
      %swap3A_824 = arith.index_cast %mul3A_757 : i32 to index
      %swap3A_825 = tpu.vector_load %arg13[%swap3A_824] {strides = array<i32>} : memref<3200xi32, #tpu.memory_space<vmem>>, vector<16xi32>,
      %swap3A_826 = vector.shape_cast %swap3A_825 : vector<16xi32> to vector<16xi32>
      %swap3A_827 = vector.shape_cast %select_n3A_823 : vector<16xi32> to vector<16xi32>
      tpu.vector_store %arg13[%swap3A_824], %swap3A_827 {strides = array<i32>} : memref<3200xi32, #tpu.memory_space<vmem>>, vector<16xi32>,
    }
    %scan3A_671 = arith.constant 200 : i32
    %dma_start3A = arith.constant 0 : i32
    %dma_start3A_672 = tpu.memref_slice %arg5[%dma_start3A] : memref<6560000xi32, #tpu.memory_space<hbm>> -> memref<6560000xi32, #tpu.memory_space<hbm>>
    tpu.enqueue_indirect_dma source(%dma_start3A_672 : memref<6560000xi32, #tpu.memory_space<hbm>>) target(%arg16 : memref<3200xi32, #tpu.memory_space<vmem>>) offsets(%arg13 : memref<3200xi32, #tpu.memory_space<vmem>>) semaphore(%arg21 : memref<!tpu.dma_semaphore, #tpu.memory_space<semaphore_mem>>)
    %scan3A_673 = arith.constant 0 : i32
    %scan3A_674 = arith.constant 27 : i32
    %scan3A_675 = arith.addi %scan3A_673, %scan3A_674 : i32
    %scan3A_676 = arith.constant 1 : i32
    scf.for %scan3A_685 = %scan3A_673 to %scan3A_675 step %scan3A_676  : i32 {
      %get3A_686 = arith.constant 0 : i32
      %get3A_687 = arith.index_cast %scan3A_685 : i32 to index
      %get3A_688 = arith.index_cast %get3A_686 : i32 to index
      %get3A_689 = memref.load %arg20[%get3A_687, %get3A_688] : memref<27x4xi32, #tpu.memory_space<smem>>
      %get3A_690 = arith.constant 1 : i32
      %get3A_691 = arith.index_cast %scan3A_685 : i32 to index
      %get3A_692 = arith.index_cast %get3A_690 : i32 to index
      %get3A_693 = memref.load %arg20[%get3A_691, %get3A_692] : memref<27x4xi32, #tpu.memory_space<smem>>
      %get3A_694 = arith.constant 2 : i32
      %get3A_695 = arith.index_cast %scan3A_685 : i32 to index
      %get3A_696 = arith.index_cast %get3A_694 : i32 to index
      %get3A_697 = memref.load %arg20[%get3A_695, %get3A_696] : memref<27x4xi32, #tpu.memory_space<smem>>
      %get3A_698 = arith.constant 3 : i32
      %get3A_699 = arith.index_cast %scan3A_685 : i32 to index
      %get3A_700 = arith.index_cast %get3A_698 : i32 to index
      %get3A_701 = memref.load %arg20[%get3A_699, %get3A_700] : memref<27x4xi32, #tpu.memory_space<smem>>
      %dma_wait3A = arith.constant 0 : i32
      %dma_wait3A_702 = tpu.memref_slice %arg5[%dma_wait3A] : memref<6560000xi32, #tpu.memory_space<hbm>> -> memref<3200xi32, #tpu.memory_space<hbm>>
      %dma_wait3A_703 = arith.constant 0 : i32
      %dma_wait3A_704 = tpu.memref_slice %arg5[%dma_wait3A_703] : memref<6560000xi32, #tpu.memory_space<hbm>> -> memref<3200xi32, #tpu.memory_space<hbm>>
      tpu.wait_dma2 semaphore(%arg21 : memref<!tpu.dma_semaphore, #tpu.memory_space<semaphore_mem>>) src(%dma_wait3A_704 : memref<3200xi32, #tpu.memory_space<hbm>>) dst(%arg16 : memref<3200xi32, #tpu.memory_space<vmem>>)
      %scan3A_705 = arith.constant 0 : i32
      %scan3A_706 = arith.constant 0 : i32
      %scan3A_707 = arith.constant 200 : i32
      %scan3A_708 = arith.addi %scan3A_706, %scan3A_707 : i32
      %scan3A_709 = arith.constant 1 : i32
      %scan3A_710 = scf.for %scan3A_751 = %scan3A_706 to %scan3A_708 step %scan3A_709 iter_args(%scan3A_752 = %scan3A_705) -> (i32)  : i32 {
        %mul3A_753 = arith.constant 16 : i32
        %mul3A_754 = arith.muli %scan3A_751, %mul3A_753 : i32
        %get3A_755 = arith.index_cast %mul3A_754 : i32 to index
        %get3A_756 = tpu.vector_load %arg9[%get3A_755] {strides = array<i32>} : memref<3200xi32, #tpu.memory_space<vmem>>, vector<16xi32>,
        %get3A_757 = vector.shape_cast %get3A_756 : vector<16xi32> to vector<16xi32>
        %add3A_758 = vector.broadcast %get3A_689 : i32 to vector<16xi32>
        %add3A_759 = arith.addi %get3A_757, %add3A_758 : vector<16xi32>
        %ge3A = arith.constant 0 : i32
        %ge3A_760 = vector.broadcast %ge3A : i32 to vector<16xi32>
        %ge3A_761 = arith.cmpi sge, %add3A_759, %ge3A_760 : vector<16xi32>
        %get3A_762 = arith.index_cast %mul3A_754 : i32 to index
        %get3A_763 = tpu.vector_load %arg9[%get3A_762] {strides = array<i32>} : memref<3200xi32, #tpu.memory_space<vmem>>, vector<16xi32>,
        %get3A_764 = vector.shape_cast %get3A_763 : vector<16xi32> to vector<16xi32>
        %add3A_765 = vector.broadcast %get3A_689 : i32 to vector<16xi32>
        %add3A_766 = arith.addi %get3A_764, %add3A_765 : vector<16xi32>
        %le3A = arith.constant 40 : i32
        %le3A_767 = vector.broadcast %le3A : i32 to vector<16xi32>
        %le3A_768 = arith.cmpi sle, %add3A_766, %le3A_767 : vector<16xi32>
        %and3A_769 = arith.andi %ge3A_761, %le3A_768 : vector<16xi1>
        %get3A_770 = arith.index_cast %mul3A_754 : i32 to index
        %get3A_771 = tpu.vector_load %arg10[%get3A_770] {strides = array<i32>} : memref<3200xi32, #tpu.memory_space<vmem>>, vector<16xi32>,
        %get3A_772 = vector.shape_cast %get3A_771 : vector<16xi32> to vector<16xi32>
        %add3A_773 = vector.broadcast %get3A_693 : i32 to vector<16xi32>
        %add3A_774 = arith.addi %get3A_772, %add3A_773 : vector<16xi32>
        %ge3A_775 = arith.constant 0 : i32
        %ge3A_776 = vector.broadcast %ge3A_775 : i32 to vector<16xi32>
        %ge3A_777 = arith.cmpi sge, %add3A_774, %ge3A_776 : vector<16xi32>
        %get3A_778 = arith.index_cast %mul3A_754 : i32 to index
        %get3A_779 = tpu.vector_load %arg10[%get3A_778] {strides = array<i32>} : memref<3200xi32, #tpu.memory_space<vmem>>, vector<16xi32>,
        %get3A_780 = vector.shape_cast %get3A_779 : vector<16xi32> to vector<16xi32>
        %add3A_781 = vector.broadcast %get3A_693 : i32 to vector<16xi32>
        %add3A_782 = arith.addi %get3A_780, %add3A_781 : vector<16xi32>
        %le3A_783 = arith.constant 399 : i32
        %le3A_784 = vector.broadcast %le3A_783 : i32 to vector<16xi32>
        %le3A_785 = arith.cmpi sle, %add3A_782, %le3A_784 : vector<16xi32>
        %and3A_786 = arith.andi %ge3A_777, %le3A_785 : vector<16xi1>
        %get3A_787 = arith.index_cast %mul3A_754 : i32 to index
        %get3A_788 = tpu.vector_load %arg11[%get3A_787] {strides = array<i32>} : memref<3200xi32, #tpu.memory_space<vmem>>, vector<16xi32>,
        %get3A_789 = vector.shape_cast %get3A_788 : vector<16xi32> to vector<16xi32>
        %add3A_790 = vector.broadcast %get3A_697 : i32 to vector<16xi32>
        %add3A_791 = arith.addi %get3A_789, %add3A_790 : vector<16xi32>
        %ge3A_792 = arith.constant 0 : i32
        %ge3A_793 = vector.broadcast %ge3A_792 : i32 to vector<16xi32>
        %ge3A_794 = arith.cmpi sge, %add3A_791, %ge3A_793 : vector<16xi32>
        %get3A_795 = arith.index_cast %mul3A_754 : i32 to index
        %get3A_796 = tpu.vector_load %arg11[%get3A_795] {strides = array<i32>} : memref<3200xi32, #tpu.memory_space<vmem>>, vector<16xi32>,
        %get3A_797 = vector.shape_cast %get3A_796 : vector<16xi32> to vector<16xi32>
        %add3A_798 = vector.broadcast %get3A_697 : i32 to vector<16xi32>
        %add3A_799 = arith.addi %get3A_797, %add3A_798 : vector<16xi32>
        %le3A_800 = arith.constant 399 : i32
        %le3A_801 = vector.broadcast %le3A_800 : i32 to vector<16xi32>
        %le3A_802 = arith.cmpi sle, %add3A_799, %le3A_801 : vector<16xi32>
        %and3A_803 = arith.andi %ge3A_794, %le3A_802 : vector<16xi1>
        %get3A_804 = arith.index_cast %mul3A_754 : i32 to index
        %get3A_805 = tpu.vector_load %arg16[%get3A_804] {strides = array<i32>} : memref<3200xi32, #tpu.memory_space<vmem>>, vector<16xi32>,
        %get3A_806 = vector.shape_cast %get3A_805 : vector<16xi32> to vector<16xi32>
        %and3A_807 = arith.andi %and3A_769, %and3A_786 : vector<16xi1>
        %and3A_808 = arith.andi %and3A_807, %and3A_803 : vector<16xi1>
        %ge3A_809 = arith.constant 0 : i32
        %ge3A_810 = vector.broadcast %ge3A_809 : i32 to vector<16xi32>
        %ge3A_811 = arith.cmpi sge, %get3A_806, %ge3A_810 : vector<16xi32>
        %and3A_812 = arith.andi %and3A_808, %ge3A_811 : vector<16xi1>
        %broadcast_in_dim3A_813 = arith.constant 100000 : i32
        %broadcast_in_dim3A_814 = vector.broadcast %broadcast_in_dim3A_813 : i32 to vector<16xi32>
        %select_n3A_815 = arith.select %and3A_812, %get3A_806, %broadcast_in_dim3A_814 : vector<16xi1>, vector<16xi32>
        %mul3A_816 = arith.constant 27 : i32
        %mul3A_817 = vector.broadcast %mul3A_816 : i32 to vector<16xi32>
        %mul3A_818 = arith.muli %select_n3A_815, %mul3A_817 : vector<16xi32>
        %add3A_819 = vector.broadcast %scan3A_685 : i32 to vector<16xi32>
        %add3A_820 = arith.addi %mul3A_818, %add3A_819 : vector<16xi32>
        %mul3A_821 = arith.constant 16 : i32
        %mul3A_822 = arith.muli %scan3A_752, %mul3A_821 : i32
        %swap3A_823 = arith.index_cast %mul3A_822 : i32 to index
        %swap3A_824 = tpu.vector_load %arg14[%swap3A_823] {strides = array<i32>} : memref<3328xi32, #tpu.memory_space<vmem>>, vector<16xi32>,
        %swap3A_825 = vector.shape_cast %swap3A_824 : vector<16xi32> to vector<16xi32>
        %swap3A_826 = vector.shape_cast %add3A_820 : vector<16xi32> to vector<16xi32>
        tpu.vector_store %arg14[%swap3A_823], %swap3A_826 {strides = array<i32>} : memref<3328xi32, #tpu.memory_space<vmem>>, vector<16xi32>,
        %broadcast_in_dim3A_827 = arith.constant 1 : i32
        %broadcast_in_dim3A_828 = vector.broadcast %broadcast_in_dim3A_827 : i32 to vector<16xi32>
        %mul3A_829 = vector.broadcast %scan3A_751 : i32 to vector<16xi32>
        %mul3A_830 = arith.muli %broadcast_in_dim3A_828, %mul3A_829 : vector<16xi32>
        %swap3A_831 = arith.index_cast %scan3A_752 : i32 to index
        %swap3A_832 = tpu.vector_load %arg15[%swap3A_831] {strides = array<i32>} : memref<3328xi32, #tpu.memory_space<vmem>>, vector<16xi32>,
        %swap3A_833 = vector.shape_cast %swap3A_832 : vector<16xi32> to vector<16xi32>
        %swap3A_834 = vector.shape_cast %mul3A_830 : vector<16xi32> to vector<16xi32>
        tpu.vector_store %arg15[%swap3A_831], %swap3A_834 {strides = array<i32>} : memref<3328xi32, #tpu.memory_space<vmem>>, vector<16xi32>,
        %broadcast_in_dim3A_835 = arith.constant 1 : i32
        %broadcast_in_dim3A_836 = vector.broadcast %broadcast_in_dim3A_835 : i32 to vector<16xi32>
        %select_n3A_837 = arith.select %and3A_812, %broadcast_in_dim3A_836, %broadcast_in_dim3A_656 : vector<16xi1>, vector<16xi32>
        %slice3A = vector.extract_strided_slice %select_n3A_837 {offsets = [0], sizes = [1], strides = [1]} : vector<16xi32> to vector<1xi32>
        %squeeze3A = vector.extract %slice3A[0] : i32 from vector<1xi32>
        %slice3A_838 = vector.extract_strided_slice %select_n3A_837 {offsets = [1], sizes = [1], strides = [1]} : vector<16xi32> to vector<1xi32>
        %squeeze3A_839 = vector.extract %slice3A_838[0] : i32 from vector<1xi32>
        %or3A = arith.ori %squeeze3A, %squeeze3A_839 : i32
        %slice3A_840 = vector.extract_strided_slice %select_n3A_837 {offsets = [2], sizes = [1], strides = [1]} : vector<16xi32> to vector<1xi32>
        %squeeze3A_841 = vector.extract %slice3A_840[0] : i32 from vector<1xi32>
        %or3A_842 = arith.ori %or3A, %squeeze3A_841 : i32
        %slice3A_843 = vector.extract_strided_slice %select_n3A_837 {offsets = [3], sizes = [1], strides = [1]} : vector<16xi32> to vector<1xi32>
        %squeeze3A_844 = vector.extract %slice3A_843[0] : i32 from vector<1xi32>
        %or3A_845 = arith.ori %or3A_842, %squeeze3A_844 : i32
        %slice3A_846 = vector.extract_strided_slice %select_n3A_837 {offsets = [4], sizes = [1], strides = [1]} : vector<16xi32> to vector<1xi32>
        %squeeze3A_847 = vector.extract %slice3A_846[0] : i32 from vector<1xi32>
        %or3A_848 = arith.ori %or3A_845, %squeeze3A_847 : i32
        %slice3A_849 = vector.extract_strided_slice %select_n3A_837 {offsets = [5], sizes = [1], strides = [1]} : vector<16xi32> to vector<1xi32>
        %squeeze3A_850 = vector.extract %slice3A_849[0] : i32 from vector<1xi32>
        %or3A_851 = arith.ori %or3A_848, %squeeze3A_850 : i32
        %slice3A_852 = vector.extract_strided_slice %select_n3A_837 {offsets = [6], sizes = [1], strides = [1]} : vector<16xi32> to vector<1xi32>
        %squeeze3A_853 = vector.extract %slice3A_852[0] : i32 from vector<1xi32>
        %or3A_854 = arith.ori %or3A_851, %squeeze3A_853 : i32
        %slice3A_855 = vector.extract_strided_slice %select_n3A_837 {offsets = [7], sizes = [1], strides = [1]} : vector<16xi32> to vector<1xi32>
        %squeeze3A_856 = vector.extract %slice3A_855[0] : i32 from vector<1xi32>
        %or3A_857 = arith.ori %or3A_854, %squeeze3A_856 : i32
        %slice3A_858 = vector.extract_strided_slice %select_n3A_837 {offsets = [8], sizes = [1], strides = [1]} : vector<16xi32> to vector<1xi32>
        %squeeze3A_859 = vector.extract %slice3A_858[0] : i32 from vector<1xi32>
        %or3A_860 = arith.ori %or3A_857, %squeeze3A_859 : i32
        %slice3A_861 = vector.extract_strided_slice %select_n3A_837 {offsets = [9], sizes = [1], strides = [1]} : vector<16xi32> to vector<1xi32>
        %squeeze3A_862 = vector.extract %slice3A_861[0] : i32 from vector<1xi32>
        %or3A_863 = arith.ori %or3A_860, %squeeze3A_862 : i32
        %slice3A_864 = vector.extract_strided_slice %select_n3A_837 {offsets = [10], sizes = [1], strides = [1]} : vector<16xi32> to vector<1xi32>
        %squeeze3A_865 = vector.extract %slice3A_864[0] : i32 from vector<1xi32>
        %or3A_866 = arith.ori %or3A_863, %squeeze3A_865 : i32
        %slice3A_867 = vector.extract_strided_slice %select_n3A_837 {offsets = [11], sizes = [1], strides = [1]} : vector<16xi32> to vector<1xi32>
        %squeeze3A_868 = vector.extract %slice3A_867[0] : i32 from vector<1xi32>
        %or3A_869 = arith.ori %or3A_866, %squeeze3A_868 : i32
        %slice3A_870 = vector.extract_strided_slice %select_n3A_837 {offsets = [12], sizes = [1], strides = [1]} : vector<16xi32> to vector<1xi32>
        %squeeze3A_871 = vector.extract %slice3A_870[0] : i32 from vector<1xi32>
        %or3A_872 = arith.ori %or3A_869, %squeeze3A_871 : i32
        %slice3A_873 = vector.extract_strided_slice %select_n3A_837 {offsets = [13], sizes = [1], strides = [1]} : vector<16xi32> to vector<1xi32>
        %squeeze3A_874 = vector.extract %slice3A_873[0] : i32 from vector<1xi32>
        %or3A_875 = arith.ori %or3A_872, %squeeze3A_874 : i32
        %slice3A_876 = vector.extract_strided_slice %select_n3A_837 {offsets = [14], sizes = [1], strides = [1]} : vector<16xi32> to vector<1xi32>
        %squeeze3A_877 = vector.extract %slice3A_876[0] : i32 from vector<1xi32>
        %or3A_878 = arith.ori %or3A_875, %squeeze3A_877 : i32
        %slice3A_879 = vector.extract_strided_slice %select_n3A_837 {offsets = [15], sizes = [1], strides = [1]} : vector<16xi32> to vector<1xi32>
        %squeeze3A_880 = vector.extract %slice3A_879[0] : i32 from vector<1xi32>
        %or3A_881 = arith.ori %or3A_878, %squeeze3A_880 : i32
        %add3A_882 = arith.addi %scan3A_752, %or3A_881 : i32
        scf.yield %add3A_882 : i32
      }
      %scan3A_711 = arith.constant 200 : i32
      %lt3A = arith.constant 26 : i32
      %lt3A_712 = arith.cmpi slt, %scan3A_685, %lt3A : i32
      %convert_element_type3A = arith.extui %lt3A_712 : i1 to i32
      %cond3A = arith.constant 0 : i32
      %cond3A_713 = arith.cmpi ne, %convert_element_type3A, %cond3A : i32
      scf.if %cond3A_713 {
        %add3A_751 = arith.constant 1 : i32
        %add3A_752 = arith.addi %scan3A_685, %add3A_751 : i32
        %get3A_753 = arith.constant 0 : i32
        %get3A_754 = arith.index_cast %add3A_752 : i32 to index
        %get3A_755 = arith.index_cast %get3A_753 : i32 to index
        %get3A_756 = memref.load %arg20[%get3A_754, %get3A_755] : memref<27x4xi32, #tpu.memory_space<smem>>
        %add3A_757 = arith.constant 1 : i32
        %add3A_758 = arith.addi %scan3A_685, %add3A_757 : i32
        %get3A_759 = arith.constant 1 : i32
        %get3A_760 = arith.index_cast %add3A_758 : i32 to index
        %get3A_761 = arith.index_cast %get3A_759 : i32 to index
        %get3A_762 = memref.load %arg20[%get3A_760, %get3A_761] : memref<27x4xi32, #tpu.memory_space<smem>>
        %add3A_763 = arith.constant 1 : i32
        %add3A_764 = arith.addi %scan3A_685, %add3A_763 : i32
        %get3A_765 = arith.constant 2 : i32
        %get3A_766 = arith.index_cast %add3A_764 : i32 to index
        %get3A_767 = arith.index_cast %get3A_765 : i32 to index
        %get3A_768 = memref.load %arg20[%get3A_766, %get3A_767] : memref<27x4xi32, #tpu.memory_space<smem>>
        %add3A_769 = arith.constant 1 : i32
        %add3A_770 = arith.addi %scan3A_685, %add3A_769 : i32
        %get3A_771 = arith.constant 3 : i32
        %get3A_772 = arith.index_cast %add3A_770 : i32 to index
        %get3A_773 = arith.index_cast %get3A_771 : i32 to index
        %get3A_774 = memref.load %arg20[%get3A_772, %get3A_773] : memref<27x4xi32, #tpu.memory_space<smem>>
        %scan3A_775 = arith.constant 0 : i32
        %scan3A_776 = arith.constant 200 : i32
        %scan3A_777 = arith.addi %scan3A_775, %scan3A_776 : i32
        %scan3A_778 = arith.constant 2 : i32
        scf.for %scan3A_782 = %scan3A_775 to %scan3A_777 step %scan3A_778  : i32 {
          %mul3A_783 = arith.constant 16 : i32
          %mul3A_784 = arith.muli %scan3A_782, %mul3A_783 : i32
          %get3A_785 = arith.index_cast %mul3A_784 : i32 to index
          %get3A_786 = tpu.vector_load %arg12[%get3A_785] {strides = array<i32>} : memref<3200xi32, #tpu.memory_space<vmem>>, vector<16xi32>,
          %get3A_787 = vector.shape_cast %get3A_786 : vector<16xi32> to vector<16xi32>
          %add3A_788 = vector.broadcast %get3A_774 : i32 to vector<16xi32>
          %add3A_789 = arith.addi %get3A_787, %add3A_788 : vector<16xi32>
          %get3A_790 = arith.index_cast %mul3A_784 : i32 to index
          %get3A_791 = tpu.vector_load %arg9[%get3A_790] {strides = array<i32>} : memref<3200xi32, #tpu.memory_space<vmem>>, vector<16xi32>,
          %get3A_792 = vector.shape_cast %get3A_791 : vector<16xi32> to vector<16xi32>
          %add3A_793 = vector.broadcast %get3A_756 : i32 to vector<16xi32>
          %add3A_794 = arith.addi %get3A_792, %add3A_793 : vector<16xi32>
          %ge3A = arith.constant 0 : i32
          %ge3A_795 = vector.broadcast %ge3A : i32 to vector<16xi32>
          %ge3A_796 = arith.cmpi sge, %add3A_794, %ge3A_795 : vector<16xi32>
          %get3A_797 = arith.index_cast %mul3A_784 : i32 to index
          %get3A_798 = tpu.vector_load %arg9[%get3A_797] {strides = array<i32>} : memref<3200xi32, #tpu.memory_space<vmem>>, vector<16xi32>,
          %get3A_799 = vector.shape_cast %get3A_798 : vector<16xi32> to vector<16xi32>
          %add3A_800 = vector.broadcast %get3A_756 : i32 to vector<16xi32>
          %add3A_801 = arith.addi %get3A_799, %add3A_800 : vector<16xi32>
          %le3A = arith.constant 40 : i32
          %le3A_802 = vector.broadcast %le3A : i32 to vector<16xi32>
          %le3A_803 = arith.cmpi sle, %add3A_801, %le3A_802 : vector<16xi32>
          %and3A_804 = arith.andi %ge3A_796, %le3A_803 : vector<16xi1>
          %get3A_805 = arith.index_cast %mul3A_784 : i32 to index
          %get3A_806 = tpu.vector_load %arg10[%get3A_805] {strides = array<i32>} : memref<3200xi32, #tpu.memory_space<vmem>>, vector<16xi32>,
          %get3A_807 = vector.shape_cast %get3A_806 : vector<16xi32> to vector<16xi32>
          %add3A_808 = vector.broadcast %get3A_762 : i32 to vector<16xi32>
          %add3A_809 = arith.addi %get3A_807, %add3A_808 : vector<16xi32>
          %ge3A_810 = arith.constant 0 : i32
          %ge3A_811 = vector.broadcast %ge3A_810 : i32 to vector<16xi32>
          %ge3A_812 = arith.cmpi sge, %add3A_809, %ge3A_811 : vector<16xi32>
          %get3A_813 = arith.index_cast %mul3A_784 : i32 to index
          %get3A_814 = tpu.vector_load %arg10[%get3A_813] {strides = array<i32>} : memref<3200xi32, #tpu.memory_space<vmem>>, vector<16xi32>,
          %get3A_815 = vector.shape_cast %get3A_814 : vector<16xi32> to vector<16xi32>
          %add3A_816 = vector.broadcast %get3A_762 : i32 to vector<16xi32>
          %add3A_817 = arith.addi %get3A_815, %add3A_816 : vector<16xi32>
          %le3A_818 = arith.constant 399 : i32
          %le3A_819 = vector.broadcast %le3A_818 : i32 to vector<16xi32>
          %le3A_820 = arith.cmpi sle, %add3A_817, %le3A_819 : vector<16xi32>
          %and3A_821 = arith.andi %ge3A_812, %le3A_820 : vector<16xi1>
          %get3A_822 = arith.index_cast %mul3A_784 : i32 to index
          %get3A_823 = tpu.vector_load %arg11[%get3A_822] {strides = array<i32>} : memref<3200xi32, #tpu.memory_space<vmem>>, vector<16xi32>,
          %get3A_824 = vector.shape_cast %get3A_823 : vector<16xi32> to vector<16xi32>
          %add3A_825 = vector.broadcast %get3A_768 : i32 to vector<16xi32>
          %add3A_826 = arith.addi %get3A_824, %add3A_825 : vector<16xi32>
          %ge3A_827 = arith.constant 0 : i32
          %ge3A_828 = vector.broadcast %ge3A_827 : i32 to vector<16xi32>
          %ge3A_829 = arith.cmpi sge, %add3A_826, %ge3A_828 : vector<16xi32>
          %get3A_830 = arith.index_cast %mul3A_784 : i32 to index
          %get3A_831 = tpu.vector_load %arg11[%get3A_830] {strides = array<i32>} : memref<3200xi32, #tpu.memory_space<vmem>>, vector<16xi32>,
          %get3A_832 = vector.shape_cast %get3A_831 : vector<16xi32> to vector<16xi32>
          %add3A_833 = vector.broadcast %get3A_768 : i32 to vector<16xi32>
          %add3A_834 = arith.addi %get3A_832, %add3A_833 : vector<16xi32>
          %le3A_835 = arith.constant 399 : i32
          %le3A_836 = vector.broadcast %le3A_835 : i32 to vector<16xi32>
          %le3A_837 = arith.cmpi sle, %add3A_834, %le3A_836 : vector<16xi32>
          %and3A_838 = arith.andi %ge3A_829, %le3A_837 : vector<16xi1>
          %and3A_839 = arith.andi %and3A_804, %and3A_821 : vector<16xi1>
          %and3A_840 = arith.andi %and3A_839, %and3A_838 : vector<16xi1>
          %select_n3A_841 = arith.select %and3A_840, %add3A_789, %broadcast_in_dim3A_656 : vector<16xi1>, vector<16xi32>
          %swap3A_842 = arith.index_cast %mul3A_784 : i32 to index
          %swap3A_843 = tpu.vector_load %arg13[%swap3A_842] {strides = array<i32>} : memref<3200xi32, #tpu.memory_space<vmem>>, vector<16xi32>,
          %swap3A_844 = vector.shape_cast %swap3A_843 : vector<16xi32> to vector<16xi32>
          %swap3A_845 = vector.shape_cast %select_n3A_841 : vector<16xi32> to vector<16xi32>
          tpu.vector_store %arg13[%swap3A_842], %swap3A_845 {strides = array<i32>} : memref<3200xi32, #tpu.memory_space<vmem>>, vector<16xi32>,
          %scan3A_846 = arith.constant 1 : i32
          %scan3A_847 = arith.addi %scan3A_782, %scan3A_846 : i32
          %mul3A_848 = arith.constant 16 : i32
          %mul3A_849 = arith.muli %scan3A_847, %mul3A_848 : i32
          %get3A_850 = arith.index_cast %mul3A_849 : i32 to index
          %get3A_851 = tpu.vector_load %arg12[%get3A_850] {strides = array<i32>} : memref<3200xi32, #tpu.memory_space<vmem>>, vector<16xi32>,
          %get3A_852 = vector.shape_cast %get3A_851 : vector<16xi32> to vector<16xi32>
          %add3A_853 = vector.broadcast %get3A_774 : i32 to vector<16xi32>
          %add3A_854 = arith.addi %get3A_852, %add3A_853 : vector<16xi32>
          %get3A_855 = arith.index_cast %mul3A_849 : i32 to index
          %get3A_856 = tpu.vector_load %arg9[%get3A_855] {strides = array<i32>} : memref<3200xi32, #tpu.memory_space<vmem>>, vector<16xi32>,
          %get3A_857 = vector.shape_cast %get3A_856 : vector<16xi32> to vector<16xi32>
          %add3A_858 = vector.broadcast %get3A_756 : i32 to vector<16xi32>
          %add3A_859 = arith.addi %get3A_857, %add3A_858 : vector<16xi32>
          %ge3A_860 = arith.constant 0 : i32
          %ge3A_861 = vector.broadcast %ge3A_860 : i32 to vector<16xi32>
          %ge3A_862 = arith.cmpi sge, %add3A_859, %ge3A_861 : vector<16xi32>
          %get3A_863 = arith.index_cast %mul3A_849 : i32 to index
          %get3A_864 = tpu.vector_load %arg9[%get3A_863] {strides = array<i32>} : memref<3200xi32, #tpu.memory_space<vmem>>, vector<16xi32>,
          %get3A_865 = vector.shape_cast %get3A_864 : vector<16xi32> to vector<16xi32>
          %add3A_866 = vector.broadcast %get3A_756 : i32 to vector<16xi32>
          %add3A_867 = arith.addi %get3A_865, %add3A_866 : vector<16xi32>
          %le3A_868 = arith.constant 40 : i32
          %le3A_869 = vector.broadcast %le3A_868 : i32 to vector<16xi32>
          %le3A_870 = arith.cmpi sle, %add3A_867, %le3A_869 : vector<16xi32>
          %and3A_871 = arith.andi %ge3A_862, %le3A_870 : vector<16xi1>
          %get3A_872 = arith.index_cast %mul3A_849 : i32 to index
          %get3A_873 = tpu.vector_load %arg10[%get3A_872] {strides = array<i32>} : memref<3200xi32, #tpu.memory_space<vmem>>, vector<16xi32>,
          %get3A_874 = vector.shape_cast %get3A_873 : vector<16xi32> to vector<16xi32>
          %add3A_875 = vector.broadcast %get3A_762 : i32 to vector<16xi32>
          %add3A_876 = arith.addi %get3A_874, %add3A_875 : vector<16xi32>
          %ge3A_877 = arith.constant 0 : i32
          %ge3A_878 = vector.broadcast %ge3A_877 : i32 to vector<16xi32>
          %ge3A_879 = arith.cmpi sge, %add3A_876, %ge3A_878 : vector<16xi32>
          %get3A_880 = arith.index_cast %mul3A_849 : i32 to index
          %get3A_881 = tpu.vector_load %arg10[%get3A_880] {strides = array<i32>} : memref<3200xi32, #tpu.memory_space<vmem>>, vector<16xi32>,
          %get3A_882 = vector.shape_cast %get3A_881 : vector<16xi32> to vector<16xi32>
          %add3A_883 = vector.broadcast %get3A_762 : i32 to vector<16xi32>
          %add3A_884 = arith.addi %get3A_882, %add3A_883 : vector<16xi32>
          %le3A_885 = arith.constant 399 : i32
          %le3A_886 = vector.broadcast %le3A_885 : i32 to vector<16xi32>
          %le3A_887 = arith.cmpi sle, %add3A_884, %le3A_886 : vector<16xi32>
          %and3A_888 = arith.andi %ge3A_879, %le3A_887 : vector<16xi1>
          %get3A_889 = arith.index_cast %mul3A_849 : i32 to index
          %get3A_890 = tpu.vector_load %arg11[%get3A_889] {strides = array<i32>} : memref<3200xi32, #tpu.memory_space<vmem>>, vector<16xi32>,
          %get3A_891 = vector.shape_cast %get3A_890 : vector<16xi32> to vector<16xi32>
          %add3A_892 = vector.broadcast %get3A_768 : i32 to vector<16xi32>
          %add3A_893 = arith.addi %get3A_891, %add3A_892 : vector<16xi32>
          %ge3A_894 = arith.constant 0 : i32
          %ge3A_895 = vector.broadcast %ge3A_894 : i32 to vector<16xi32>
          %ge3A_896 = arith.cmpi sge, %add3A_893, %ge3A_895 : vector<16xi32>
          %get3A_897 = arith.index_cast %mul3A_849 : i32 to index
          %get3A_898 = tpu.vector_load %arg11[%get3A_897] {strides = array<i32>} : memref<3200xi32, #tpu.memory_space<vmem>>, vector<16xi32>,
          %get3A_899 = vector.shape_cast %get3A_898 : vector<16xi32> to vector<16xi32>
          %add3A_900 = vector.broadcast %get3A_768 : i32 to vector<16xi32>
          %add3A_901 = arith.addi %get3A_899, %add3A_900 : vector<16xi32>
          %le3A_902 = arith.constant 399 : i32
          %le3A_903 = vector.broadcast %le3A_902 : i32 to vector<16xi32>
          %le3A_904 = arith.cmpi sle, %add3A_901, %le3A_903 : vector<16xi32>
          %and3A_905 = arith.andi %ge3A_896, %le3A_904 : vector<16xi1>
          %and3A_906 = arith.andi %and3A_871, %and3A_888 : vector<16xi1>
          %and3A_907 = arith.andi %and3A_906, %and3A_905 : vector<16xi1>
          %select_n3A_908 = arith.select %and3A_907, %add3A_854, %broadcast_in_dim3A_656 : vector<16xi1>, vector<16xi32>
          %swap3A_909 = arith.index_cast %mul3A_849 : i32 to index
          %swap3A_910 = tpu.vector_load %arg13[%swap3A_909] {strides = array<i32>} : memref<3200xi32, #tpu.memory_space<vmem>>, vector<16xi32>,
          %swap3A_911 = vector.shape_cast %swap3A_910 : vector<16xi32> to vector<16xi32>
          %swap3A_912 = vector.shape_cast %select_n3A_908 : vector<16xi32> to vector<16xi32>
          tpu.vector_store %arg13[%swap3A_909], %swap3A_912 {strides = array<i32>} : memref<3200xi32, #tpu.memory_space<vmem>>, vector<16xi32>,
        }
        %scan3A_779 = arith.constant 200 : i32
        %dma_start3A_780 = arith.constant 0 : i32
        %dma_start3A_781 = tpu.memref_slice %arg5[%dma_start3A_780] : memref<6560000xi32, #tpu.memory_space<hbm>> -> memref<6560000xi32, #tpu.memory_space<hbm>>
        tpu.enqueue_indirect_dma source(%dma_start3A_781 : memref<6560000xi32, #tpu.memory_space<hbm>>) target(%arg16 : memref<3200xi32, #tpu.memory_space<vmem>>) offsets(%arg13 : memref<3200xi32, #tpu.memory_space<vmem>>) semaphore(%arg21 : memref<!tpu.dma_semaphore, #tpu.memory_space<semaphore_mem>>)
      } else {
      }
      %mul3A_714 = arith.constant 16 : i32
      %mul3A_715 = arith.muli %scan3A_710, %mul3A_714 : i32
      %add3A_716 = arith.constant 127 : i32
      %add3A_717 = arith.addi %mul3A_715, %add3A_716 : i32
      %jit3A = arith.constant 128 : i32
      %div3A = arith.divsi %add3A_717, %jit3A : i32
      %sign3A = arith.constant 0 : i32
      %sign3A_718 = arith.cmpi sgt, %add3A_717, %sign3A : i32
      %sign3A_719 = arith.extui %sign3A_718 : i1 to i32
      %sign3A_720 = arith.constant 0 : i32
      %sign3A_721 = arith.cmpi slt, %add3A_717, %sign3A_720 : i32
      %sign3A_722 = arith.extui %sign3A_721 : i1 to i32
      %sign3A_723 = arith.subi %sign3A_719, %sign3A_722 : i32
      %sign3A_724 = arith.constant 0 : i32
      %sign3A_725 = arith.cmpi sgt, %jit3A, %sign3A_724 : i32
      %sign3A_726 = arith.extui %sign3A_725 : i1 to i32
      %sign3A_727 = arith.constant 0 : i32
      %sign3A_728 = arith.cmpi slt, %jit3A, %sign3A_727 : i32
      %sign3A_729 = arith.extui %sign3A_728 : i1 to i32
      %sign3A_730 = arith.subi %sign3A_726, %sign3A_729 : i32
      %ne3A = arith.cmpi ne, %sign3A_723, %sign3A_730 : i32
      %rem3A = arith.remsi %add3A_717, %jit3A : i32
      %ne3A_731 = arith.constant 0 : i32
      %ne3A_732 = arith.cmpi ne, %rem3A, %ne3A_731 : i32
      %and3A = arith.andi %ne3A, %ne3A_732 : i1
      %sub3A = arith.constant 1 : i32
      %sub3A_733 = arith.subi %div3A, %sub3A : i32
      %select_n3A = arith.select %and3A, %sub3A_733, %div3A : i32
      %while3A = arith.constant 0 : i32
      %while3A_734 = arith.subi %select_n3A, %while3A : i32
      %while3A_735 = arith.addi %while3A, %while3A_734 : i32
      %while3A_736 = arith.constant 1 : i32
      %while3A_737 = arith.divsi %while3A_734, %while3A_736 : i32
      %while3A_738 = arith.muli %while3A_737, %while3A_736 : i32
      %while3A_739 = arith.addi %while3A, %while3A_738 : i32
      %while3A_740 = arith.constant 1 : i32
      scf.for %while3A_751 = %while3A to %while3A_739 step %while3A_740  : i32 {
        %mul3A_752 = arith.constant 128 : i32
        %mul3A_753 = arith.muli %while3A_751, %mul3A_752 : i32
        %dma_start3A_754 = arith.constant 0 : i32
        %dma_start3A_755 = tpu.memref_slice %arg18[%mul3A_753, %dma_start3A_754] : memref<3200x16xf32, #tpu.memory_space<vmem>> -> memref<128x16xf32, #tpu.memory_space<vmem>>
        %dma_start3A_756 = tpu.memref_slice %arg14[%mul3A_753] : memref<3328xi32, #tpu.memory_space<vmem>> -> memref<128xi32, #tpu.memory_space<vmem>>
        %dma_start3A_757 = arith.constant 0 : i32
        %dma_start3A_758 = arith.constant 0 : i32
        %dma_start3A_759 = tpu.memref_slice %arg6[%dma_start3A_757, %dma_start3A_758] : memref<2764800x16xf32, #tpu.memory_space<hbm>> -> memref<2764800x16xf32, #tpu.memory_space<hbm>>
        tpu.enqueue_indirect_dma source(%dma_start3A_759 : memref<2764800x16xf32, #tpu.memory_space<hbm>>) target(%dma_start3A_755 : memref<128x16xf32, #tpu.memory_space<vmem>>) offsets(%dma_start3A_756 : memref<128xi32, #tpu.memory_space<vmem>>) semaphore(%arg22 : memref<!tpu.dma_semaphore, #tpu.memory_space<semaphore_mem>>)
        %dma_wait3A_760 = arith.constant 0 : i32
        %dma_wait3A_761 = tpu.memref_slice %arg18[%mul3A_753, %dma_wait3A_760] : memref<3200x16xf32, #tpu.memory_space<vmem>> -> memref<128x16xf32, #tpu.memory_space<vmem>>
        %dma_wait3A_762 = tpu.memref_slice %arg14[%mul3A_753] : memref<3328xi32, #tpu.memory_space<vmem>> -> memref<128xi32, #tpu.memory_space<vmem>>
        %dma_wait3A_763 = arith.constant 0 : i32
        %dma_wait3A_764 = arith.constant 0 : i32
        %dma_wait3A_765 = tpu.memref_slice %arg6[%dma_wait3A_763, %dma_wait3A_764] : memref<2764800x16xf32, #tpu.memory_space<hbm>> -> memref<2764800x16xf32, #tpu.memory_space<hbm>>
        tpu.wait_indirect_dma semaphore(%arg22 : memref<!tpu.dma_semaphore, #tpu.memory_space<semaphore_mem>>) src(%dma_wait3A_765 : memref<2764800x16xf32, #tpu.memory_space<hbm>>) dst(%dma_wait3A_761 : memref<128x16xf32, #tpu.memory_space<vmem>>)
      }
      %while3A_741 = arith.constant 1 : i32
      scf.for %while3A_751 = %while3A_739 to %while3A_735 step %while3A_741  : i32 {
        %mul3A_752 = arith.constant 128 : i32
        %mul3A_753 = arith.muli %while3A_751, %mul3A_752 : i32
        %dma_start3A_754 = arith.constant 0 : i32
        %dma_start3A_755 = tpu.memref_slice %arg18[%mul3A_753, %dma_start3A_754] : memref<3200x16xf32, #tpu.memory_space<vmem>> -> memref<128x16xf32, #tpu.memory_space<vmem>>
        %dma_start3A_756 = tpu.memref_slice %arg14[%mul3A_753] : memref<3328xi32, #tpu.memory_space<vmem>> -> memref<128xi32, #tpu.memory_space<vmem>>
        %dma_start3A_757 = arith.constant 0 : i32
        %dma_start3A_758 = arith.constant 0 : i32
        %dma_start3A_759 = tpu.memref_slice %arg6[%dma_start3A_757, %dma_start3A_758] : memref<2764800x16xf32, #tpu.memory_space<hbm>> -> memref<2764800x16xf32, #tpu.memory_space<hbm>>
        tpu.enqueue_indirect_dma source(%dma_start3A_759 : memref<2764800x16xf32, #tpu.memory_space<hbm>>) target(%dma_start3A_755 : memref<128x16xf32, #tpu.memory_space<vmem>>) offsets(%dma_start3A_756 : memref<128xi32, #tpu.memory_space<vmem>>) semaphore(%arg22 : memref<!tpu.dma_semaphore, #tpu.memory_space<semaphore_mem>>)
        %dma_wait3A_760 = arith.constant 0 : i32
        %dma_wait3A_761 = tpu.memref_slice %arg18[%mul3A_753, %dma_wait3A_760] : memref<3200x16xf32, #tpu.memory_space<vmem>> -> memref<128x16xf32, #tpu.memory_space<vmem>>
        %dma_wait3A_762 = tpu.memref_slice %arg14[%mul3A_753] : memref<3328xi32, #tpu.memory_space<vmem>> -> memref<128xi32, #tpu.memory_space<vmem>>
        %dma_wait3A_763 = arith.constant 0 : i32
        %dma_wait3A_764 = arith.constant 0 : i32
        %dma_wait3A_765 = tpu.memref_slice %arg6[%dma_wait3A_763, %dma_wait3A_764] : memref<2764800x16xf32, #tpu.memory_space<hbm>> -> memref<2764800x16xf32, #tpu.memory_space<hbm>>
        tpu.wait_indirect_dma semaphore(%arg22 : memref<!tpu.dma_semaphore, #tpu.memory_space<semaphore_mem>>) src(%dma_wait3A_765 : memref<2764800x16xf32, #tpu.memory_space<hbm>>) dst(%dma_wait3A_761 : memref<128x16xf32, #tpu.memory_space<vmem>>)
      }
      %while3A_742 = arith.constant 0 : i32
      %while3A_743 = arith.subi %scan3A_710, %while3A_742 : i32
      %while3A_744 = arith.addi %while3A_742, %while3A_743 : i32
      %while3A_745 = arith.constant 1 : i32
      %while3A_746 = arith.divsi %while3A_743, %while3A_745 : i32
      %while3A_747 = arith.muli %while3A_746, %while3A_745 : i32
      %while3A_748 = arith.addi %while3A_742, %while3A_747 : i32
      %while3A_749 = arith.constant 1 : i32
      scf.for %while3A_751 = %while3A_742 to %while3A_748 step %while3A_749  : i32 {
        %get3A_752 = arith.index_cast %while3A_751 : i32 to index
        %get3A_753 = tpu.vector_load %arg15[%get3A_752] {strides = array<i32>} : memref<3328xi32, #tpu.memory_space<vmem>>, vector<16xi32>,
        %get3A_754 = vector.shape_cast %get3A_753 : vector<16xi32> to vector<16xi32>
        %slice3A = vector.extract_strided_slice %get3A_754 {offsets = [0], sizes = [1], strides = [1]} : vector<16xi32> to vector<1xi32>
        %squeeze3A = vector.extract %slice3A[0] : i32 from vector<1xi32>
        %mul3A_755 = arith.constant 256 : i32
        %mul3A_756 = arith.muli %squeeze3A, %mul3A_755 : i32
        %add3A_757 = arith.constant 0 : i32
        %add3A_758 = arith.addi %mul3A_756, %add3A_757 : i32
        %mul3A_759 = arith.constant 16 : i32
        %mul3A_760 = arith.muli %while3A_751, %mul3A_759 : i32
        %add3A_761 = arith.constant 0 : i32
        %add3A_762 = arith.addi %mul3A_760, %add3A_761 : i32
        %get3A_763 = arith.index_cast %add3A_762 : i32 to index
        %get3A_764 = arith.constant 0 : index
        %get3A_765 = tpu.vector_load %arg18[%get3A_763, %get3A_764] {strides = array<i32>} : memref<3200x16xf32, #tpu.memory_space<vmem>>, vector<1x16xf32>,
        %get3A_766 = vector.shape_cast %get3A_765 : vector<1x16xf32> to vector<16xf32>
        %swap3A_767 = arith.index_cast %add3A_758 : i32 to index
        %swap3A_768 = tpu.vector_load %arg17[%swap3A_767] {strides = array<i32>} : memref<51216xf32, #tpu.memory_space<vmem>>, vector<16xf32>,
        %swap3A_769 = vector.shape_cast %swap3A_768 : vector<16xf32> to vector<16xf32>
        %swap3A_770 = vector.shape_cast %get3A_766 : vector<16xf32> to vector<16xf32>
        tpu.vector_store %arg17[%swap3A_767], %swap3A_770 {add = true, strides = array<i32>} : memref<51216xf32, #tpu.memory_space<vmem>>, vector<16xf32>,
        %mul3A_771 = arith.constant 256 : i32
        %mul3A_772 = arith.muli %squeeze3A, %mul3A_771 : i32
        %add3A_773 = arith.constant 16 : i32
        %add3A_774 = arith.addi %mul3A_772, %add3A_773 : i32
        %mul3A_775 = arith.constant 16 : i32
        %mul3A_776 = arith.muli %while3A_751, %mul3A_775 : i32
        %add3A_777 = arith.constant 1 : i32
        %add3A_778 = arith.addi %mul3A_776, %add3A_777 : i32
        %get3A_779 = arith.index_cast %add3A_778 : i32 to index
        %get3A_780 = arith.constant 0 : index
        %get3A_781 = tpu.vector_load %arg18[%get3A_779, %get3A_780] {strides = array<i32>} : memref<3200x16xf32, #tpu.memory_space<vmem>>, vector<1x16xf32>,
        %get3A_782 = vector.shape_cast %get3A_781 : vector<1x16xf32> to vector<16xf32>
        %swap3A_783 = arith.index_cast %add3A_774 : i32 to index
        %swap3A_784 = tpu.vector_load %arg17[%swap3A_783] {strides = array<i32>} : memref<51216xf32, #tpu.memory_space<vmem>>, vector<16xf32>,
        %swap3A_785 = vector.shape_cast %swap3A_784 : vector<16xf32> to vector<16xf32>
        %swap3A_786 = vector.shape_cast %get3A_782 : vector<16xf32> to vector<16xf32>
        tpu.vector_store %arg17[%swap3A_783], %swap3A_786 {add = true, strides = array<i32>} : memref<51216xf32, #tpu.memory_space<vmem>>, vector<16xf32>,
        %mul3A_787 = arith.constant 256 : i32
        %mul3A_788 = arith.muli %squeeze3A, %mul3A_787 : i32
        %add3A_789 = arith.constant 32 : i32
        %add3A_790 = arith.addi %mul3A_788, %add3A_789 : i32
        %mul3A_791 = arith.constant 16 : i32
        %mul3A_792 = arith.muli %while3A_751, %mul3A_791 : i32
        %add3A_793 = arith.constant 2 : i32
        %add3A_794 = arith.addi %mul3A_792, %add3A_793 : i32
        %get3A_795 = arith.index_cast %add3A_794 : i32 to index
        %get3A_796 = arith.constant 0 : index
        %get3A_797 = tpu.vector_load %arg18[%get3A_795, %get3A_796] {strides = array<i32>} : memref<3200x16xf32, #tpu.memory_space<vmem>>, vector<1x16xf32>,
        %get3A_798 = vector.shape_cast %get3A_797 : vector<1x16xf32> to vector<16xf32>
        %swap3A_799 = arith.index_cast %add3A_790 : i32 to index
        %swap3A_800 = tpu.vector_load %arg17[%swap3A_799] {strides = array<i32>} : memref<51216xf32, #tpu.memory_space<vmem>>, vector<16xf32>,
        %swap3A_801 = vector.shape_cast %swap3A_800 : vector<16xf32> to vector<16xf32>
        %swap3A_802 = vector.shape_cast %get3A_798 : vector<16xf32> to vector<16xf32>
        tpu.vector_store %arg17[%swap3A_799], %swap3A_802 {add = true, strides = array<i32>} : memref<51216xf32, #tpu.memory_space<vmem>>, vector<16xf32>,
        %mul3A_803 = arith.constant 256 : i32
        %mul3A_804 = arith.muli %squeeze3A, %mul3A_803 : i32
        %add3A_805 = arith.constant 48 : i32
        %add3A_806 = arith.addi %mul3A_804, %add3A_805 : i32
        %mul3A_807 = arith.constant 16 : i32
        %mul3A_808 = arith.muli %while3A_751, %mul3A_807 : i32
        %add3A_809 = arith.constant 3 : i32
        %add3A_810 = arith.addi %mul3A_808, %add3A_809 : i32
        %get3A_811 = arith.index_cast %add3A_810 : i32 to index
        %get3A_812 = arith.constant 0 : index
        %get3A_813 = tpu.vector_load %arg18[%get3A_811, %get3A_812] {strides = array<i32>} : memref<3200x16xf32, #tpu.memory_space<vmem>>, vector<1x16xf32>,
        %get3A_814 = vector.shape_cast %get3A_813 : vector<1x16xf32> to vector<16xf32>
        %swap3A_815 = arith.index_cast %add3A_806 : i32 to index
        %swap3A_816 = tpu.vector_load %arg17[%swap3A_815] {strides = array<i32>} : memref<51216xf32, #tpu.memory_space<vmem>>, vector<16xf32>,
        %swap3A_817 = vector.shape_cast %swap3A_816 : vector<16xf32> to vector<16xf32>
        %swap3A_818 = vector.shape_cast %get3A_814 : vector<16xf32> to vector<16xf32>
        tpu.vector_store %arg17[%swap3A_815], %swap3A_818 {add = true, strides = array<i32>} : memref<51216xf32, #tpu.memory_space<vmem>>, vector<16xf32>,
        %mul3A_819 = arith.constant 256 : i32
        %mul3A_820 = arith.muli %squeeze3A, %mul3A_819 : i32
        %add3A_821 = arith.constant 64 : i32
        %add3A_822 = arith.addi %mul3A_820, %add3A_821 : i32
        %mul3A_823 = arith.constant 16 : i32
        %mul3A_824 = arith.muli %while3A_751, %mul3A_823 : i32
        %add3A_825 = arith.constant 4 : i32
        %add3A_826 = arith.addi %mul3A_824, %add3A_825 : i32
        %get3A_827 = arith.index_cast %add3A_826 : i32 to index
        %get3A_828 = arith.constant 0 : index
        %get3A_829 = tpu.vector_load %arg18[%get3A_827, %get3A_828] {strides = array<i32>} : memref<3200x16xf32, #tpu.memory_space<vmem>>, vector<1x16xf32>,
        %get3A_830 = vector.shape_cast %get3A_829 : vector<1x16xf32> to vector<16xf32>
        %swap3A_831 = arith.index_cast %add3A_822 : i32 to index
        %swap3A_832 = tpu.vector_load %arg17[%swap3A_831] {strides = array<i32>} : memref<51216xf32, #tpu.memory_space<vmem>>, vector<16xf32>,
        %swap3A_833 = vector.shape_cast %swap3A_832 : vector<16xf32> to vector<16xf32>
        %swap3A_834 = vector.shape_cast %get3A_830 : vector<16xf32> to vector<16xf32>
        tpu.vector_store %arg17[%swap3A_831], %swap3A_834 {add = true, strides = array<i32>} : memref<51216xf32, #tpu.memory_space<vmem>>, vector<16xf32>,
        %mul3A_835 = arith.constant 256 : i32
        %mul3A_836 = arith.muli %squeeze3A, %mul3A_835 : i32
        %add3A_837 = arith.constant 80 : i32
        %add3A_838 = arith.addi %mul3A_836, %add3A_837 : i32
        %mul3A_839 = arith.constant 16 : i32
        %mul3A_840 = arith.muli %while3A_751, %mul3A_839 : i32
        %add3A_841 = arith.constant 5 : i32
        %add3A_842 = arith.addi %mul3A_840, %add3A_841 : i32
        %get3A_843 = arith.index_cast %add3A_842 : i32 to index
        %get3A_844 = arith.constant 0 : index
        %get3A_845 = tpu.vector_load %arg18[%get3A_843, %get3A_844] {strides = array<i32>} : memref<3200x16xf32, #tpu.memory_space<vmem>>, vector<1x16xf32>,
        %get3A_846 = vector.shape_cast %get3A_845 : vector<1x16xf32> to vector<16xf32>
        %swap3A_847 = arith.index_cast %add3A_838 : i32 to index
        %swap3A_848 = tpu.vector_load %arg17[%swap3A_847] {strides = array<i32>} : memref<51216xf32, #tpu.memory_space<vmem>>, vector<16xf32>,
        %swap3A_849 = vector.shape_cast %swap3A_848 : vector<16xf32> to vector<16xf32>
        %swap3A_850 = vector.shape_cast %get3A_846 : vector<16xf32> to vector<16xf32>
        tpu.vector_store %arg17[%swap3A_847], %swap3A_850 {add = true, strides = array<i32>} : memref<51216xf32, #tpu.memory_space<vmem>>, vector<16xf32>,
        %mul3A_851 = arith.constant 256 : i32
        %mul3A_852 = arith.muli %squeeze3A, %mul3A_851 : i32
        %add3A_853 = arith.constant 96 : i32
        %add3A_854 = arith.addi %mul3A_852, %add3A_853 : i32
        %mul3A_855 = arith.constant 16 : i32
        %mul3A_856 = arith.muli %while3A_751, %mul3A_855 : i32
        %add3A_857 = arith.constant 6 : i32
        %add3A_858 = arith.addi %mul3A_856, %add3A_857 : i32
        %get3A_859 = arith.index_cast %add3A_858 : i32 to index
        %get3A_860 = arith.constant 0 : index
        %get3A_861 = tpu.vector_load %arg18[%get3A_859, %get3A_860] {strides = array<i32>} : memref<3200x16xf32, #tpu.memory_space<vmem>>, vector<1x16xf32>,
        %get3A_862 = vector.shape_cast %get3A_861 : vector<1x16xf32> to vector<16xf32>
        %swap3A_863 = arith.index_cast %add3A_854 : i32 to index
        %swap3A_864 = tpu.vector_load %arg17[%swap3A_863] {strides = array<i32>} : memref<51216xf32, #tpu.memory_space<vmem>>, vector<16xf32>,
        %swap3A_865 = vector.shape_cast %swap3A_864 : vector<16xf32> to vector<16xf32>
        %swap3A_866 = vector.shape_cast %get3A_862 : vector<16xf32> to vector<16xf32>
        tpu.vector_store %arg17[%swap3A_863], %swap3A_866 {add = true, strides = array<i32>} : memref<51216xf32, #tpu.memory_space<vmem>>, vector<16xf32>,
        %mul3A_867 = arith.constant 256 : i32
        %mul3A_868 = arith.muli %squeeze3A, %mul3A_867 : i32
        %add3A_869 = arith.constant 112 : i32
        %add3A_870 = arith.addi %mul3A_868, %add3A_869 : i32
        %mul3A_871 = arith.constant 16 : i32
        %mul3A_872 = arith.muli %while3A_751, %mul3A_871 : i32
        %add3A_873 = arith.constant 7 : i32
        %add3A_874 = arith.addi %mul3A_872, %add3A_873 : i32
        %get3A_875 = arith.index_cast %add3A_874 : i32 to index
        %get3A_876 = arith.constant 0 : index
        %get3A_877 = tpu.vector_load %arg18[%get3A_875, %get3A_876] {strides = array<i32>} : memref<3200x16xf32, #tpu.memory_space<vmem>>, vector<1x16xf32>,
        %get3A_878 = vector.shape_cast %get3A_877 : vector<1x16xf32> to vector<16xf32>
        %swap3A_879 = arith.index_cast %add3A_870 : i32 to index
        %swap3A_880 = tpu.vector_load %arg17[%swap3A_879] {strides = array<i32>} : memref<51216xf32, #tpu.memory_space<vmem>>, vector<16xf32>,
        %swap3A_881 = vector.shape_cast %swap3A_880 : vector<16xf32> to vector<16xf32>
        %swap3A_882 = vector.shape_cast %get3A_878 : vector<16xf32> to vector<16xf32>
        tpu.vector_store %arg17[%swap3A_879], %swap3A_882 {add = true, strides = array<i32>} : memref<51216xf32, #tpu.memory_space<vmem>>, vector<16xf32>,
        %mul3A_883 = arith.constant 256 : i32
        %mul3A_884 = arith.muli %squeeze3A, %mul3A_883 : i32
        %add3A_885 = arith.constant 128 : i32
        %add3A_886 = arith.addi %mul3A_884, %add3A_885 : i32
        %mul3A_887 = arith.constant 16 : i32
        %mul3A_888 = arith.muli %while3A_751, %mul3A_887 : i32
        %add3A_889 = arith.constant 8 : i32
        %add3A_890 = arith.addi %mul3A_888, %add3A_889 : i32
        %get3A_891 = arith.index_cast %add3A_890 : i32 to index
        %get3A_892 = arith.constant 0 : index
        %get3A_893 = tpu.vector_load %arg18[%get3A_891, %get3A_892] {strides = array<i32>} : memref<3200x16xf32, #tpu.memory_space<vmem>>, vector<1x16xf32>,
        %get3A_894 = vector.shape_cast %get3A_893 : vector<1x16xf32> to vector<16xf32>
        %swap3A_895 = arith.index_cast %add3A_886 : i32 to index
        %swap3A_896 = tpu.vector_load %arg17[%swap3A_895] {strides = array<i32>} : memref<51216xf32, #tpu.memory_space<vmem>>, vector<16xf32>,
        %swap3A_897 = vector.shape_cast %swap3A_896 : vector<16xf32> to vector<16xf32>
        %swap3A_898 = vector.shape_cast %get3A_894 : vector<16xf32> to vector<16xf32>
        tpu.vector_store %arg17[%swap3A_895], %swap3A_898 {add = true, strides = array<i32>} : memref<51216xf32, #tpu.memory_space<vmem>>, vector<16xf32>,
        %mul3A_899 = arith.constant 256 : i32
        %mul3A_900 = arith.muli %squeeze3A, %mul3A_899 : i32
        %add3A_901 = arith.constant 144 : i32
        %add3A_902 = arith.addi %mul3A_900, %add3A_901 : i32
        %mul3A_903 = arith.constant 16 : i32
        %mul3A_904 = arith.muli %while3A_751, %mul3A_903 : i32
        %add3A_905 = arith.constant 9 : i32
        %add3A_906 = arith.addi %mul3A_904, %add3A_905 : i32
        %get3A_907 = arith.index_cast %add3A_906 : i32 to index
        %get3A_908 = arith.constant 0 : index
        %get3A_909 = tpu.vector_load %arg18[%get3A_907, %get3A_908] {strides = array<i32>} : memref<3200x16xf32, #tpu.memory_space<vmem>>, vector<1x16xf32>,
        %get3A_910 = vector.shape_cast %get3A_909 : vector<1x16xf32> to vector<16xf32>
        %swap3A_911 = arith.index_cast %add3A_902 : i32 to index
        %swap3A_912 = tpu.vector_load %arg17[%swap3A_911] {strides = array<i32>} : memref<51216xf32, #tpu.memory_space<vmem>>, vector<16xf32>,
        %swap3A_913 = vector.shape_cast %swap3A_912 : vector<16xf32> to vector<16xf32>
        %swap3A_914 = vector.shape_cast %get3A_910 : vector<16xf32> to vector<16xf32>
        tpu.vector_store %arg17[%swap3A_911], %swap3A_914 {add = true, strides = array<i32>} : memref<51216xf32, #tpu.memory_space<vmem>>, vector<16xf32>,
        %mul3A_915 = arith.constant 256 : i32
        %mul3A_916 = arith.muli %squeeze3A, %mul3A_915 : i32
        %add3A_917 = arith.constant 160 : i32
        %add3A_918 = arith.addi %mul3A_916, %add3A_917 : i32
        %mul3A_919 = arith.constant 16 : i32
        %mul3A_920 = arith.muli %while3A_751, %mul3A_919 : i32
        %add3A_921 = arith.constant 10 : i32
        %add3A_922 = arith.addi %mul3A_920, %add3A_921 : i32
        %get3A_923 = arith.index_cast %add3A_922 : i32 to index
        %get3A_924 = arith.constant 0 : index
        %get3A_925 = tpu.vector_load %arg18[%get3A_923, %get3A_924] {strides = array<i32>} : memref<3200x16xf32, #tpu.memory_space<vmem>>, vector<1x16xf32>,
        %get3A_926 = vector.shape_cast %get3A_925 : vector<1x16xf32> to vector<16xf32>
        %swap3A_927 = arith.index_cast %add3A_918 : i32 to index
        %swap3A_928 = tpu.vector_load %arg17[%swap3A_927] {strides = array<i32>} : memref<51216xf32, #tpu.memory_space<vmem>>, vector<16xf32>,
        %swap3A_929 = vector.shape_cast %swap3A_928 : vector<16xf32> to vector<16xf32>
        %swap3A_930 = vector.shape_cast %get3A_926 : vector<16xf32> to vector<16xf32>
        tpu.vector_store %arg17[%swap3A_927], %swap3A_930 {add = true, strides = array<i32>} : memref<51216xf32, #tpu.memory_space<vmem>>, vector<16xf32>,
        %mul3A_931 = arith.constant 256 : i32
        %mul3A_932 = arith.muli %squeeze3A, %mul3A_931 : i32
        %add3A_933 = arith.constant 176 : i32
        %add3A_934 = arith.addi %mul3A_932, %add3A_933 : i32
        %mul3A_935 = arith.constant 16 : i32
        %mul3A_936 = arith.muli %while3A_751, %mul3A_935 : i32
        %add3A_937 = arith.constant 11 : i32
        %add3A_938 = arith.addi %mul3A_936, %add3A_937 : i32
        %get3A_939 = arith.index_cast %add3A_938 : i32 to index
        %get3A_940 = arith.constant 0 : index
        %get3A_941 = tpu.vector_load %arg18[%get3A_939, %get3A_940] {strides = array<i32>} : memref<3200x16xf32, #tpu.memory_space<vmem>>, vector<1x16xf32>,
        %get3A_942 = vector.shape_cast %get3A_941 : vector<1x16xf32> to vector<16xf32>
        %swap3A_943 = arith.index_cast %add3A_934 : i32 to index
        %swap3A_944 = tpu.vector_load %arg17[%swap3A_943] {strides = array<i32>} : memref<51216xf32, #tpu.memory_space<vmem>>, vector<16xf32>,
        %swap3A_945 = vector.shape_cast %swap3A_944 : vector<16xf32> to vector<16xf32>
        %swap3A_946 = vector.shape_cast %get3A_942 : vector<16xf32> to vector<16xf32>
        tpu.vector_store %arg17[%swap3A_943], %swap3A_946 {add = true, strides = array<i32>} : memref<51216xf32, #tpu.memory_space<vmem>>, vector<16xf32>,
        %mul3A_947 = arith.constant 256 : i32
        %mul3A_948 = arith.muli %squeeze3A, %mul3A_947 : i32
        %add3A_949 = arith.constant 192 : i32
        %add3A_950 = arith.addi %mul3A_948, %add3A_949 : i32
        %mul3A_951 = arith.constant 16 : i32
        %mul3A_952 = arith.muli %while3A_751, %mul3A_951 : i32
        %add3A_953 = arith.constant 12 : i32
        %add3A_954 = arith.addi %mul3A_952, %add3A_953 : i32
        %get3A_955 = arith.index_cast %add3A_954 : i32 to index
        %get3A_956 = arith.constant 0 : index
        %get3A_957 = tpu.vector_load %arg18[%get3A_955, %get3A_956] {strides = array<i32>} : memref<3200x16xf32, #tpu.memory_space<vmem>>, vector<1x16xf32>,
        %get3A_958 = vector.shape_cast %get3A_957 : vector<1x16xf32> to vector<16xf32>
        %swap3A_959 = arith.index_cast %add3A_950 : i32 to index
        %swap3A_960 = tpu.vector_load %arg17[%swap3A_959] {strides = array<i32>} : memref<51216xf32, #tpu.memory_space<vmem>>, vector<16xf32>,
        %swap3A_961 = vector.shape_cast %swap3A_960 : vector<16xf32> to vector<16xf32>
        %swap3A_962 = vector.shape_cast %get3A_958 : vector<16xf32> to vector<16xf32>
        tpu.vector_store %arg17[%swap3A_959], %swap3A_962 {add = true, strides = array<i32>} : memref<51216xf32, #tpu.memory_space<vmem>>, vector<16xf32>,
        %mul3A_963 = arith.constant 256 : i32
        %mul3A_964 = arith.muli %squeeze3A, %mul3A_963 : i32
        %add3A_965 = arith.constant 208 : i32
        %add3A_966 = arith.addi %mul3A_964, %add3A_965 : i32
        %mul3A_967 = arith.constant 16 : i32
        %mul3A_968 = arith.muli %while3A_751, %mul3A_967 : i32
        %add3A_969 = arith.constant 13 : i32
        %add3A_970 = arith.addi %mul3A_968, %add3A_969 : i32
        %get3A_971 = arith.index_cast %add3A_970 : i32 to index
        %get3A_972 = arith.constant 0 : index
        %get3A_973 = tpu.vector_load %arg18[%get3A_971, %get3A_972] {strides = array<i32>} : memref<3200x16xf32, #tpu.memory_space<vmem>>, vector<1x16xf32>,
        %get3A_974 = vector.shape_cast %get3A_973 : vector<1x16xf32> to vector<16xf32>
        %swap3A_975 = arith.index_cast %add3A_966 : i32 to index
        %swap3A_976 = tpu.vector_load %arg17[%swap3A_975] {strides = array<i32>} : memref<51216xf32, #tpu.memory_space<vmem>>, vector<16xf32>,
        %swap3A_977 = vector.shape_cast %swap3A_976 : vector<16xf32> to vector<16xf32>
        %swap3A_978 = vector.shape_cast %get3A_974 : vector<16xf32> to vector<16xf32>
        tpu.vector_store %arg17[%swap3A_975], %swap3A_978 {add = true, strides = array<i32>} : memref<51216xf32, #tpu.memory_space<vmem>>, vector<16xf32>,
        %mul3A_979 = arith.constant 256 : i32
        %mul3A_980 = arith.muli %squeeze3A, %mul3A_979 : i32
        %add3A_981 = arith.constant 224 : i32
        %add3A_982 = arith.addi %mul3A_980, %add3A_981 : i32
        %mul3A_983 = arith.constant 16 : i32
        %mul3A_984 = arith.muli %while3A_751, %mul3A_983 : i32
        %add3A_985 = arith.constant 14 : i32
        %add3A_986 = arith.addi %mul3A_984, %add3A_985 : i32
        %get3A_987 = arith.index_cast %add3A_986 : i32 to index
        %get3A_988 = arith.constant 0 : index
        %get3A_989 = tpu.vector_load %arg18[%get3A_987, %get3A_988] {strides = array<i32>} : memref<3200x16xf32, #tpu.memory_space<vmem>>, vector<1x16xf32>,
        %get3A_990 = vector.shape_cast %get3A_989 : vector<1x16xf32> to vector<16xf32>
        %swap3A_991 = arith.index_cast %add3A_982 : i32 to index
        %swap3A_992 = tpu.vector_load %arg17[%swap3A_991] {strides = array<i32>} : memref<51216xf32, #tpu.memory_space<vmem>>, vector<16xf32>,
        %swap3A_993 = vector.shape_cast %swap3A_992 : vector<16xf32> to vector<16xf32>
        %swap3A_994 = vector.shape_cast %get3A_990 : vector<16xf32> to vector<16xf32>
        tpu.vector_store %arg17[%swap3A_991], %swap3A_994 {add = true, strides = array<i32>} : memref<51216xf32, #tpu.memory_space<vmem>>, vector<16xf32>,
        %mul3A_995 = arith.constant 256 : i32
        %mul3A_996 = arith.muli %squeeze3A, %mul3A_995 : i32
        %add3A_997 = arith.constant 240 : i32
        %add3A_998 = arith.addi %mul3A_996, %add3A_997 : i32
        %mul3A_999 = arith.constant 16 : i32
        %mul3A_1000 = arith.muli %while3A_751, %mul3A_999 : i32
        %add3A_1001 = arith.constant 15 : i32
        %add3A_1002 = arith.addi %mul3A_1000, %add3A_1001 : i32
        %get3A_1003 = arith.index_cast %add3A_1002 : i32 to index
        %get3A_1004 = arith.constant 0 : index
        %get3A_1005 = tpu.vector_load %arg18[%get3A_1003, %get3A_1004] {strides = array<i32>} : memref<3200x16xf32, #tpu.memory_space<vmem>>, vector<1x16xf32>,
        %get3A_1006 = vector.shape_cast %get3A_1005 : vector<1x16xf32> to vector<16xf32>
        %swap3A_1007 = arith.index_cast %add3A_998 : i32 to index
        %swap3A_1008 = tpu.vector_load %arg17[%swap3A_1007] {strides = array<i32>} : memref<51216xf32, #tpu.memory_space<vmem>>, vector<16xf32>,
        %swap3A_1009 = vector.shape_cast %swap3A_1008 : vector<16xf32> to vector<16xf32>
        %swap3A_1010 = vector.shape_cast %get3A_1006 : vector<16xf32> to vector<16xf32>
        tpu.vector_store %arg17[%swap3A_1007], %swap3A_1010 {add = true, strides = array<i32>} : memref<51216xf32, #tpu.memory_space<vmem>>, vector<16xf32>,
      }
      %while3A_750 = arith.constant 1 : i32
      scf.for %while3A_751 = %while3A_748 to %while3A_744 step %while3A_750  : i32 {
        %get3A_752 = arith.index_cast %while3A_751 : i32 to index
        %get3A_753 = tpu.vector_load %arg15[%get3A_752] {strides = array<i32>} : memref<3328xi32, #tpu.memory_space<vmem>>, vector<16xi32>,
        %get3A_754 = vector.shape_cast %get3A_753 : vector<16xi32> to vector<16xi32>
        %slice3A = vector.extract_strided_slice %get3A_754 {offsets = [0], sizes = [1], strides = [1]} : vector<16xi32> to vector<1xi32>
        %squeeze3A = vector.extract %slice3A[0] : i32 from vector<1xi32>
        %mul3A_755 = arith.constant 256 : i32
        %mul3A_756 = arith.muli %squeeze3A, %mul3A_755 : i32
        %add3A_757 = arith.constant 0 : i32
        %add3A_758 = arith.addi %mul3A_756, %add3A_757 : i32
        %mul3A_759 = arith.constant 16 : i32
        %mul3A_760 = arith.muli %while3A_751, %mul3A_759 : i32
        %add3A_761 = arith.constant 0 : i32
        %add3A_762 = arith.addi %mul3A_760, %add3A_761 : i32
        %get3A_763 = arith.index_cast %add3A_762 : i32 to index
        %get3A_764 = arith.constant 0 : index
        %get3A_765 = tpu.vector_load %arg18[%get3A_763, %get3A_764] {strides = array<i32>} : memref<3200x16xf32, #tpu.memory_space<vmem>>, vector<1x16xf32>,
        %get3A_766 = vector.shape_cast %get3A_765 : vector<1x16xf32> to vector<16xf32>
        %swap3A_767 = arith.index_cast %add3A_758 : i32 to index
        %swap3A_768 = tpu.vector_load %arg17[%swap3A_767] {strides = array<i32>} : memref<51216xf32, #tpu.memory_space<vmem>>, vector<16xf32>,
        %swap3A_769 = vector.shape_cast %swap3A_768 : vector<16xf32> to vector<16xf32>
        %swap3A_770 = vector.shape_cast %get3A_766 : vector<16xf32> to vector<16xf32>
        tpu.vector_store %arg17[%swap3A_767], %swap3A_770 {add = true, strides = array<i32>} : memref<51216xf32, #tpu.memory_space<vmem>>, vector<16xf32>,
        %mul3A_771 = arith.constant 256 : i32
        %mul3A_772 = arith.muli %squeeze3A, %mul3A_771 : i32
        %add3A_773 = arith.constant 16 : i32
        %add3A_774 = arith.addi %mul3A_772, %add3A_773 : i32
        %mul3A_775 = arith.constant 16 : i32
        %mul3A_776 = arith.muli %while3A_751, %mul3A_775 : i32
        %add3A_777 = arith.constant 1 : i32
        %add3A_778 = arith.addi %mul3A_776, %add3A_777 : i32
        %get3A_779 = arith.index_cast %add3A_778 : i32 to index
        %get3A_780 = arith.constant 0 : index
        %get3A_781 = tpu.vector_load %arg18[%get3A_779, %get3A_780] {strides = array<i32>} : memref<3200x16xf32, #tpu.memory_space<vmem>>, vector<1x16xf32>,
        %get3A_782 = vector.shape_cast %get3A_781 : vector<1x16xf32> to vector<16xf32>
        %swap3A_783 = arith.index_cast %add3A_774 : i32 to index
        %swap3A_784 = tpu.vector_load %arg17[%swap3A_783] {strides = array<i32>} : memref<51216xf32, #tpu.memory_space<vmem>>, vector<16xf32>,
        %swap3A_785 = vector.shape_cast %swap3A_784 : vector<16xf32> to vector<16xf32>
        %swap3A_786 = vector.shape_cast %get3A_782 : vector<16xf32> to vector<16xf32>
        tpu.vector_store %arg17[%swap3A_783], %swap3A_786 {add = true, strides = array<i32>} : memref<51216xf32, #tpu.memory_space<vmem>>, vector<16xf32>,
        %mul3A_787 = arith.constant 256 : i32
        %mul3A_788 = arith.muli %squeeze3A, %mul3A_787 : i32
        %add3A_789 = arith.constant 32 : i32
        %add3A_790 = arith.addi %mul3A_788, %add3A_789 : i32
        %mul3A_791 = arith.constant 16 : i32
        %mul3A_792 = arith.muli %while3A_751, %mul3A_791 : i32
        %add3A_793 = arith.constant 2 : i32
        %add3A_794 = arith.addi %mul3A_792, %add3A_793 : i32
        %get3A_795 = arith.index_cast %add3A_794 : i32 to index
        %get3A_796 = arith.constant 0 : index
        %get3A_797 = tpu.vector_load %arg18[%get3A_795, %get3A_796] {strides = array<i32>} : memref<3200x16xf32, #tpu.memory_space<vmem>>, vector<1x16xf32>,
        %get3A_798 = vector.shape_cast %get3A_797 : vector<1x16xf32> to vector<16xf32>
        %swap3A_799 = arith.index_cast %add3A_790 : i32 to index
        %swap3A_800 = tpu.vector_load %arg17[%swap3A_799] {strides = array<i32>} : memref<51216xf32, #tpu.memory_space<vmem>>, vector<16xf32>,
        %swap3A_801 = vector.shape_cast %swap3A_800 : vector<16xf32> to vector<16xf32>
        %swap3A_802 = vector.shape_cast %get3A_798 : vector<16xf32> to vector<16xf32>
        tpu.vector_store %arg17[%swap3A_799], %swap3A_802 {add = true, strides = array<i32>} : memref<51216xf32, #tpu.memory_space<vmem>>, vector<16xf32>,
        %mul3A_803 = arith.constant 256 : i32
        %mul3A_804 = arith.muli %squeeze3A, %mul3A_803 : i32
        %add3A_805 = arith.constant 48 : i32
        %add3A_806 = arith.addi %mul3A_804, %add3A_805 : i32
        %mul3A_807 = arith.constant 16 : i32
        %mul3A_808 = arith.muli %while3A_751, %mul3A_807 : i32
        %add3A_809 = arith.constant 3 : i32
        %add3A_810 = arith.addi %mul3A_808, %add3A_809 : i32
        %get3A_811 = arith.index_cast %add3A_810 : i32 to index
        %get3A_812 = arith.constant 0 : index
        %get3A_813 = tpu.vector_load %arg18[%get3A_811, %get3A_812] {strides = array<i32>} : memref<3200x16xf32, #tpu.memory_space<vmem>>, vector<1x16xf32>,
        %get3A_814 = vector.shape_cast %get3A_813 : vector<1x16xf32> to vector<16xf32>
        %swap3A_815 = arith.index_cast %add3A_806 : i32 to index
        %swap3A_816 = tpu.vector_load %arg17[%swap3A_815] {strides = array<i32>} : memref<51216xf32, #tpu.memory_space<vmem>>, vector<16xf32>,
        %swap3A_817 = vector.shape_cast %swap3A_816 : vector<16xf32> to vector<16xf32>
        %swap3A_818 = vector.shape_cast %get3A_814 : vector<16xf32> to vector<16xf32>
        tpu.vector_store %arg17[%swap3A_815], %swap3A_818 {add = true, strides = array<i32>} : memref<51216xf32, #tpu.memory_space<vmem>>, vector<16xf32>,
        %mul3A_819 = arith.constant 256 : i32
        %mul3A_820 = arith.muli %squeeze3A, %mul3A_819 : i32
        %add3A_821 = arith.constant 64 : i32
        %add3A_822 = arith.addi %mul3A_820, %add3A_821 : i32
        %mul3A_823 = arith.constant 16 : i32
        %mul3A_824 = arith.muli %while3A_751, %mul3A_823 : i32
        %add3A_825 = arith.constant 4 : i32
        %add3A_826 = arith.addi %mul3A_824, %add3A_825 : i32
        %get3A_827 = arith.index_cast %add3A_826 : i32 to index
        %get3A_828 = arith.constant 0 : index
        %get3A_829 = tpu.vector_load %arg18[%get3A_827, %get3A_828] {strides = array<i32>} : memref<3200x16xf32, #tpu.memory_space<vmem>>, vector<1x16xf32>,
        %get3A_830 = vector.shape_cast %get3A_829 : vector<1x16xf32> to vector<16xf32>
        %swap3A_831 = arith.index_cast %add3A_822 : i32 to index
        %swap3A_832 = tpu.vector_load %arg17[%swap3A_831] {strides = array<i32>} : memref<51216xf32, #tpu.memory_space<vmem>>, vector<16xf32>,
        %swap3A_833 = vector.shape_cast %swap3A_832 : vector<16xf32> to vector<16xf32>
        %swap3A_834 = vector.shape_cast %get3A_830 : vector<16xf32> to vector<16xf32>
        tpu.vector_store %arg17[%swap3A_831], %swap3A_834 {add = true, strides = array<i32>} : memref<51216xf32, #tpu.memory_space<vmem>>, vector<16xf32>,
        %mul3A_835 = arith.constant 256 : i32
        %mul3A_836 = arith.muli %squeeze3A, %mul3A_835 : i32
        %add3A_837 = arith.constant 80 : i32
        %add3A_838 = arith.addi %mul3A_836, %add3A_837 : i32
        %mul3A_839 = arith.constant 16 : i32
        %mul3A_840 = arith.muli %while3A_751, %mul3A_839 : i32
        %add3A_841 = arith.constant 5 : i32
        %add3A_842 = arith.addi %mul3A_840, %add3A_841 : i32
        %get3A_843 = arith.index_cast %add3A_842 : i32 to index
        %get3A_844 = arith.constant 0 : index
        %get3A_845 = tpu.vector_load %arg18[%get3A_843, %get3A_844] {strides = array<i32>} : memref<3200x16xf32, #tpu.memory_space<vmem>>, vector<1x16xf32>,
        %get3A_846 = vector.shape_cast %get3A_845 : vector<1x16xf32> to vector<16xf32>
        %swap3A_847 = arith.index_cast %add3A_838 : i32 to index
        %swap3A_848 = tpu.vector_load %arg17[%swap3A_847] {strides = array<i32>} : memref<51216xf32, #tpu.memory_space<vmem>>, vector<16xf32>,
        %swap3A_849 = vector.shape_cast %swap3A_848 : vector<16xf32> to vector<16xf32>
        %swap3A_850 = vector.shape_cast %get3A_846 : vector<16xf32> to vector<16xf32>
        tpu.vector_store %arg17[%swap3A_847], %swap3A_850 {add = true, strides = array<i32>} : memref<51216xf32, #tpu.memory_space<vmem>>, vector<16xf32>,
        %mul3A_851 = arith.constant 256 : i32
        %mul3A_852 = arith.muli %squeeze3A, %mul3A_851 : i32
        %add3A_853 = arith.constant 96 : i32
        %add3A_854 = arith.addi %mul3A_852, %add3A_853 : i32
        %mul3A_855 = arith.constant 16 : i32
        %mul3A_856 = arith.muli %while3A_751, %mul3A_855 : i32
        %add3A_857 = arith.constant 6 : i32
        %add3A_858 = arith.addi %mul3A_856, %add3A_857 : i32
        %get3A_859 = arith.index_cast %add3A_858 : i32 to index
        %get3A_860 = arith.constant 0 : index
        %get3A_861 = tpu.vector_load %arg18[%get3A_859, %get3A_860] {strides = array<i32>} : memref<3200x16xf32, #tpu.memory_space<vmem>>, vector<1x16xf32>,
        %get3A_862 = vector.shape_cast %get3A_861 : vector<1x16xf32> to vector<16xf32>
        %swap3A_863 = arith.index_cast %add3A_854 : i32 to index
        %swap3A_864 = tpu.vector_load %arg17[%swap3A_863] {strides = array<i32>} : memref<51216xf32, #tpu.memory_space<vmem>>, vector<16xf32>,
        %swap3A_865 = vector.shape_cast %swap3A_864 : vector<16xf32> to vector<16xf32>
        %swap3A_866 = vector.shape_cast %get3A_862 : vector<16xf32> to vector<16xf32>
        tpu.vector_store %arg17[%swap3A_863], %swap3A_866 {add = true, strides = array<i32>} : memref<51216xf32, #tpu.memory_space<vmem>>, vector<16xf32>,
        %mul3A_867 = arith.constant 256 : i32
        %mul3A_868 = arith.muli %squeeze3A, %mul3A_867 : i32
        %add3A_869 = arith.constant 112 : i32
        %add3A_870 = arith.addi %mul3A_868, %add3A_869 : i32
        %mul3A_871 = arith.constant 16 : i32
        %mul3A_872 = arith.muli %while3A_751, %mul3A_871 : i32
        %add3A_873 = arith.constant 7 : i32
        %add3A_874 = arith.addi %mul3A_872, %add3A_873 : i32
        %get3A_875 = arith.index_cast %add3A_874 : i32 to index
        %get3A_876 = arith.constant 0 : index
        %get3A_877 = tpu.vector_load %arg18[%get3A_875, %get3A_876] {strides = array<i32>} : memref<3200x16xf32, #tpu.memory_space<vmem>>, vector<1x16xf32>,
        %get3A_878 = vector.shape_cast %get3A_877 : vector<1x16xf32> to vector<16xf32>
        %swap3A_879 = arith.index_cast %add3A_870 : i32 to index
        %swap3A_880 = tpu.vector_load %arg17[%swap3A_879] {strides = array<i32>} : memref<51216xf32, #tpu.memory_space<vmem>>, vector<16xf32>,
        %swap3A_881 = vector.shape_cast %swap3A_880 : vector<16xf32> to vector<16xf32>
        %swap3A_882 = vector.shape_cast %get3A_878 : vector<16xf32> to vector<16xf32>
        tpu.vector_store %arg17[%swap3A_879], %swap3A_882 {add = true, strides = array<i32>} : memref<51216xf32, #tpu.memory_space<vmem>>, vector<16xf32>,
        %mul3A_883 = arith.constant 256 : i32
        %mul3A_884 = arith.muli %squeeze3A, %mul3A_883 : i32
        %add3A_885 = arith.constant 128 : i32
        %add3A_886 = arith.addi %mul3A_884, %add3A_885 : i32
        %mul3A_887 = arith.constant 16 : i32
        %mul3A_888 = arith.muli %while3A_751, %mul3A_887 : i32
        %add3A_889 = arith.constant 8 : i32
        %add3A_890 = arith.addi %mul3A_888, %add3A_889 : i32
        %get3A_891 = arith.index_cast %add3A_890 : i32 to index
        %get3A_892 = arith.constant 0 : index
        %get3A_893 = tpu.vector_load %arg18[%get3A_891, %get3A_892] {strides = array<i32>} : memref<3200x16xf32, #tpu.memory_space<vmem>>, vector<1x16xf32>,
        %get3A_894 = vector.shape_cast %get3A_893 : vector<1x16xf32> to vector<16xf32>
        %swap3A_895 = arith.index_cast %add3A_886 : i32 to index
        %swap3A_896 = tpu.vector_load %arg17[%swap3A_895] {strides = array<i32>} : memref<51216xf32, #tpu.memory_space<vmem>>, vector<16xf32>,
        %swap3A_897 = vector.shape_cast %swap3A_896 : vector<16xf32> to vector<16xf32>
        %swap3A_898 = vector.shape_cast %get3A_894 : vector<16xf32> to vector<16xf32>
        tpu.vector_store %arg17[%swap3A_895], %swap3A_898 {add = true, strides = array<i32>} : memref<51216xf32, #tpu.memory_space<vmem>>, vector<16xf32>,
        %mul3A_899 = arith.constant 256 : i32
        %mul3A_900 = arith.muli %squeeze3A, %mul3A_899 : i32
        %add3A_901 = arith.constant 144 : i32
        %add3A_902 = arith.addi %mul3A_900, %add3A_901 : i32
        %mul3A_903 = arith.constant 16 : i32
        %mul3A_904 = arith.muli %while3A_751, %mul3A_903 : i32
        %add3A_905 = arith.constant 9 : i32
        %add3A_906 = arith.addi %mul3A_904, %add3A_905 : i32
        %get3A_907 = arith.index_cast %add3A_906 : i32 to index
        %get3A_908 = arith.constant 0 : index
        %get3A_909 = tpu.vector_load %arg18[%get3A_907, %get3A_908] {strides = array<i32>} : memref<3200x16xf32, #tpu.memory_space<vmem>>, vector<1x16xf32>,
        %get3A_910 = vector.shape_cast %get3A_909 : vector<1x16xf32> to vector<16xf32>
        %swap3A_911 = arith.index_cast %add3A_902 : i32 to index
        %swap3A_912 = tpu.vector_load %arg17[%swap3A_911] {strides = array<i32>} : memref<51216xf32, #tpu.memory_space<vmem>>, vector<16xf32>,
        %swap3A_913 = vector.shape_cast %swap3A_912 : vector<16xf32> to vector<16xf32>
        %swap3A_914 = vector.shape_cast %get3A_910 : vector<16xf32> to vector<16xf32>
        tpu.vector_store %arg17[%swap3A_911], %swap3A_914 {add = true, strides = array<i32>} : memref<51216xf32, #tpu.memory_space<vmem>>, vector<16xf32>,
        %mul3A_915 = arith.constant 256 : i32
        %mul3A_916 = arith.muli %squeeze3A, %mul3A_915 : i32
        %add3A_917 = arith.constant 160 : i32
        %add3A_918 = arith.addi %mul3A_916, %add3A_917 : i32
        %mul3A_919 = arith.constant 16 : i32
        %mul3A_920 = arith.muli %while3A_751, %mul3A_919 : i32
        %add3A_921 = arith.constant 10 : i32
        %add3A_922 = arith.addi %mul3A_920, %add3A_921 : i32
        %get3A_923 = arith.index_cast %add3A_922 : i32 to index
        %get3A_924 = arith.constant 0 : index
        %get3A_925 = tpu.vector_load %arg18[%get3A_923, %get3A_924] {strides = array<i32>} : memref<3200x16xf32, #tpu.memory_space<vmem>>, vector<1x16xf32>,
        %get3A_926 = vector.shape_cast %get3A_925 : vector<1x16xf32> to vector<16xf32>
        %swap3A_927 = arith.index_cast %add3A_918 : i32 to index
        %swap3A_928 = tpu.vector_load %arg17[%swap3A_927] {strides = array<i32>} : memref<51216xf32, #tpu.memory_space<vmem>>, vector<16xf32>,
        %swap3A_929 = vector.shape_cast %swap3A_928 : vector<16xf32> to vector<16xf32>
        %swap3A_930 = vector.shape_cast %get3A_926 : vector<16xf32> to vector<16xf32>
        tpu.vector_store %arg17[%swap3A_927], %swap3A_930 {add = true, strides = array<i32>} : memref<51216xf32, #tpu.memory_space<vmem>>, vector<16xf32>,
        %mul3A_931 = arith.constant 256 : i32
        %mul3A_932 = arith.muli %squeeze3A, %mul3A_931 : i32
        %add3A_933 = arith.constant 176 : i32
        %add3A_934 = arith.addi %mul3A_932, %add3A_933 : i32
        %mul3A_935 = arith.constant 16 : i32
        %mul3A_936 = arith.muli %while3A_751, %mul3A_935 : i32
        %add3A_937 = arith.constant 11 : i32
        %add3A_938 = arith.addi %mul3A_936, %add3A_937 : i32
        %get3A_939 = arith.index_cast %add3A_938 : i32 to index
        %get3A_940 = arith.constant 0 : index
        %get3A_941 = tpu.vector_load %arg18[%get3A_939, %get3A_940] {strides = array<i32>} : memref<3200x16xf32, #tpu.memory_space<vmem>>, vector<1x16xf32>,
        %get3A_942 = vector.shape_cast %get3A_941 : vector<1x16xf32> to vector<16xf32>
        %swap3A_943 = arith.index_cast %add3A_934 : i32 to index
        %swap3A_944 = tpu.vector_load %arg17[%swap3A_943] {strides = array<i32>} : memref<51216xf32, #tpu.memory_space<vmem>>, vector<16xf32>,
        %swap3A_945 = vector.shape_cast %swap3A_944 : vector<16xf32> to vector<16xf32>
        %swap3A_946 = vector.shape_cast %get3A_942 : vector<16xf32> to vector<16xf32>
        tpu.vector_store %arg17[%swap3A_943], %swap3A_946 {add = true, strides = array<i32>} : memref<51216xf32, #tpu.memory_space<vmem>>, vector<16xf32>,
        %mul3A_947 = arith.constant 256 : i32
        %mul3A_948 = arith.muli %squeeze3A, %mul3A_947 : i32
        %add3A_949 = arith.constant 192 : i32
        %add3A_950 = arith.addi %mul3A_948, %add3A_949 : i32
        %mul3A_951 = arith.constant 16 : i32
        %mul3A_952 = arith.muli %while3A_751, %mul3A_951 : i32
        %add3A_953 = arith.constant 12 : i32
        %add3A_954 = arith.addi %mul3A_952, %add3A_953 : i32
        %get3A_955 = arith.index_cast %add3A_954 : i32 to index
        %get3A_956 = arith.constant 0 : index
        %get3A_957 = tpu.vector_load %arg18[%get3A_955, %get3A_956] {strides = array<i32>} : memref<3200x16xf32, #tpu.memory_space<vmem>>, vector<1x16xf32>,
        %get3A_958 = vector.shape_cast %get3A_957 : vector<1x16xf32> to vector<16xf32>
        %swap3A_959 = arith.index_cast %add3A_950 : i32 to index
        %swap3A_960 = tpu.vector_load %arg17[%swap3A_959] {strides = array<i32>} : memref<51216xf32, #tpu.memory_space<vmem>>, vector<16xf32>,
        %swap3A_961 = vector.shape_cast %swap3A_960 : vector<16xf32> to vector<16xf32>
        %swap3A_962 = vector.shape_cast %get3A_958 : vector<16xf32> to vector<16xf32>
        tpu.vector_store %arg17[%swap3A_959], %swap3A_962 {add = true, strides = array<i32>} : memref<51216xf32, #tpu.memory_space<vmem>>, vector<16xf32>,
        %mul3A_963 = arith.constant 256 : i32
        %mul3A_964 = arith.muli %squeeze3A, %mul3A_963 : i32
        %add3A_965 = arith.constant 208 : i32
        %add3A_966 = arith.addi %mul3A_964, %add3A_965 : i32
        %mul3A_967 = arith.constant 16 : i32
        %mul3A_968 = arith.muli %while3A_751, %mul3A_967 : i32
        %add3A_969 = arith.constant 13 : i32
        %add3A_970 = arith.addi %mul3A_968, %add3A_969 : i32
        %get3A_971 = arith.index_cast %add3A_970 : i32 to index
        %get3A_972 = arith.constant 0 : index
        %get3A_973 = tpu.vector_load %arg18[%get3A_971, %get3A_972] {strides = array<i32>} : memref<3200x16xf32, #tpu.memory_space<vmem>>, vector<1x16xf32>,
        %get3A_974 = vector.shape_cast %get3A_973 : vector<1x16xf32> to vector<16xf32>
        %swap3A_975 = arith.index_cast %add3A_966 : i32 to index
        %swap3A_976 = tpu.vector_load %arg17[%swap3A_975] {strides = array<i32>} : memref<51216xf32, #tpu.memory_space<vmem>>, vector<16xf32>,
        %swap3A_977 = vector.shape_cast %swap3A_976 : vector<16xf32> to vector<16xf32>
        %swap3A_978 = vector.shape_cast %get3A_974 : vector<16xf32> to vector<16xf32>
        tpu.vector_store %arg17[%swap3A_975], %swap3A_978 {add = true, strides = array<i32>} : memref<51216xf32, #tpu.memory_space<vmem>>, vector<16xf32>,
        %mul3A_979 = arith.constant 256 : i32
        %mul3A_980 = arith.muli %squeeze3A, %mul3A_979 : i32
        %add3A_981 = arith.constant 224 : i32
        %add3A_982 = arith.addi %mul3A_980, %add3A_981 : i32
        %mul3A_983 = arith.constant 16 : i32
        %mul3A_984 = arith.muli %while3A_751, %mul3A_983 : i32
        %add3A_985 = arith.constant 14 : i32
        %add3A_986 = arith.addi %mul3A_984, %add3A_985 : i32
        %get3A_987 = arith.index_cast %add3A_986 : i32 to index
        %get3A_988 = arith.constant 0 : index
        %get3A_989 = tpu.vector_load %arg18[%get3A_987, %get3A_988] {strides = array<i32>} : memref<3200x16xf32, #tpu.memory_space<vmem>>, vector<1x16xf32>,
        %get3A_990 = vector.shape_cast %get3A_989 : vector<1x16xf32> to vector<16xf32>
        %swap3A_991 = arith.index_cast %add3A_982 : i32 to index
        %swap3A_992 = tpu.vector_load %arg17[%swap3A_991] {strides = array<i32>} : memref<51216xf32, #tpu.memory_space<vmem>>, vector<16xf32>,
        %swap3A_993 = vector.shape_cast %swap3A_992 : vector<16xf32> to vector<16xf32>
        %swap3A_994 = vector.shape_cast %get3A_990 : vector<16xf32> to vector<16xf32>
        tpu.vector_store %arg17[%swap3A_991], %swap3A_994 {add = true, strides = array<i32>} : memref<51216xf32, #tpu.memory_space<vmem>>, vector<16xf32>,
        %mul3A_995 = arith.constant 256 : i32
        %mul3A_996 = arith.muli %squeeze3A, %mul3A_995 : i32
        %add3A_997 = arith.constant 240 : i32
        %add3A_998 = arith.addi %mul3A_996, %add3A_997 : i32
        %mul3A_999 = arith.constant 16 : i32
        %mul3A_1000 = arith.muli %while3A_751, %mul3A_999 : i32
        %add3A_1001 = arith.constant 15 : i32
        %add3A_1002 = arith.addi %mul3A_1000, %add3A_1001 : i32
        %get3A_1003 = arith.index_cast %add3A_1002 : i32 to index
        %get3A_1004 = arith.constant 0 : index
        %get3A_1005 = tpu.vector_load %arg18[%get3A_1003, %get3A_1004] {strides = array<i32>} : memref<3200x16xf32, #tpu.memory_space<vmem>>, vector<1x16xf32>,
        %get3A_1006 = vector.shape_cast %get3A_1005 : vector<1x16xf32> to vector<16xf32>
        %swap3A_1007 = arith.index_cast %add3A_998 : i32 to index
        %swap3A_1008 = tpu.vector_load %arg17[%swap3A_1007] {strides = array<i32>} : memref<51216xf32, #tpu.memory_space<vmem>>, vector<16xf32>,
        %swap3A_1009 = vector.shape_cast %swap3A_1008 : vector<16xf32> to vector<16xf32>
        %swap3A_1010 = vector.shape_cast %get3A_1006 : vector<16xf32> to vector<16xf32>
        tpu.vector_store %arg17[%swap3A_1007], %swap3A_1010 {add = true, strides = array<i32>} : memref<51216xf32, #tpu.memory_space<vmem>>, vector<16xf32>,
      }
    }
    %scan3A_677 = arith.constant 27 : i32
    %scan3A_678 = arith.constant 0 : i32
    %scan3A_679 = arith.constant 3200 : i32
    %scan3A_680 = arith.addi %scan3A_678, %scan3A_679 : i32
    %scan3A_681 = arith.constant 8 : i32
    scf.for %scan3A_685 = %scan3A_678 to %scan3A_680 step %scan3A_681  : i32 {
      %mul3A_686 = arith.constant 16 : i32
      %mul3A_687 = arith.muli %scan3A_685, %mul3A_686 : i32
      %get3A_688 = arith.index_cast %mul3A_687 : i32 to index
      %get3A_689 = tpu.vector_load %arg17[%get3A_688] {strides = array<i32>} : memref<51216xf32, #tpu.memory_space<vmem>>, vector<16xf32>,
      %get3A_690 = vector.shape_cast %get3A_689 : vector<16xf32> to vector<16xf32>
      %max3A = arith.constant 0.000000e+00 : f32
      %max3A_691 = vector.broadcast %max3A : f32 to vector<16xf32>
      %max3A_692 = arith.maximumf %get3A_690, %max3A_691 : vector<16xf32>
      %swap3A_693 = arith.index_cast %mul3A_687 : i32 to index
      %swap3A_694 = tpu.vector_load %arg17[%swap3A_693] {strides = array<i32>} : memref<51216xf32, #tpu.memory_space<vmem>>, vector<16xf32>,
      %swap3A_695 = vector.shape_cast %swap3A_694 : vector<16xf32> to vector<16xf32>
      %swap3A_696 = vector.shape_cast %max3A_692 : vector<16xf32> to vector<16xf32>
      tpu.vector_store %arg17[%swap3A_693], %swap3A_696 {strides = array<i32>} : memref<51216xf32, #tpu.memory_space<vmem>>, vector<16xf32>,
      %scan3A_697 = arith.constant 1 : i32
      %scan3A_698 = arith.addi %scan3A_685, %scan3A_697 : i32
      %mul3A_699 = arith.constant 16 : i32
      %mul3A_700 = arith.muli %scan3A_698, %mul3A_699 : i32
      %get3A_701 = arith.index_cast %mul3A_700 : i32 to index
      %get3A_702 = tpu.vector_load %arg17[%get3A_701] {strides = array<i32>} : memref<51216xf32, #tpu.memory_space<vmem>>, vector<16xf32>,
      %get3A_703 = vector.shape_cast %get3A_702 : vector<16xf32> to vector<16xf32>
      %max3A_704 = arith.constant 0.000000e+00 : f32
      %max3A_705 = vector.broadcast %max3A_704 : f32 to vector<16xf32>
      %max3A_706 = arith.maximumf %get3A_703, %max3A_705 : vector<16xf32>
      %swap3A_707 = arith.index_cast %mul3A_700 : i32 to index
      %swap3A_708 = tpu.vector_load %arg17[%swap3A_707] {strides = array<i32>} : memref<51216xf32, #tpu.memory_space<vmem>>, vector<16xf32>,
      %swap3A_709 = vector.shape_cast %swap3A_708 : vector<16xf32> to vector<16xf32>
      %swap3A_710 = vector.shape_cast %max3A_706 : vector<16xf32> to vector<16xf32>
      tpu.vector_store %arg17[%swap3A_707], %swap3A_710 {strides = array<i32>} : memref<51216xf32, #tpu.memory_space<vmem>>, vector<16xf32>,
      %scan3A_711 = arith.constant 2 : i32
      %scan3A_712 = arith.addi %scan3A_685, %scan3A_711 : i32
      %mul3A_713 = arith.constant 16 : i32
      %mul3A_714 = arith.muli %scan3A_712, %mul3A_713 : i32
      %get3A_715 = arith.index_cast %mul3A_714 : i32 to index
      %get3A_716 = tpu.vector_load %arg17[%get3A_715] {strides = array<i32>} : memref<51216xf32, #tpu.memory_space<vmem>>, vector<16xf32>,
      %get3A_717 = vector.shape_cast %get3A_716 : vector<16xf32> to vector<16xf32>
      %max3A_718 = arith.constant 0.000000e+00 : f32
      %max3A_719 = vector.broadcast %max3A_718 : f32 to vector<16xf32>
      %max3A_720 = arith.maximumf %get3A_717, %max3A_719 : vector<16xf32>
      %swap3A_721 = arith.index_cast %mul3A_714 : i32 to index
      %swap3A_722 = tpu.vector_load %arg17[%swap3A_721] {strides = array<i32>} : memref<51216xf32, #tpu.memory_space<vmem>>, vector<16xf32>,
      %swap3A_723 = vector.shape_cast %swap3A_722 : vector<16xf32> to vector<16xf32>
      %swap3A_724 = vector.shape_cast %max3A_720 : vector<16xf32> to vector<16xf32>
      tpu.vector_store %arg17[%swap3A_721], %swap3A_724 {strides = array<i32>} : memref<51216xf32, #tpu.memory_space<vmem>>, vector<16xf32>,
      %scan3A_725 = arith.constant 3 : i32
      %scan3A_726 = arith.addi %scan3A_685, %scan3A_725 : i32
      %mul3A_727 = arith.constant 16 : i32
      %mul3A_728 = arith.muli %scan3A_726, %mul3A_727 : i32
      %get3A_729 = arith.index_cast %mul3A_728 : i32 to index
      %get3A_730 = tpu.vector_load %arg17[%get3A_729] {strides = array<i32>} : memref<51216xf32, #tpu.memory_space<vmem>>, vector<16xf32>,
      %get3A_731 = vector.shape_cast %get3A_730 : vector<16xf32> to vector<16xf32>
      %max3A_732 = arith.constant 0.000000e+00 : f32
      %max3A_733 = vector.broadcast %max3A_732 : f32 to vector<16xf32>
      %max3A_734 = arith.maximumf %get3A_731, %max3A_733 : vector<16xf32>
      %swap3A_735 = arith.index_cast %mul3A_728 : i32 to index
      %swap3A_736 = tpu.vector_load %arg17[%swap3A_735] {strides = array<i32>} : memref<51216xf32, #tpu.memory_space<vmem>>, vector<16xf32>,
      %swap3A_737 = vector.shape_cast %swap3A_736 : vector<16xf32> to vector<16xf32>
      %swap3A_738 = vector.shape_cast %max3A_734 : vector<16xf32> to vector<16xf32>
      tpu.vector_store %arg17[%swap3A_735], %swap3A_738 {strides = array<i32>} : memref<51216xf32, #tpu.memory_space<vmem>>, vector<16xf32>,
      %scan3A_739 = arith.constant 4 : i32
      %scan3A_740 = arith.addi %scan3A_685, %scan3A_739 : i32
      %mul3A_741 = arith.constant 16 : i32
      %mul3A_742 = arith.muli %scan3A_740, %mul3A_741 : i32
      %get3A_743 = arith.index_cast %mul3A_742 : i32 to index
      %get3A_744 = tpu.vector_load %arg17[%get3A_743] {strides = array<i32>} : memref<51216xf32, #tpu.memory_space<vmem>>, vector<16xf32>,
      %get3A_745 = vector.shape_cast %get3A_744 : vector<16xf32> to vector<16xf32>
      %max3A_746 = arith.constant 0.000000e+00 : f32
      %max3A_747 = vector.broadcast %max3A_746 : f32 to vector<16xf32>
      %max3A_748 = arith.maximumf %get3A_745, %max3A_747 : vector<16xf32>
      %swap3A_749 = arith.index_cast %mul3A_742 : i32 to index
      %swap3A_750 = tpu.vector_load %arg17[%swap3A_749] {strides = array<i32>} : memref<51216xf32, #tpu.memory_space<vmem>>, vector<16xf32>,
      %swap3A_751 = vector.shape_cast %swap3A_750 : vector<16xf32> to vector<16xf32>
      %swap3A_752 = vector.shape_cast %max3A_748 : vector<16xf32> to vector<16xf32>
      tpu.vector_store %arg17[%swap3A_749], %swap3A_752 {strides = array<i32>} : memref<51216xf32, #tpu.memory_space<vmem>>, vector<16xf32>,
      %scan3A_753 = arith.constant 5 : i32
      %scan3A_754 = arith.addi %scan3A_685, %scan3A_753 : i32
      %mul3A_755 = arith.constant 16 : i32
      %mul3A_756 = arith.muli %scan3A_754, %mul3A_755 : i32
      %get3A_757 = arith.index_cast %mul3A_756 : i32 to index
      %get3A_758 = tpu.vector_load %arg17[%get3A_757] {strides = array<i32>} : memref<51216xf32, #tpu.memory_space<vmem>>, vector<16xf32>,
      %get3A_759 = vector.shape_cast %get3A_758 : vector<16xf32> to vector<16xf32>
      %max3A_760 = arith.constant 0.000000e+00 : f32
      %max3A_761 = vector.broadcast %max3A_760 : f32 to vector<16xf32>
      %max3A_762 = arith.maximumf %get3A_759, %max3A_761 : vector<16xf32>
      %swap3A_763 = arith.index_cast %mul3A_756 : i32 to index
      %swap3A_764 = tpu.vector_load %arg17[%swap3A_763] {strides = array<i32>} : memref<51216xf32, #tpu.memory_space<vmem>>, vector<16xf32>,
      %swap3A_765 = vector.shape_cast %swap3A_764 : vector<16xf32> to vector<16xf32>
      %swap3A_766 = vector.shape_cast %max3A_762 : vector<16xf32> to vector<16xf32>
      tpu.vector_store %arg17[%swap3A_763], %swap3A_766 {strides = array<i32>} : memref<51216xf32, #tpu.memory_space<vmem>>, vector<16xf32>,
      %scan3A_767 = arith.constant 6 : i32
      %scan3A_768 = arith.addi %scan3A_685, %scan3A_767 : i32
      %mul3A_769 = arith.constant 16 : i32
      %mul3A_770 = arith.muli %scan3A_768, %mul3A_769 : i32
      %get3A_771 = arith.index_cast %mul3A_770 : i32 to index
      %get3A_772 = tpu.vector_load %arg17[%get3A_771] {strides = array<i32>} : memref<51216xf32, #tpu.memory_space<vmem>>, vector<16xf32>,
      %get3A_773 = vector.shape_cast %get3A_772 : vector<16xf32> to vector<16xf32>
      %max3A_774 = arith.constant 0.000000e+00 : f32
      %max3A_775 = vector.broadcast %max3A_774 : f32 to vector<16xf32>
      %max3A_776 = arith.maximumf %get3A_773, %max3A_775 : vector<16xf32>
      %swap3A_777 = arith.index_cast %mul3A_770 : i32 to index
      %swap3A_778 = tpu.vector_load %arg17[%swap3A_777] {strides = array<i32>} : memref<51216xf32, #tpu.memory_space<vmem>>, vector<16xf32>,
      %swap3A_779 = vector.shape_cast %swap3A_778 : vector<16xf32> to vector<16xf32>
      %swap3A_780 = vector.shape_cast %max3A_776 : vector<16xf32> to vector<16xf32>
      tpu.vector_store %arg17[%swap3A_777], %swap3A_780 {strides = array<i32>} : memref<51216xf32, #tpu.memory_space<vmem>>, vector<16xf32>,
      %scan3A_781 = arith.constant 7 : i32
      %scan3A_782 = arith.addi %scan3A_685, %scan3A_781 : i32
      %mul3A_783 = arith.constant 16 : i32
      %mul3A_784 = arith.muli %scan3A_782, %mul3A_783 : i32
      %get3A_785 = arith.index_cast %mul3A_784 : i32 to index
      %get3A_786 = tpu.vector_load %arg17[%get3A_785] {strides = array<i32>} : memref<51216xf32, #tpu.memory_space<vmem>>, vector<16xf32>,
      %get3A_787 = vector.shape_cast %get3A_786 : vector<16xf32> to vector<16xf32>
      %max3A_788 = arith.constant 0.000000e+00 : f32
      %max3A_789 = vector.broadcast %max3A_788 : f32 to vector<16xf32>
      %max3A_790 = arith.maximumf %get3A_787, %max3A_789 : vector<16xf32>
      %swap3A_791 = arith.index_cast %mul3A_784 : i32 to index
      %swap3A_792 = tpu.vector_load %arg17[%swap3A_791] {strides = array<i32>} : memref<51216xf32, #tpu.memory_space<vmem>>, vector<16xf32>,
      %swap3A_793 = vector.shape_cast %swap3A_792 : vector<16xf32> to vector<16xf32>
      %swap3A_794 = vector.shape_cast %max3A_790 : vector<16xf32> to vector<16xf32>
      tpu.vector_store %arg17[%swap3A_791], %swap3A_794 {strides = array<i32>} : memref<51216xf32, #tpu.memory_space<vmem>>, vector<16xf32>,
    }
    %scan3A_682 = arith.constant 3200 : i32
    %mul3A_683 = arith.constant 16 : i32
    %mul3A_684 = arith.muli %mul3A_2, %mul3A_683 : i32
    "tpu.region"() ({
      %run_scoped3A = tpu.sem_alloc : memref<!tpu.dma_semaphore, #tpu.memory_space<semaphore_mem>>
      %dma_start3A_685 = arith.constant 0 : i32
      %dma_start3A_686 = tpu.memref_slice %arg17[%dma_start3A_685] : memref<51216xf32, #tpu.memory_space<vmem>> -> memref<51200xf32, #tpu.memory_space<vmem>>
      %dma_start3A_687 = tpu.memref_slice %arg8[%mul3A_684] : memref<1638400xf32, #tpu.memory_space<hbm>> -> memref<51200xf32, #tpu.memory_space<hbm>>
      %dma_start3A_688 = tpu.memref_slice %arg8[%mul3A_684] : memref<1638400xf32, #tpu.memory_space<hbm>> -> memref<51200xf32, #tpu.memory_space<hbm>>
      %dma_start3A_689 = arith.constant 0 : i32
      %dma_start3A_690 = tpu.memref_slice %arg17[%dma_start3A_689] : memref<51216xf32, #tpu.memory_space<vmem>> -> memref<51200xf32, #tpu.memory_space<vmem>>
      tpu.enqueue_dma source(%dma_start3A_690 : memref<51200xf32, #tpu.memory_space<vmem>>) target(%dma_start3A_688 : memref<51200xf32, #tpu.memory_space<hbm>>) target_semaphore(%run_scoped3A : memref<!tpu.dma_semaphore, #tpu.memory_space<semaphore_mem>>)
      %dma_wait3A = arith.constant 0 : i32
      %dma_wait3A_691 = tpu.memref_slice %arg17[%dma_wait3A] : memref<51216xf32, #tpu.memory_space<vmem>> -> memref<51200xf32, #tpu.memory_space<vmem>>
      %dma_wait3A_692 = tpu.memref_slice %arg8[%mul3A_684] : memref<1638400xf32, #tpu.memory_space<hbm>> -> memref<51200xf32, #tpu.memory_space<hbm>>
      %dma_wait3A_693 = tpu.memref_slice %arg8[%mul3A_684] : memref<1638400xf32, #tpu.memory_space<hbm>> -> memref<51200xf32, #tpu.memory_space<hbm>>
      %dma_wait3A_694 = arith.constant 0 : i32
      %dma_wait3A_695 = tpu.memref_slice %arg17[%dma_wait3A_694] : memref<51216xf32, #tpu.memory_space<vmem>> -> memref<51200xf32, #tpu.memory_space<vmem>>
      tpu.wait_dma2 semaphore(%run_scoped3A : memref<!tpu.dma_semaphore, #tpu.memory_space<semaphore_mem>>) src(%dma_wait3A_695 : memref<51200xf32, #tpu.memory_space<vmem>>) dst(%dma_wait3A_693 : memref<51200xf32, #tpu.memory_space<hbm>>)
      tpu.yield
    }) : () -> ()
    return
  }
}

module attributes {stable_mosaic.version = 14 : i64} {
  func.func @_mm_body(%arg0: i32, %arg1: memref<512x16xf32, #tpu.memory_space<vmem>>, %arg2: memref<16x432xf32, #tpu.memory_space<vmem>>, %arg3: memref<512x432xf32, #tpu.memory_space<vmem>>) attributes {dimension_semantics = [#tpu.dimension_semantics<arbitrary>], iteration_bounds = array<i64: 200>, scalar_prefetch = 0 : i64, scratch_operands = 0 : i64, tpu.core_type = #tpu.core_type<tc>, window_params = [{transform_indices = @transform_0, window_bounds = array<i64: 512, 16>}, {pipeline_mode = #tpu.pipeline_mode<synchronous>, transform_indices = @transform_1, window_bounds = array<i64: 16, 432>}, {transform_indices = @transform_2, window_bounds = array<i64: 512, 432>}]} {
    %get3A = arith.constant 0 : index
    %get3A_0 = arith.constant 0 : index
    %get3A_1 = vector.load %arg1[%get3A, %get3A_0] : memref<512x16xf32, #tpu.memory_space<vmem>>, vector<512x16xf32>
    %get3A_2 = arith.constant 0 : index
    %get3A_3 = arith.constant 0 : index
    %get3A_4 = vector.load %arg2[%get3A_2, %get3A_3] : memref<16x432xf32, #tpu.memory_space<vmem>>, vector<16x432xf32>
    %dot_general3A = arith.constant dense<0.000000e+00> : vector<512x432xf32>
    %dot_general3A_5 = tpu.matmul %get3A_1, %get3A_4, %dot_general3A {dimension_numbers = #tpu.dot_dimension_numbers<[1], [0], [0], [1], [0, 0, 1, 1], [], []>, transpose_lhs_hint = false} : vector<512x16xf32>, vector<16x432xf32>, vector<512x432xf32> -> vector<512x432xf32>
    %swap3A = arith.constant 0 : index
    %swap3A_6 = arith.constant 0 : index
    %swap3A_7 = vector.load %arg3[%swap3A, %swap3A_6] : memref<512x432xf32, #tpu.memory_space<vmem>>, vector<512x432xf32>
    tpu.vector_store %arg3[%swap3A, %swap3A_6], %dot_general3A_5 {strides = array<i32>} : memref<512x432xf32, #tpu.memory_space<vmem>>, vector<512x432xf32>,
    return
  }
  func.func @transform_0(%arg0: i32) -> (i32, i32) {
    %c0_i32 = arith.constant 0 : i32
    %c0_i32_0 = arith.constant 0 : i32
    return %arg0, %c0_i32 : i32, i32
  }
  func.func @transform_1(%arg0: i32) -> (i32, i32) {
    %c0_i32 = arith.constant 0 : i32
    %c0_i32_0 = arith.constant 0 : i32
    %c0_i32_1 = arith.constant 0 : i32
    return %c0_i32, %c0_i32_0 : i32, i32
  }
  func.func @transform_2(%arg0: i32) -> (i32, i32) {
    %c0_i32 = arith.constant 0 : i32
    %c0_i32_0 = arith.constant 0 : i32
    return %arg0, %c0_i32 : i32, i32
  }
}

</mosaic_0001>

<sc_bundles>
// kernel: kernel.4.cloned.1.call-start
scs
__scs_entry_jumppad:
0x0: {  	(pc) =	sbr.rel $0x88, $3  }
0x1: {  	(tag) =	ssettag $0x0;
	lr =	simm.s32 $0x1  }
0x2: {  	[smem:$0x3F9D] =	sst lr;
	_ =	strace $0xD0000000  }
0x3: {  	_ = 	snop  }
0x4: {  	_ = 	snop  }
0x5: {  	_ = 	snop  }
0x6: {  	_ = 	snop  }
0x7: {  	_ = 	snop  }
__scs_overlays_trampoline_lowered:
0x8: {  	[smem:$0x3FAC] =	sst s0  }
0x9: {  	[smem:$0x3FAD] =	sst s1  }
0xa: {  	[smem:$0x3FAE] =	sst s2  }
0xb: {  	[smem:$0x3FAF] =	sst s3  }
0xc: {  	[smem:$0x3FB0] =	sst s4  }
0xd: {  	[smem:$0x3FB1] =	sst s5  }
0xe: {  	[smem:$0x3FB2] =	sst s6  }
0xf: {  	[smem:$0x3FB3] =	sst s7  }
0x10: {  	[smem:$0x3FB4] =	sst s8  }
0x11: {  	[smem:$0x3FB5] =	sst s9;
	s0 =	simm.s32 @!p0 $0x0  }
0x12: {  	s1 =	sld [smem:$0x3F9B];
	s0 =	simm.s32 @p0 $0x1  }
0x13: {  	[smem:$0x3FB6] =	sst s0;
	s0 =	simm.s32 @!p1 $0x0  }
0x14: {  	s2 =	sld [smem:$0x3F9A];
	s0 =	simm.s32 @p1 $0x1  }
0x15: {  	[smem:$0x3FB7] =	sst s0;
	s0 =	simm.s32 @!p2 $0x0  }
0x16: {  	s3 =	sld [smem:$0x3FDB];
	s0 =	simm.s32 @p2 $0x1  }
0x17: {  	s4 =	simm.s32 $0x1BF5;
	[smem:$0x3FB9] =	sst s0  }
0x18: {  	s0 =	sld [smem:$0x3F9C];
	_ =	swait.ge [sflag:s4], $0x0  }
0x19: {  	s7 =	sld [smem:$0x3F9D]  }
0x1a: {  	s8 =	sadd.s32 $0xFFFFE003, lr  }
0x1b: {  	s9 =	sadd.s32 $0xFFFFFEF7, lr;
	s5 =	simm.s32 $0xFFFFFFFF;
	p2 =	slt.u32 s8, $0xFFFFF086  }
0x1c: {  	p1 =	slt.u32 s9, $0xF7A;
	s5 =	simm.s32 @!p2 $0x0  }
0x1d: {  	s5 =	simm.s32 @p1 $0x1;
	p0 =	seq.s32 s7, s2  }
0x1e: {  	s7 =	smul.u32 @!p0 $0xF7A, s2;
	p2 =	seq.s32 @!p0 s5, $0x0  }
0x1f: {  	s9 =	smul.u32 $0xF7A, s1;
	s8 =	simm.s32 @!p0 $0x1BF5;
	p2 =	por !p2, p0  }
0x20: {  	[sflag:s8] =	ssyncset.s32 @!p0 $0xFFFFF086;
	s6 =	sadd.s32 @!p0 s3, s7;
	s7 =	simm.s32 @!p0 $0x108  }
0x21: {  	s3 =	sadd.s32 s3, s9;
	s6 =	sadd.s32 @!p0 $0x88, s6;
	s7 =	simm.s32 @p2 $0x1082  }
0x22: {  	[simem:s7], [sflag:s8] =	dma.local @!p0 [hbm:s6], $0xF7A  }
0x23: {  	s9 =	sor.u32 $0xD0000000, s2;
	s6 =	simm.s32 $0x108;
	_ =	swait.ge @!p0 [sflag:s8], $0x0  }
0x24: {  	s3 =	sadd.s32 $0x88, s3;
	s6 =	simm.s32 @!p1 $0x1082;
	[sflag:s4] =	ssyncset.s32 $0xFFFFF086  }
0x25: {  	[simem:s6], [sflag:s4] =	dma.local [hbm:s3], $0xF7A  }
0x26: {  	[smem:$0x3F9D] =	sst s1;
	(tag) =	ssettag s2;
	_ =	strace s9  }
0x27: {  	s1 =	sld [smem:$0x3FAD]  }
0x28: {  	s2 =	sld [smem:$0x3FAE]  }
0x29: {  	s4 =	sld [smem:$0x3FB0]  }
0x2a: {  	p0 =	seq.s32 s5, $0x0;
	s5 =	sld [smem:$0x3FB1]  }
0x2b: {  	s6 =	sld [smem:$0x3FB2]  }
0x2c: {  	s7 =	sld [smem:$0x3FB3]  }
0x2d: {  	s3 =	simm.s32 $0x108;
	s8 =	sld [smem:$0x3FB4]  }
0x2e: {  	s3 =	simm.s32 @!p0 $0x1082;
	s9 =	sld [smem:$0x3FB5]  }
0x2f: {  	lr =	sadd.s32 s0, s3;
	s0 =	sld [smem:$0x3FAC]  }
0x30: {  	s3 =	sld [smem:$0x3FAF]  }
0x31: {  	[smem:$0x3FB8] =	sst s10  }
0x32: {  	s10 =	sld [smem:$0x3FB6];
	_ =	sdelay $0x3  }
0x33: {  	p0 =	seq.s32 s10, $0x1;
	s10 =	sld [smem:$0x3FB8];
	_ =	sdelay $0x3  }
0x34: {  	[smem:$0x3FB8] =	sst s10  }
0x35: {  	s10 =	sld [smem:$0x3FB7];
	_ =	sdelay $0x3  }
0x36: {  	p1 =	seq.s32 s10, $0x1;
	s10 =	sld [smem:$0x3FB8];
	_ =	sdelay $0x3  }
0x37: {  	[smem:$0x3FB8] =	sst s10  }
0x38: {  	s10 =	sld [smem:$0x3FB9]  }
0x39: {  	_ = 	snop;
	(pc) =	sbr.ind lr, $3  }
0x3a: {  	_ = 	snop  }
0x3b: {  	_ = 	snop  }
0x3c: {  	p2 =	seq.s32 s10, $0x1;
	s10 =	sld [smem:$0x3FB8]  }
0x3d: {  	_ =	shalt  }
0x3e: {  	_ =	shalt  }
0x3f: {  	_ =	shalt  }
0x40: {  	_ =	shalt  }
0x41: {  	_ =	shalt  }
0x42: {  	_ =	shalt  }
0x43: {  	_ =	shalt  }
0x44: {  	_ =	shalt  }
0x45: {  	_ =	shalt  }
0x46: {  	_ =	shalt  }
0x47: {  	_ =	shalt  }
0x48: {  	_ =	shalt  }
0x49: {  	_ =	shalt  }
0x4a: {  	_ =	shalt  }
0x4b: {  	_ =	shalt  }
0x4c: {  	_ =	shalt  }
0x4d: {  	_ =	shalt  }
0x4e: {  	_ =	shalt  }
0x4f: {  	_ =	shalt  }
0x50: {  	_ =	shalt  }
0x51: {  	_ =	shalt  }
0x52: {  	_ =	shalt  }
0x53: {  	_ =	shalt  }
0x54: {  	_ =	shalt  }
0x55: {  	_ =	shalt  }
0x56: {  	_ =	shalt  }
0x57: {  	_ =	shalt  }
0x58: {  	_ =	shalt  }
0x59: {  	_ =	shalt  }
0x5a: {  	_ =	shalt  }
0x5b: {  	_ =	shalt  }
0x5c: {  	_ =	shalt  }
0x5d: {  	_ =	shalt  }
0x5e: {  	_ =	shalt  }
0x5f: {  	_ =	shalt  }
0x60: {  	_ =	shalt  }
0x61: {  	_ =	shalt  }
0x62: {  	_ =	shalt  }
0x63: {  	_ =	shalt  }
0x64: {  	_ =	shalt  }
0x65: {  	_ =	shalt  }
0x66: {  	_ =	shalt  }
0x67: {  	_ =	shalt  }
0x68: {  	_ =	shalt  }
0x69: {  	_ =	shalt  }
0x6a: {  	_ =	shalt  }
0x6b: {  	_ =	shalt  }
0x6c: {  	_ =	shalt  }
0x6d: {  	_ =	shalt  }
0x6e: {  	_ =	shalt  }
0x6f: {  	_ =	shalt  }
0x70: {  	_ =	shalt  }
0x71: {  	_ =	shalt  }
0x72: {  	_ =	shalt  }
0x73: {  	_ =	shalt  }
0x74: {  	_ =	shalt  }
0x75: {  	_ =	shalt  }
0x76: {  	_ =	shalt  }
0x77: {  	_ =	shalt  }
0x78: {  	_ =	shalt  }
0x79: {  	_ =	shalt  }
0x7a: {  	_ =	shalt  }
0x7b: {  	_ =	shalt  }
0x7c: {  	_ =	shalt  }
0x7d: {  	_ =	shalt  }
0x7e: {  	_ =	shalt  }
0x7f: {  	_ =	shalt  }
0x80: {  	_ =	shalt  }
0x81: {  	_ =	shalt  }
0x82: {  	_ =	shalt  }
0x83: {  	_ =	shalt  }
0x84: {  	_ =	shalt  }
0x85: {  	_ =	shalt  }
0x86: {  	_ =	shalt  }
0x87: {  	_ =	shalt  }
.Lfunc_end0:
.L_simem_size_0:
called_computation_lowered:
.L_overlay_start_0:
0x88: {  	s2 =	sld [smem:$0x3FD9]  }
0x89: {  	s3 =	sld [smem:$0x3FFE];
	_ =	sdelay $0x1  }
0x8a: {  	s1 =	srdreg.scid  }
0x8b: {  	s0 =	sand.u32 $0x1, s1  }
0x8c: {  	s17 =	sshll.u32 s0, $0xA;
	s2 =	sadd.s32 s3, s2  }
0x8d: {  	s2 =	sadd.s32 s2, s17  }
0x8e: {  	[smem:$0x3FC4] =	sst s2  }
0x8f: {  	_ = 	snop  }
0x90: {  	s2 =	sld [smem:$0x3FC6]  }
0x91: {  	s18 =	sld [smem:$0x3FD0];
	(tm) =	ssettm $0x1  }
0x92: {  	s4 =	sld [smem:$0x3FFB];
	_ =	sdelay $0x3  }
0x93: {  	_ =	strace s4  }
0x94: {  	s4 =	sld [smem:$0x3FFC];
	_ =	sdelay $0x3  }
0x95: {  	_ =	strace s4  }
0x96: {  	s4 =	sld [smem:$0x3FFD];
	_ =	sdelay $0x3  }
0x97: {  	_ =	strace s4  }
0x98: {  	_ =	strace $0x8FFFFFFF  }
0x99: {  	s19 =	sld [smem:$0x3FDB];
	_ =	sdelay $0x1  }
0x9a: {  	s5 =	simm.s32 $_scs_section_size  }
0x9b: {  	s6 =	simm.s32 $_size__tile_overlayer_lowered;
	s7 =	simm.s32 $_tile_overlayer_lowered  }
0x9c: {  	s22 =	simm.s32 $0x1BFF;
	s21 =	sshll.u32 s7, $0x1;
	s4 =	sadd.s32 s5, s19  }
0x9d: {  	s8 =	simm.s32 $0x0;
	s20 =	sshll.u32 s6, $0x1;
	s6 =	sadd.s32 s21, s4  }
0x9e: {  	[timem:s8], [sflag:s22] =	dma.local [hbm:s6], s20  }
0x9f: {  	_ =	swait.ge [sflag:s22], s20  }
0xa0: {  	s5 =	ssub.s32 $0x0, s20;
	[sflag:s22] =	ssyncset.done $0x0  }
0xa1: {  	[sflag:s22] =	ssyncadd.s32 s5;
	_ =	sdelay $0x1  }
0xa2: {  	s23 =	simm.s32 $0x1B8B  }
0xa3: {  	_ =	swait.ge [sflag:s23], $0x1  }
0xa4: {  	[sflag:s23] =	ssyncset.done $0x0  }
0xa5: {  	s25 =	simm.s32 $0x1B8E;
	s24 =	sld [smem:$0x3FFE];
	[sflag:s23] =	ssyncadd.s32 $0xFFFFFFFF  }
0xa6: {  	s26 =	simm.s32 $execute0_lowered;
	[smem:$0x3FD2] =	sst s25  }
0xa7: {  	s6 =	sshll.u32 s26, $0x1;
	_ =	strace $0x80000046;
	[dreg:$0x1] =	wrdreg $0xFFFFFFFF  }
0xa8: {  	s28 =	simm.s32 $_size_execute0_lowered;
	s4 =	sadd.s32 s4, s6;
	[dreg:$0x0] =	wrdreg $0x0  }
0xa9: {  	s6 =	sshll.u32 s28, $0x1;
	[dreg:$0x2] =	wrdreg s4  }
0xaa: {  	[dreg:$0x3] =	wrdreg s6  }
0xab: {  	[dreg:$0x4] =	wrdreg $0xC0  }
0xac: {  	_ =	task [dreg:s8], $0x5FFFF  }
0xad: {  	[dreg:$0x1] =	wrdreg $0xFFFFFFFF  }
0xae: {  	[dreg:$0x0] =	wrdreg $0x60  }
0xaf: {  	[dreg:$0x2] =	wrdreg s18  }
0xb0: {  	[dreg:$0x3] =	wrdreg s24  }
0xb1: {  	[dreg:$0x4] =	wrdreg s2  }
0xb2: {  	[dreg:$0x5] =	wrdreg $0x9  }
0xb3: {  	_ =	task.clear_ibuf [dreg:s8], $0x6FFFF;
	_ =	strace $0x90000046  }
0xb4: {  	s29 =	simm.s32 $0x9;
	_ =	strace $0x80000048  }
0xb5: {  	_ =	swait.ge [sflag:s29], $0x1  }
0xb6: {  	[sflag:s29] =	ssyncadd.s32 $0xFFFFFFFF  }
0xb7: {  	_ =	strace $0x90000048  }
0xb8: {  	_ =	sfence  }
0xb9: {  	s30 =	sld [smem:$0x0];
	_ =	sdelay $0x2  }
0xba: {  	s31 =	sshll.u32 s1, $0xD;
	s1 =	sshrl.u32 s1, $0x2  }
0xbb: {  	s3 =	sand.u32 $0x4000, s31;
	s1 =	sadd.s32 s1, s30  }
0xbc: {  	s0 =	sor.u32 s3, s0;
	s1 =	sshll.u32 s1, $0x11  }
0xbd: {  	s0 =	sor.u32 s1, s0  }
0xbe: {  	s0 =	sadd.s32 $0x8F2B, s0  }
0xbf: {  	[sflag:s0] =	ssyncadd.remote.s32 $0x1  }
0xc0: {  	_ =	sfence.sel $0xFFFF  }
0xc1: {  	[dreg:$0x0] =	wrdreg $0xFFFFFFFF;
	(pc) =	sbr.abs _section_cstart, $3  }
0xc2: {  	[dreg:$0x1] =	wrdreg $0xFFFFFFFF  }
0xc3: {  	_ =	task.clear_ibuf [dreg:s8], $0x2FFFF;
	_ =	strace $0x9FFFFFFF  }
0xc4: {  	(tm) =	ssettm $0x7FFFFFFF  }
0xc5: {  	_ =	shalt  }
tec
execute0_lowered:
.L_overlay_start_1:
0x0: {  	(tag) =	ssettag $0x1  }
0x1: {  	s0 =	rddreg [dreg:$0x0]  }
0x2: {  	s1 =	rddreg [dreg:$0x1]  }
0x3: {  	s2 =	srdreg.scid;
	s3 =	stileid.u32;
	s11 =	simm.s32 $0x3  }
0x4: {  	s12 =	simm.s32 $0xC80;
	s15 =	simm.s32 $0xFFFFFFFF;
	s18 =	simm.s32 $0x1  }
0x5: {  	s22 =	simm.s32 $0x3200;
	s2 =	sand.u32 $0x1, s2;
	s4 =	sshll.u32 s3, $0x1  }
0x6: {  	s23 =	simm.s32 $0x5880;
	s3 =	simm.s32 $0x0;
	s4 =	sor.u32 s2, s4  }
0x7: {  	[smem:$0x7FF] =	sst s3;
	s2 =	ssub.s32 $0x2, s2;
	s6 =	smul.u32 $0x190, s4  }
0x8: {  	s5 =	sadd.s32 $0x960000, s1;
	_ =	strace $0x80000047;
	s25 =	sshrl.u32 s2, $0x1  }
0x9: {  	s7 =	smul.u32 $0x1900, s4;
	s2 =	ssub.s32 s2, s25;
	s0 =	sadd.s32 s0, s6  }
0xa: {  	s8 =	sadd.s32 s6, s1;
	s31 =	smax.u32 s2, $0x1;
	[dreg:$0x4] =	wrdreg s0  }
0xb: {  	s4 =	sadd.s32 $0x9600, s1;
	s26 =	sadd.s32 $0x6400, s8;
	[dreg:$0x8] =	wrdreg s31  }
0xc: {  	s1 =	sadd.s32 s7, s1;
	s29 =	sadd.s32 $0x3200, s8;
	[dreg:$0x5] =	wrdreg s26  }
0xd: {  	s24 =	simm.s32 $0x80;
	s30 =	sadd.s32 $0xD1A00, s1;
	[dreg:$0x6] =	wrdreg s29  }
0xe: {  	v0 =	vimm.s32 $0x0;
	s28 =	simm.s32 $0x0;
	s25 =	simm.s32 $0x2;
	[dreg:$0x7] =	wrdreg s30  }
.LBB2_1:
0xf: {  	s0 =	rddreg [dreg:$0x4]  }
0x10: {  	[tilespmem:s3], [sflag:$0x3] =	stream.linear.gather [hbm4b:s0+s3], $0xC80, $0x38;
	[tilespmem:$0x1F520] =	vst v63  }
0x11: {  	_ =	swait.ge [sflag:s11], $0xC80  }
0x12: {  	[sflag:s11] =	ssyncset.done $0x0  }
0x13: {  	s14 =	rddreg [dreg:$0x5];
	[sflag:s11] =	ssyncadd.s32 $0xFFFFF380  }
0x14: {  	[tilespmem:s12], [sflag:$0x3] =	stream.linear.gather [hbm4b:s14+s3], $0xC80, $0x38;
	[tilespmem:$0x1F520] =	vst v63  }
0x15: {  	_ =	swait.ge [sflag:s11], $0xC80  }
0x16: {  	[sflag:s11] =	ssyncset.done $0x0  }
0x17: {  	s1 =	simm.s32 $0x1900;
	s16 =	rddreg [dreg:$0x6];
	[sflag:s11] =	ssyncadd.s32 $0xFFFFF380  }
0x18: {  	[tilespmem:s1], [sflag:$0x3] =	stream.linear.gather [hbm4b:s16+s3], $0xC80, $0x38;
	[tilespmem:$0x1F520] =	vst v63  }
0x19: {  	_ =	swait.ge [sflag:s11], $0xC80  }
0x1a: {  	[sflag:s11] =	ssyncset.done $0x0  }
0x1b: {  	[sflag:s11] =	ssyncadd.s32 $0xFFFFF380  }
0x1c: {  	s19 =	simm.s32 $0x1F510;
	s17 =	rddreg [dreg:$0x2]  }
0x1d: {  	[tilespmem:s19], [sflag:$0x3] =	stream.linear.gather [hbm4b:s17+s3], $0x10, $0x38;
	[tilespmem:$0x1F520] =	vst v63  }
0x1e: {  	_ =	swait.ge [sflag:s11], $0x10  }
0x1f: {  	[sflag:s11] =	ssyncset.done $0x0  }
0x20: {  	[sflag:s11] =	ssyncadd.s32 $0xFFFFFFF0  }
0x21: {  	[smem:$0x0] =	sst s15  }
0x22: {  	[smem:$0x8] =	sst s15  }
0x23: {  	[smem:$0x10] =	sst s15  }
0x24: {  	[smem:$0x18] =	sst s15  }
0x25: {  	[smem:$0x20] =	sst s15  }
0x26: {  	[smem:$0x28] =	sst s15  }
0x27: {  	[smem:$0x30] =	sst s15  }
0x28: {  	[smem:$0x38] =	sst s15  }
0x29: {  	[smem:$0x40] =	sst s15  }
0x2a: {  	[smem:$0x48] =	sst s3  }
0x2b: {  	[smem:$0x50] =	sst s3  }
0x2c: {  	[smem:$0x58] =	sst s3  }
0x2d: {  	[smem:$0x60] =	sst s3  }
0x2e: {  	[smem:$0x68] =	sst s3  }
0x2f: {  	[smem:$0x70] =	sst s3  }
0x30: {  	[smem:$0x78] =	sst s3  }
0x31: {  	[smem:$0x80] =	sst s3  }
0x32: {  	[smem:$0x88] =	sst s3  }
0x33: {  	[smem:$0x90] =	sst s18  }
0x34: {  	[smem:$0x98] =	sst s18  }
0x35: {  	[smem:$0xA0] =	sst s18  }
0x36: {  	[smem:$0xA8] =	sst s18  }
0x37: {  	[smem:$0xB0] =	sst s18  }
0x38: {  	[smem:$0xB8] =	sst s18  }
0x39: {  	[smem:$0xC0] =	sst s18  }
0x3a: {  	[smem:$0xC8] =	sst s18  }
0x3b: {  	[smem:$0xD0] =	sst s18  }
0x3c: {  	[smem:$0x1] =	sst s15  }
0x3d: {  	[smem:$0x9] =	sst s15  }
0x3e: {  	[smem:$0x11] =	sst s15  }
0x3f: {  	[smem:$0x19] =	sst s3  }
0x40: {  	[smem:$0x21] =	sst s3  }
0x41: {  	[smem:$0x29] =	sst s3  }
0x42: {  	[smem:$0x31] =	sst s18  }
0x43: {  	[smem:$0x39] =	sst s18  }
0x44: {  	[smem:$0x41] =	sst s18  }
0x45: {  	[smem:$0x49] =	sst s15  }
0x46: {  	[smem:$0x51] =	sst s15  }
0x47: {  	[smem:$0x59] =	sst s15  }
0x48: {  	[smem:$0x61] =	sst s3  }
0x49: {  	[smem:$0x69] =	sst s3  }
0x4a: {  	[smem:$0x71] =	sst s3  }
0x4b: {  	[smem:$0x79] =	sst s18  }
0x4c: {  	[smem:$0x81] =	sst s18  }
0x4d: {  	[smem:$0x89] =	sst s18  }
0x4e: {  	[smem:$0x91] =	sst s15  }
0x4f: {  	[smem:$0x99] =	sst s15  }
0x50: {  	[smem:$0xA1] =	sst s15  }
0x51: {  	[smem:$0xA9] =	sst s3  }
0x52: {  	[smem:$0xB1] =	sst s3  }
0x53: {  	[smem:$0xB9] =	sst s3  }
0x54: {  	[smem:$0xC1] =	sst s18  }
0x55: {  	[smem:$0xC9] =	sst s18  }
0x56: {  	[smem:$0xD1] =	sst s18  }
0x57: {  	[smem:$0x2] =	sst s15  }
0x58: {  	[smem:$0xA] =	sst s3  }
0x59: {  	[smem:$0x12] =	sst s18  }
0x5a: {  	[smem:$0x1A] =	sst s15  }
0x5b: {  	[smem:$0x22] =	sst s3  }
0x5c: {  	[smem:$0x2A] =	sst s18  }
0x5d: {  	[smem:$0x32] =	sst s15  }
0x5e: {  	[smem:$0x3A] =	sst s3  }
0x5f: {  	[smem:$0x42] =	sst s18  }
0x60: {  	[smem:$0x4A] =	sst s15  }
0x61: {  	[smem:$0x52] =	sst s3  }
0x62: {  	[smem:$0x5A] =	sst s18  }
0x63: {  	[smem:$0x62] =	sst s15  }
0x64: {  	[smem:$0x6A] =	sst s3  }
0x65: {  	s0 =	simm.s32 $0xCA0;
	s1 =	simm.s32 $0xFFFD8F01;
	[smem:$0x72] =	sst s18  }
0x66: {  	v1 =	vld [tilespmem:s0+$0xFFFFFFE0];
	[smem:$0x2B] =	sst s1;
	s1 =	simm.s32 $0x20  }
0x67: {  	[smem:$0x7A] =	sst s15;
	v2 =	vld [tilespmem:s1+$0xFFFFFFE0]  }
0x68: {  	s14 =	simm.s32 $0x190;
	[smem:$0x82] =	sst s3  }
0x69: {  	[smem:$0x83] =	sst s14;
	s14 =	simm.s32 $0x1920  }
0x6a: {  	[smem:$0x8A] =	sst s18;
	v3 =	vld [tilespmem:s14+$0xFFFFFFE0]  }
0x6b: {  	[smem:$0x92] =	sst s15  }
0x6c: {  	[smem:$0x9A] =	sst s3;
	v1 =	vmul.u32 $0x190, v1;
	v2 =	vmul.u32 $0x27100, v2  }
0x6d: {  	s2 =	simm.s32 $0xFFFD908F;
	[smem:$0xA2] =	sst s18  }
0x6e: {  	[smem:$0x33] =	sst s2;
	s2 =	simm.s32 $0x191;
	v2 =	vadd.s32 v2, v1  }
0x6f: {  	[smem:$0x8B] =	sst s2;
	s2 =	simm.s32 $0x25A0;
	v2 =	vadd.s32 v3, v2  }
0x70: {  	[smem:$0xAA] =	sst s15;
	v1 =	vld [tilespmem:$0x1F510];
	[tilespmem:s2+$0xFFFFFFE0] =	vst v2  }
0x71: {  	[smem:$0xB2] =	sst s3;
	v2 =	vld [tilespmem:s1+$0xFFFFFFF0]  }
0x72: {  	[smem:$0xBA] =	sst s18;
	v3 =	vld [tilespmem:s0+$0xFFFFFFF0]  }
0x73: {  	[smem:$0xC2] =	sst s15  }
0x74: {  	[smem:$0xCA] =	sst s3  }
0x75: {  	s20 =	simm.s32 $0xFFFD8D6F;
	[smem:$0xD2] =	sst s18;
	v4 =	vld [tilespmem:s14+$0xFFFFFFF0]  }
0x76: {  	s21 =	simm.s32 $0xFFFD8D70;
	[smem:$0x3] =	sst s20  }
0x77: {  	s26 =	simm.s32 $0xFFFD8D71;
	[smem:$0xB] =	sst s21;
	v2 =	vmul.u32 $0x27100, v2;
	v3 =	vmul.u32 $0x190, v3  }
0x78: {  	s30 =	simm.s32 $0xFFFD8EFF;
	[smem:$0x13] =	sst s26  }
0x79: {  	s31 =	simm.s32 $0xFFFD8F00;
	[smem:$0x1B] =	sst s30;
	v2 =	vadd.s32 v2, v3  }
0x7a: {  	s6 =	simm.s32 $0xFFFD9090;
	[smem:$0x23] =	sst s31;
	v2 =	vadd.s32 v4, v2  }
0x7b: {  	s7 =	simm.s32 $0xFFFD9091;
	[smem:$0x3B] =	sst s6;
	[tilespmem:s2+$0xFFFFFFF0] =	vst v2  }
0x7c: {  	s8 =	simm.s32 $0xFFFFFE6F;
	[smem:$0x43] =	sst s7;
	v2 =	vld [tilespmem:s1+$0x0]  }
0x7d: {  	s9 =	simm.s32 $0xFFFFFE70;
	[smem:$0x4B] =	sst s8;
	v3 =	vld [tilespmem:s0+$0x0]  }
0x7e: {  	s10 =	simm.s32 $0xFFFFFE71;
	[smem:$0x53] =	sst s9  }
0x7f: {  	[smem:$0x5B] =	sst s10  }
0x80: {  	[smem:$0x63] =	sst s15;
	v4 =	vld [tilespmem:s14+$0x0]  }
0x81: {  	[smem:$0x6B] =	sst s3  }
0x82: {  	s13 =	simm.s32 $0x18F;
	[smem:$0x73] =	sst s18;
	v2 =	vmul.u32 $0x27100, v2;
	v3 =	vmul.u32 $0x190, v3  }
0x83: {  	s16 =	simm.s32 $0x26F6F;
	[smem:$0x7B] =	sst s13  }
0x84: {  	s17 =	simm.s32 $0x26F70;
	[smem:$0x93] =	sst s16;
	v2 =	vadd.s32 v2, v3  }
0x85: {  	s19 =	simm.s32 $0x270FF;
	[smem:$0x9B] =	sst s17;
	v2 =	vadd.s32 v4, v2  }
0x86: {  	s6 =	simm.s32 $0x26F71;
	[smem:$0xAB] =	sst s19;
	[tilespmem:s2+$0x0] =	vst v2  }
0x87: {  	s20 =	simm.s32 $0x27100;
	[smem:$0xA3] =	sst s6;
	v4 =	vld [tilespmem:s1+$0x10]  }
0x88: {  	s21 =	simm.s32 $0x27101;
	[smem:$0xB3] =	sst s20;
	v3 =	vld [tilespmem:s0+$0x10]  }
0x89: {  	s26 =	simm.s32 $0x2728F;
	[smem:$0xBB] =	sst s21  }
0x8a: {  	s29 =	simm.s32 $0x6540;
	s30 =	simm.s32 $0x27290;
	[smem:$0xC3] =	sst s26  }
0x8b: {  	s31 =	simm.s32 $0x27291;
	s13 =	simm.s32 $0x0;
	[smem:$0xCB] =	sst s30;
	v2 =	vld [tilespmem:s14+$0x10]  }
0x8c: {  	s16 =	simm.s32 $0x25E0;
	[smem:$0xD3] =	sst s31;
	s14 =	simm.s32 $0x1960;
	v4 =	vmul.u32 $0x27100, v4  }
.LBB2_2:
0x8d: {  	s13 =	sadd.s32 $0x4, s13;
	v3 =	vmul.u32 $0x190, v3;
	s1 =	sadd.s32 $0x40, s1;
	s0 =	sadd.s32 $0x40, s0  }
0x8e: {  	p0 =	slt.u32 s13, $0xC4  }
0x8f: {  	v3 =	vadd.s32 v4, v3  }
0x90: {  	v2 =	vadd.s32 v2, v3  }
0x91: {  	[tilespmem:s2+$0x10] =	vst v2;
	s2 =	smov.u32 s16  }
0x92: {  	v2 =	vld [tilespmem:s0+$0xFFFFFFE0]  }
0x93: {  	v3 =	vld [tilespmem:s1+$0xFFFFFFE0];
	_ =	sdelay $0x2  }
0x94: {  	v4 =	vld [tilespmem:s14+$0xFFFFFFE0];
	_ =	sdelay $0x1  }
0x95: {  	v2 =	vmul.u32 $0x190, v2;
	v3 =	vmul.u32 $0x27100, v3;
	_ =	sdelay $0x1  }
0x96: {  	v2 =	vadd.s32 v3, v2  }
0x97: {  	v2 =	vadd.s32 v4, v2  }
0x98: {  	[tilespmem:s16+$0xFFFFFFE0] =	vst v2  }
0x99: {  	v2 =	vld [tilespmem:s1+$0xFFFFFFF0]  }
0x9a: {  	v3 =	vld [tilespmem:s0+$0xFFFFFFF0];
	_ =	sdelay $0x2  }
0x9b: {  	v4 =	vld [tilespmem:s14+$0xFFFFFFF0];
	_ =	sdelay $0x1  }
0x9c: {  	v2 =	vmul.u32 $0x27100, v2;
	v3 =	vmul.u32 $0x190, v3;
	_ =	sdelay $0x1  }
0x9d: {  	v2 =	vadd.s32 v2, v3  }
0x9e: {  	v2 =	vadd.s32 v4, v2  }
0x9f: {  	[tilespmem:s16+$0xFFFFFFF0] =	vst v2  }
0xa0: {  	v2 =	vld [tilespmem:s1+$0x0]  }
0xa1: {  	v3 =	vld [tilespmem:s0+$0x0];
	_ =	sdelay $0x2  }
0xa2: {  	v4 =	vld [tilespmem:s14+$0x0];
	_ =	sdelay $0x1  }
0xa3: {  	v2 =	vmul.u32 $0x27100, v2;
	v3 =	vmul.u32 $0x190, v3;
	_ =	sdelay $0x1  }
0xa4: {  	v2 =	vadd.s32 v2, v3  }
0xa5: {  	v2 =	vadd.s32 v4, v2  }
0xa6: {  	[tilespmem:s16+$0x0] =	vst v2  }
0xa7: {  	v4 =	vld [tilespmem:s1+$0x10]  }
.Ltmp0:
0xa8: {  	v3 =	vld [tilespmem:s0+$0x10];
	(pc) =	sbr.rel @p0 .LBB2_2-.Ltmp0, $2  }
0xa9: {  	v2 =	vld [tilespmem:s14+$0x10];
	_ =	sdelay $0x2  }
0xaa: {  	s16 =	sadd.s32 $0x40, s16;
	s14 =	sadd.s32 $0x40, s14;
	v4 =	vmul.u32 $0x27100, v4  }
0xab: {  	v3 =	vmul.u32 $0x190, v3;
	_ =	sdelay $0x1  }
0xac: {  	v3 =	vadd.s32 v4, v3  }
0xad: {  	v2 =	vadd.s32 v2, v3  }
0xae: {  	[tilespmem:s2+$0x10] =	vst v2  }
0xaf: {  	[tilespmem:s29+$0xFFFFFFC0] =	vst v1  }
0xb0: {  	[tilespmem:s29+$0x30] =	vst v1  }
0xb1: {  	[tilespmem:s29+$0x20] =	vst v1  }
0xb2: {  	[tilespmem:s29+$0x10] =	vst v1  }
0xb3: {  	[tilespmem:s29+$0x0] =	vst v1  }
0xb4: {  	[tilespmem:s29+$0xFFFFFFF0] =	vst v1  }
0xb5: {  	s0 =	simm.s32 $0x0;
	s1 =	simm.s32 $0x3EA0;
	s13 =	simm.s32 $0x4BA0;
	[tilespmem:s29+$0xFFFFFFE0] =	vst v1  }
.LBB2_4:
0xb6: {  	s0 =	sadd.s32 $0x8, s0;
	[tilespmem:s29+$0xFFFFFFD0] =	vst v1;
	s29 =	sadd.s32 $0x80, s29  }
0xb7: {  	[tilespmem:s29+$0xFFFFFFC0] =	vst v1;
	p0 =	slt.u32 s0, $0xC78  }
0xb8: {  	[tilespmem:s29+$0x30] =	vst v1  }
.Ltmp1:
0xb9: {  	[tilespmem:s29+$0x20] =	vst v1;
	(pc) =	sbr.rel @p0 .LBB2_4-.Ltmp1, $4  }
0xba: {  	[tilespmem:s29+$0x10] =	vst v1  }
0xbb: {  	[tilespmem:s29+$0x0] =	vst v1  }
0xbc: {  	[tilespmem:s29+$0xFFFFFFF0] =	vst v1  }
0xbd: {  	[tilespmem:s29+$0xFFFFFFE0] =	vst v1  }
0xbe: {  	[tilespmem:s29+$0xFFFFFFD0] =	vst v1  }
0xbf: {  	[tilespmem:s1+$0xFFFFFFE0] =	vst v0  }
0xc0: {  	[tilespmem:s13+$0xFFFFFFE0] =	vst v0  }
0xc1: {  	[tilespmem:s1+$0xFFFFFFF0] =	vst v0  }
0xc2: {  	[tilespmem:s13+$0xFFFFFFF0] =	vst v0  }
0xc3: {  	[tilespmem:s1+$0x0] =	vst v0  }
0xc4: {  	s16 =	simm.s32 $0xC90;
	[tilespmem:s13+$0x0] =	vst v0  }
0xc5: {  	s14 =	simm.s32 $0x1910;
	s0 =	simm.s32 $0x3210;
	s17 =	simm.s32 $0x0;
	[tilespmem:s1+$0x10] =	vst v0  }
0xc6: {  	s2 =	simm.s32 $0x10;
	s19 =	simm.s32 $0x3EE0;
	s1 =	simm.s32 $0x2590;
	[tilespmem:s13+$0x10] =	vst v0  }
.LBB2_6:
0xc7: {  	[tilespmem:s19+$0xFFFFFFE0] =	vst v0;
	s13 =	sadd.s32 $0x40, s13  }
0xc8: {  	s17 =	sadd.s32 $0x4, s17;
	[tilespmem:s13+$0xFFFFFFE0] =	vst v0  }
0xc9: {  	p0 =	slt.u32 s17, $0xCC;
	[tilespmem:s19+$0xFFFFFFF0] =	vst v0  }
.Ltmp2:
0xca: {  	[tilespmem:s13+$0xFFFFFFF0] =	vst v0;
	(pc) =	sbr.rel @p0 .LBB2_6-.Ltmp2, $4  }
0xcb: {  	[tilespmem:s19+$0x0] =	vst v0  }
0xcc: {  	[tilespmem:s13+$0x0] =	vst v0  }
0xcd: {  	[tilespmem:s19+$0x10] =	vst v0  }
0xce: {  	s19 =	sadd.s32 $0x40, s19;
	[tilespmem:s13+$0x10] =	vst v0  }
0xcf: {  	v1 =	vld [tilespmem:s16+$0xFFFFFFF0]  }
0xd0: {  	v2 =	vld [tilespmem:s2+$0xFFFFFFF0]  }
0xd1: {  	v3 =	vld [tilespmem:s14+$0xFFFFFFF0];
	_ =	sdelay $0x1  }
0xd2: {  	v4 =	vld [tilespmem:s1+$0xFFFFFFF0];
	_ =	sdelay $0x1  }
0xd3: {  	v2 =	vadd.s32 $0xFFFFFFFF, v2;
	v1 =	vadd.s32 $0xFFFFFFFF, v1  }
0xd4: {  	vm0 =	vlt.u32 v2, $0x29;
	vm1 =	vlt.u32 v1, $0x190;
	v1 =	vadd.s32 $0xFFFFFFFF, v3  }
0xd5: {  	vm2 =	vlt.u32 v1, $0x190;
	vm0 =	vmand vm0, vm1  }
0xd6: {  	v1 =	vadd.s32 $0xFFFD8D6F, v4;
	vm0 =	vmand vm0, vm2  }
0xd7: {  	v1 =	vnsel vm0, $0x0, v1  }
0xd8: {  	[tilespmem:s0+$0xFFFFFFF0] =	vst v1  }
0xd9: {  	v1 =	vld [tilespmem:s16+$0x0]  }
0xda: {  	v2 =	vld [tilespmem:s2+$0x0]  }
0xdb: {  	v3 =	vld [tilespmem:s14+$0x0]  }
0xdc: {  	v63 =	vld [tilespmem:s1+$0x0];
	_ =	sdelay $0x2  }
0xdd: {  	v1 =	vadd.s32 $0xFFFFFFFF, v1;
	v2 =	vadd.s32 $0xFFFFFFFF, v2  }
0xde: {  	s13 =	simm.s32 $0x0;
	v3 =	vadd.s32 $0xFFFFFFFF, v3;
	vm1 =	vlt.u32 v1, $0x190;
	vm2 =	vlt.u32 v2, $0x29  }
0xdf: {  	s17 =	simm.s32 $0x3230;
	s14 =	simm.s32 $0xCB0;
	s16 =	simm.s32 $0x1930;
	vm0 =	vlt.u32 v3, $0x190;
	v1 =	vadd.s32 $0xFFFD8D6F, v63;
	vm1 =	vmand vm2, vm1  }
.LBB2_8:
0xe0: {  	s13 =	sadd.s32 $0x2, s13;
	vm0 =	vmand vm1, vm0;
	s1 =	sadd.s32 $0x20, s1;
	s2 =	sadd.s32 $0x20, s2  }
0xe1: {  	p0 =	slt.u32 s13, $0xC6;
	v1 =	vnsel vm0, $0x0, v1  }
0xe2: {  	[tilespmem:s0+$0x0] =	vst v1;
	s0 =	smov.u32 s17  }
0xe3: {  	v1 =	vld [tilespmem:s14+$0xFFFFFFF0]  }
0xe4: {  	v2 =	vld [tilespmem:s2+$0xFFFFFFF0]  }
0xe5: {  	v3 =	vld [tilespmem:s16+$0xFFFFFFF0];
	_ =	sdelay $0x1  }
0xe6: {  	v4 =	vld [tilespmem:s1+$0xFFFFFFF0];
	_ =	sdelay $0x1  }
0xe7: {  	v1 =	vadd.s32 $0xFFFFFFFF, v1;
	v2 =	vadd.s32 $0xFFFFFFFF, v2  }
0xe8: {  	vm1 =	vlt.u32 v1, $0x190;
	vm0 =	vlt.u32 v2, $0x29;
	v1 =	vadd.s32 $0xFFFFFFFF, v3  }
0xe9: {  	vm2 =	vlt.u32 v1, $0x190;
	vm0 =	vmand vm0, vm1  }
0xea: {  	v1 =	vadd.s32 $0xFFFD8D6F, v4;
	vm0 =	vmand vm0, vm2  }
0xeb: {  	v1 =	vnsel vm0, $0x0, v1  }
0xec: {  	[tilespmem:s17+$0xFFFFFFF0] =	vst v1  }
0xed: {  	v1 =	vld [tilespmem:s16+$0x0]  }
0xee: {  	v2 =	vld [tilespmem:s14+$0x0]  }
0xef: {  	v3 =	vld [tilespmem:s2+$0x0];
	_ =	sdelay $0x1  }
0xf0: {  	v4 =	vld [tilespmem:s1+$0x0]  }
.Ltmp3:
0xf1: {  	v1 =	vadd.s32 $0xFFFFFFFF, v1;
	(pc) =	sbr.rel @p0 .LBB2_8-.Ltmp3, $4  }
0xf2: {  	v2 =	vadd.s32 $0xFFFFFFFF, v2  }
0xf3: {  	v3 =	vadd.s32 $0xFFFFFFFF, v3;
	vm1 =	vlt.u32 v2, $0x190  }
0xf4: {  	vm0 =	vlt.u32 v1, $0x190;
	vm2 =	vlt.u32 v3, $0x29  }
0xf5: {  	s17 =	sadd.s32 $0x20, s17;
	s16 =	sadd.s32 $0x20, s16;
	s14 =	sadd.s32 $0x20, s14;
	v1 =	vadd.s32 $0xFFFD8D6F, v4;
	vm1 =	vmand vm2, vm1  }
.Ltmp4:
0xf6: {  	(pc) =	sbr.rel .LBB2_10-.Ltmp4, $4  }
0xf7: {  	vm0 =	vmand vm1, vm0  }
0xf8: {  	v1 =	vnsel vm0, $0x0, v1  }
0xf9: {  	s29 =	simm.s32 $0x0;
	s30 =	simm.s32 $0x0;
	[tilespmem:s0+$0x0] =	vst v1  }
0xfa: {  	[tilespmem:s23], [sflag:$0x1] =	stream.indirect.gather [hbm4b:s4+s12], $0x1, s22, s12, $0xb8;
	[tilespmem:$0x1F520] =	vst v63  }
.LBB2_22:
0xfb: {  	s0 =	simm.s32 $0x12D90  }
.LBB2_26:
0xfc: {  	(v2sf) =	vpush v1, $0x0;
	_ =	sdelay $0xa  }
0xfd: {  	s0 =	sadd.s32 @p0 $0x100, s0  }
0xfe: {  	s31 =	smov.u32 @p0 s0  }
0xff: {  	v1 =	vld [tilespmem:s31+$0xFFFFFF80];
	_ =	sdelay $0x1  }
0x100: {  	s26 =	spop (v2sf)  }
0x101: {  	s0 =	sshll.u32 s26, $0xA  }
0x102: {  	s0 =	sshra.s32 s0, $0x2  }
0x103: {  	[tilespmem:s0+$0x6500] =	vst.add.f32.msk $0xffff, v1  }
0x104: {  	v1 =	vld [tilespmem:s31+$0xFFFFFF90];
	_ =	sdelay $0x4  }
0x105: {  	[tilespmem:s0+$0x6510] =	vst.add.f32.msk $0xffff, v1  }
0x106: {  	v1 =	vld [tilespmem:s31+$0xFFFFFFA0];
	_ =	sdelay $0x4  }
0x107: {  	[tilespmem:s0+$0x6520] =	vst.add.f32.msk $0xffff, v1  }
0x108: {  	v1 =	vld [tilespmem:s31+$0xFFFFFFB0];
	_ =	sdelay $0x4  }
0x109: {  	[tilespmem:s0+$0x6530] =	vst.add.f32.msk $0xffff, v1  }
0x10a: {  	v1 =	vld [tilespmem:s31+$0xFFFFFFC0];
	_ =	sdelay $0x4  }
0x10b: {  	[tilespmem:s0+$0x6540] =	vst.add.f32.msk $0xffff, v1  }
0x10c: {  	v1 =	vld [tilespmem:s31+$0xFFFFFFD0];
	_ =	sdelay $0x4  }
0x10d: {  	[tilespmem:s0+$0x6550] =	vst.add.f32.msk $0xffff, v1  }
0x10e: {  	v1 =	vld [tilespmem:s31+$0xFFFFFFE0];
	_ =	sdelay $0x4  }
0x10f: {  	[tilespmem:s0+$0x6560] =	vst.add.f32.msk $0xffff, v1  }
0x110: {  	v1 =	vld [tilespmem:s31+$0xFFFFFFF0];
	_ =	sdelay $0x4  }
0x111: {  	[tilespmem:s0+$0x6570] =	vst.add.f32.msk $0xffff, v1  }
0x112: {  	v1 =	vld [tilespmem:s31+$0x0];
	_ =	sdelay $0x4  }
0x113: {  	[tilespmem:s0+$0x6580] =	vst.add.f32.msk $0xffff, v1  }
0x114: {  	v1 =	vld [tilespmem:s31+$0x10];
	_ =	sdelay $0x4  }
0x115: {  	[tilespmem:s0+$0x6590] =	vst.add.f32.msk $0xffff, v1  }
0x116: {  	v1 =	vld [tilespmem:s31+$0x20];
	_ =	sdelay $0x4  }
0x117: {  	[tilespmem:s0+$0x65A0] =	vst.add.f32.msk $0xffff, v1  }
0x118: {  	v1 =	vld [tilespmem:s31+$0x30];
	_ =	sdelay $0x4  }
0x119: {  	[tilespmem:s0+$0x65B0] =	vst.add.f32.msk $0xffff, v1  }
0x11a: {  	v1 =	vld [tilespmem:s31+$0x40];
	_ =	sdelay $0x4  }
0x11b: {  	[tilespmem:s0+$0x65C0] =	vst.add.f32.msk $0xffff, v1  }
0x11c: {  	v1 =	vld [tilespmem:s31+$0x50];
	_ =	sdelay $0x4  }
0x11d: {  	[tilespmem:s0+$0x65D0] =	vst.add.f32.msk $0xffff, v1  }
0x11e: {  	v1 =	vld [tilespmem:s31+$0x60];
	_ =	sdelay $0x4  }
0x11f: {  	[tilespmem:s0+$0x65E0] =	vst.add.f32.msk $0xffff, v1  }
0x120: {  	v1 =	vld [tilespmem:s31+$0x70];
	_ =	sdelay $0x4  }
0x121: {  	[tilespmem:s0+$0x65F0] =	vst.add.f32.msk $0xffff, v1  }
.LBB2_27:
0x122: {  	s30 =	sadd.s32 $0x1, s30  }
0x123: {  	p0 =	sne.s32 s30, $0x1B  }
.Ltmp5:
0x124: {  	_ = 	snop;
	(pc) =	sbr.rel @!p0 .LBB2_28-.Ltmp5, $1  }
0x125: {  	_ =	sdelay $0x3  }
.LBB2_10:
0x126: {  	s0 =	sshll.u32 s30, $0x3  }
0x127: {  	s31 =	sand.u32 $0x3FFFFFF8, s0  }
0x128: {  	s0 =	sld [smem:s31+$0x0];
	s1 =	sor.u32 $0x1, s31  }
0x129: {  	s2 =	sor.u32 $0x2, s31;
	s1 =	sld [smem:s1+$0x0]  }
0x12a: {  	s13 =	sld [smem:s2+$0x0];
	_ =	swait.ge [sflag:s18], $0xC80  }
0x12b: {  	[sflag:s18] =	ssyncset.done $0x0  }
0x12c: {  	s20 =	simm.s32 $0xC80;
	[sflag:s18] =	ssyncadd.s32 $0xFFFFF380  }
0x12d: {  	v1 =	vld [tilespmem:s20+$0x0]  }
0x12e: {  	s21 =	simm.s32 $0x1900;
	v5 =	vld [tilespmem:s29+$0x0]  }
0x12f: {  	v6 =	vld [tilespmem:s21+$0x0]  }
0x130: {  	s2 =	simm.s32 $0x5880  }
0x131: {  	v7 =	vld [tilespmem:s2+$0x0]  }
0x132: {  	v3 =	vmov s0;
	v4 =	vmov s1  }
0x133: {  	v2 =	vmov s13;
	v5 =	vadd.s32 v3, v5;
	v1 =	vadd.s32 v4, v1  }
0x134: {  	vm0 =	vlt.u32 v5, $0x29;
	vm1 =	vlt.u32 v1, $0x190;
	v1 =	vadd.s32 v2, v6  }
0x135: {  	vm2 =	vlt.u32 v1, $0x190;
	vm0 =	vmand vm0, vm1  }
0x136: {  	vm15 =	vgt.s32 v7, $0xFFFFFFFF;
	vm0 =	vmand vm0, vm2  }
0x137: {  	vm0 =	vmand vm15, vm0  }
0x138: {  	v8 =	vsel vm0, $0x1, v0  }
0x139: {  	(v2sf) =	vpush v8, $0x0  }
0x13a: {  	(v2sf) =	vpush v8, $0x1  }
0x13b: {  	(v2sf) =	vpush v8, $0x2  }
0x13c: {  	(v2sf) =	vpush v8, $0x3  }
0x13d: {  	(v2sf) =	vpush v8, $0x4  }
0x13e: {  	(v2sf) =	vpush v8, $0x5  }
0x13f: {  	(v2sf) =	vpush v8, $0x6  }
0x140: {  	v5 =	vmul.u32 $0x1B, v7;
	(v2sf) =	vpush v8, $0x7  }
0x141: {  	(v2sf) =	vpush v8, $0x8  }
0x142: {  	v1 =	vmov s30;
	v5 =	vnsel vm0, $0x2932E0, v5;
	(v2sf) =	vpush v8, $0x9  }
0x143: {  	s26 =	simm.s32 $0x0;
	v5 =	vadd.s32 v1, v5;
	(v2sf) =	vpush v8, $0xA  }
0x144: {  	[tilespmem:s26+$0x3E80] =	vst v5;
	v5 =	vmov s29;
	(v2sf) =	vpush v8, $0xB  }
0x145: {  	s13 =	simm.s32 $0xC90;
	[tilespmem:s29+$0x4B80] =	vst v5;
	(v2sf) =	vpush v8, $0xC  }
0x146: {  	s14 =	simm.s32 $0x10;
	v5 =	vld [tilespmem:s13+$0x0];
	(v2sf) =	vpush v8, $0xD  }
0x147: {  	s16 =	simm.s32 $0x1910;
	s17 =	simm.s32 $0x2;
	v7 =	vld [tilespmem:s14+$0x0];
	(v2sf) =	vpush v8, $0xE  }
0x148: {  	s0 =	simm.s32 $0x0;
	s1 =	simm.s32 $0x1;
	v6 =	vld [tilespmem:s16+$0x0];
	s19 =	spop (v2sf);
	(v2sf) =	vpush v8, $0xF  }
.LBB2_11:
0x149: {  	p0 =	sne.s32 s17, $0xC7;
	s2 =	sadd.s32 $0x10, s2;
	s20 =	spop (v2sf)  }
0x14a: {  	v8 =	vld [tilespmem:s2+$0x0];
	s19 =	sor.u32 s20, s19;
	s20 =	spop (v2sf)  }
0x14b: {  	s19 =	sor.u32 s20, s19;
	s20 =	spop (v2sf)  }
0x14c: {  	v5 =	vadd.s32 v4, v5;
	v7 =	vadd.s32 v3, v7;
	s19 =	sor.u32 s20, s19;
	s20 =	spop (v2sf)  }
0x14d: {  	vm1 =	vlt.u32 v5, $0x190;
	vm0 =	vlt.u32 v7, $0x29;
	v5 =	vadd.s32 v2, v6;
	s19 =	sor.u32 s20, s19;
	s20 =	spop (v2sf)  }
0x14e: {  	vm2 =	vlt.u32 v5, $0x190;
	vm0 =	vmand vm0, vm1;
	s19 =	sor.u32 s20, s19;
	s20 =	spop (v2sf)  }
0x14f: {  	vm0 =	vmand vm0, vm2;
	vm1 =	vgt.s32 v8, $0xFFFFFFFF;
	v5 =	vmul.u32 $0x1B, v8;
	s19 =	sor.u32 s20, s19;
	s20 =	spop (v2sf)  }
0x150: {  	vm0 =	vmand vm1, vm0;
	s19 =	sor.u32 s20, s19;
	s20 =	spop (v2sf)  }
0x151: {  	v5 =	vnsel vm0, $0x2932E0, v5;
	v8 =	vsel vm0, $0x1, v0;
	s19 =	sor.u32 s20, s19;
	s20 =	spop (v2sf)  }
0x152: {  	(v2sf) =	vpush v8, $0x0;
	s19 =	sor.u32 s20, s19;
	s20 =	spop (v2sf)  }
0x153: {  	(v2sf) =	vpush v8, $0x1;
	s19 =	sor.u32 s20, s19;
	s20 =	spop (v2sf)  }
0x154: {  	(v2sf) =	vpush v8, $0x2;
	s19 =	sor.u32 s20, s19;
	s20 =	spop (v2sf)  }
0x155: {  	(v2sf) =	vpush v8, $0x3;
	s19 =	sor.u32 s20, s19;
	s20 =	spop (v2sf)  }
0x156: {  	(v2sf) =	vpush v8, $0x4;
	s19 =	sor.u32 s20, s19;
	s20 =	spop (v2sf)  }
0x157: {  	(v2sf) =	vpush v8, $0x5;
	s19 =	sor.u32 s20, s19;
	s20 =	spop (v2sf)  }
0x158: {  	(v2sf) =	vpush v8, $0x6;
	s19 =	sor.u32 s20, s19  }
0x159: {  	(v2sf) =	vpush v8, $0x7;
	s0 =	sadd.s32 s0, s19  }
0x15a: {  	s19 =	sshll.u32 s0, $0x6;
	(v2sf) =	vpush v8, $0x8  }
0x15b: {  	v5 =	vadd.s32 v1, v5;
	s19 =	sshra.s32 s19, $0x2;
	(v2sf) =	vpush v8, $0x9  }
0x15c: {  	[tilespmem:s19+$0x3E80] =	vst v5;
	v5 =	vmov s1;
	(v2sf) =	vpush v8, $0xA;
	s1 =	smov.u32 s17  }
.Ltmp6:
0x15d: {  	[tilespmem:s0+$0x4B80] =	vst v5;
	(v2sf) =	vpush v8, $0xB;
	(pc) =	sbr.rel @p0 .LBB2_11-.Ltmp6, $4  }
0x15e: {  	s13 =	sadd.s32 $0x10, s13;
	(v2sf) =	vpush v8, $0xC  }
0x15f: {  	s14 =	sadd.s32 $0x10, s14;
	v5 =	vld [tilespmem:s13+$0x0];
	(v2sf) =	vpush v8, $0xD  }
0x160: {  	s16 =	sadd.s32 $0x10, s16;
	v7 =	vld [tilespmem:s14+$0x0];
	(v2sf) =	vpush v8, $0xE  }
0x161: {  	s17 =	sadd.s32 $0x1, s17;
	v6 =	vld [tilespmem:s16+$0x0];
	s19 =	spop (v2sf);
	(v2sf) =	vpush v8, $0xF  }
0x162: {  	s2 =	sadd.s32 $0x10, s2  }
0x163: {  	v8 =	vld [tilespmem:s2+$0x0];
	_ =	sdelay $0x1  }
0x164: {  	v4 =	vadd.s32 v4, v5;
	v3 =	vadd.s32 v3, v7  }
0x165: {  	vm1 =	vlt.u32 v4, $0x190;
	vm0 =	vlt.u32 v3, $0x29;
	v2 =	vadd.s32 v2, v6  }
0x166: {  	vm2 =	vlt.u32 v2, $0x190;
	vm0 =	vmand vm0, vm1  }
0x167: {  	vm0 =	vmand vm0, vm2;
	vm15 =	vgt.s32 v8, $0xFFFFFFFF  }
0x168: {  	vm0 =	vmand vm15, vm0  }
0x169: {  	v2 =	vsel vm0, $0x1, v0  }
0x16a: {  	s2 =	spop (v2sf);
	(v2sf) =	vpush v2, $0x0  }
0x16b: {  	s13 =	spop (v2sf);
	(v2sf) =	vpush v2, $0x1  }
0x16c: {  	s14 =	spop (v2sf);
	(v2sf) =	vpush v2, $0x2  }
0x16d: {  	s16 =	spop (v2sf);
	(v2sf) =	vpush v2, $0x3  }
0x16e: {  	s17 =	spop (v2sf);
	(v2sf) =	vpush v2, $0x4  }
0x16f: {  	s20 =	spop (v2sf);
	(v2sf) =	vpush v2, $0x5  }
0x170: {  	s21 =	spop (v2sf);
	(v2sf) =	vpush v2, $0x6  }
0x171: {  	s26 =	spop (v2sf);
	(v2sf) =	vpush v2, $0x7  }
0x172: {  	s6 =	spop (v2sf);
	(v2sf) =	vpush v2, $0x8  }
0x173: {  	s7 =	spop (v2sf);
	(v2sf) =	vpush v2, $0x9  }
0x174: {  	s8 =	spop (v2sf);
	(v2sf) =	vpush v2, $0xA  }
0x175: {  	s9 =	spop (v2sf);
	(v2sf) =	vpush v2, $0xB  }
0x176: {  	s2 =	sor.u32 s2, s19;
	s10 =	spop (v2sf);
	(v2sf) =	vpush v2, $0xC  }
0x177: {  	s2 =	sor.u32 s13, s2;
	s19 =	spop (v2sf);
	(v2sf) =	vpush v2, $0xD  }
0x178: {  	s2 =	sor.u32 s14, s2;
	s13 =	spop (v2sf);
	(v2sf) =	vpush v2, $0xE  }
0x179: {  	s2 =	sor.u32 s16, s2;
	s14 =	spop (v2sf);
	(v2sf) =	vpush v2, $0xF  }
0x17a: {  	p0 =	seq.s32 s30, $0x1A;
	s2 =	sor.u32 s17, s2;
	s16 =	spop (v2sf)  }
0x17b: {  	s2 =	sor.u32 s20, s2;
	s14 =	sor.u32 s16, s14;
	s17 =	spop (v2sf)  }
0x17c: {  	s2 =	sor.u32 s21, s2;
	s14 =	sor.u32 s17, s14;
	s20 =	spop (v2sf)  }
0x17d: {  	s2 =	sor.u32 s26, s2;
	s14 =	sor.u32 s20, s14;
	s21 =	spop (v2sf)  }
0x17e: {  	s2 =	sor.u32 s6, s2;
	s14 =	sor.u32 s21, s14;
	s17 =	spop (v2sf)  }
0x17f: {  	s2 =	sor.u32 s7, s2;
	s20 =	sor.u32 s17, s14;
	s21 =	spop (v2sf)  }
0x180: {  	s2 =	sor.u32 s8, s2;
	s6 =	sor.u32 s21, s20;
	s26 =	spop (v2sf)  }
0x181: {  	s2 =	sor.u32 s9, s2;
	s6 =	sor.u32 s26, s6;
	s8 =	spop (v2sf)  }
0x182: {  	s2 =	sor.u32 s10, s2;
	s6 =	sor.u32 s8, s6;
	s9 =	spop (v2sf)  }
0x183: {  	s2 =	sor.u32 s19, s2;
	s6 =	sor.u32 s9, s6;
	s10 =	spop (v2sf)  }
0x184: {  	s2 =	sor.u32 s13, s2;
	s6 =	sor.u32 s10, s6;
	s14 =	spop (v2sf)  }
0x185: {  	s0 =	sadd.s32 s0, s2;
	v2 =	vmul.u32 $0x1B, v8;
	s6 =	sor.u32 s14, s6;
	s16 =	spop (v2sf)  }
.Ltmp7:
0x186: {  	s17 =	sor.u32 s16, s6;
	s19 =	spop (v2sf);
	(pc) =	sbr.rel @p0 .LBB2_16-.Ltmp7, $4  }
0x187: {  	v2 =	vnsel vm0, $0x2932E0, v2;
	s20 =	sshll.u32 s0, $0x6;
	s2 =	sor.u32 s19, s17;
	s21 =	spop (v2sf)  }
0x188: {  	v1 =	vadd.s32 v1, v2;
	s7 =	sshra.s32 s20, $0x2;
	s2 =	sor.u32 s21, s2;
	s26 =	spop (v2sf)  }
0x189: {  	[tilespmem:s7+$0x3E80] =	vst v1;
	v1 =	vmov s1;
	s1 =	sor.u32 s26, s2  }
0x18a: {  	[tilespmem:s0+$0x4B80] =	vst v1;
	s2 =	sadd.s32 s0, s1  }
0x18b: {  	s6 =	simm.s32 $0xC90  }
0x18c: {  	s13 =	simm.s32 $0x10;
	v4 =	vld [tilespmem:s6+$0xFFFFFFF0]  }
0x18d: {  	s7 =	sld [smem:s31+$0x8];
	s8 =	simm.s32 $0x1910;
	v5 =	vld [tilespmem:s13+$0xFFFFFFF0]  }
0x18e: {  	s9 =	sld [smem:s31+$0x9];
	v6 =	vld [tilespmem:s8+$0xFFFFFFF0]  }
0x18f: {  	s10 =	sld [smem:s31+$0xA];
	s14 =	simm.s32 $0x2590  }
0x190: {  	v7 =	vld [tilespmem:s14+$0xFFFFFFF0]  }
0x191: {  	s26 =	sld [smem:s31+$0xB];
	v1 =	vmov s7;
	v2 =	vmov s9  }
0x192: {  	v3 =	vmov s10;
	v5 =	vadd.s32 v1, v5;
	v4 =	vadd.s32 v2, v4  }
0x193: {  	vm0 =	vlt.u32 v5, $0x29;
	vm1 =	vlt.u32 v4, $0x190;
	v5 =	vadd.s32 v3, v6  }
0x194: {  	v4 =	vmov s26;
	vm2 =	vlt.u32 v5, $0x190;
	vm0 =	vmand vm0, vm1  }
0x195: {  	v5 =	vadd.s32 v4, v7;
	vm0 =	vmand vm0, vm2  }
0x196: {  	s16 =	simm.s32 $0x3210;
	v5 =	vnsel vm0, $0x0, v5  }
0x197: {  	[tilespmem:s16+$0xFFFFFFF0] =	vst v5  }
0x198: {  	v5 =	vld [tilespmem:s6+$0x0]  }
0x199: {  	v6 =	vld [tilespmem:s13+$0x0]  }
0x19a: {  	v7 =	vld [tilespmem:s8+$0x0]  }
0x19b: {  	v8 =	vld [tilespmem:s14+$0x0];
	_ =	sdelay $0x2  }
0x19c: {  	v5 =	vadd.s32 v2, v5;
	v6 =	vadd.s32 v1, v6  }
0x19d: {  	s17 =	simm.s32 $0x0;
	v7 =	vadd.s32 v3, v7;
	vm1 =	vlt.u32 v5, $0x190;
	vm2 =	vlt.u32 v6, $0x29  }
0x19e: {  	s31 =	simm.s32 $0xCB0;
	s19 =	simm.s32 $0x1930;
	s20 =	simm.s32 $0x3230;
	vm0 =	vlt.u32 v7, $0x190;
	v5 =	vadd.s32 v4, v8;
	vm1 =	vmand vm2, vm1  }
.LBB2_14:
0x19f: {  	s17 =	sadd.s32 $0x2, s17;
	vm0 =	vmand vm1, vm0;
	s14 =	sadd.s32 $0x20, s14;
	s13 =	sadd.s32 $0x20, s13  }
0x1a0: {  	p0 =	slt.u32 s17, $0xC6;
	v5 =	vnsel vm0, $0x0, v5  }
0x1a1: {  	[tilespmem:s16+$0x0] =	vst v5;
	s16 =	smov.u32 s20  }
0x1a2: {  	v5 =	vld [tilespmem:s31+$0xFFFFFFF0]  }
0x1a3: {  	v6 =	vld [tilespmem:s13+$0xFFFFFFF0]  }
0x1a4: {  	v7 =	vld [tilespmem:s19+$0xFFFFFFF0];
	_ =	sdelay $0x1  }
0x1a5: {  	v8 =	vld [tilespmem:s14+$0xFFFFFFF0];
	_ =	sdelay $0x1  }
0x1a6: {  	v5 =	vadd.s32 v2, v5;
	v6 =	vadd.s32 v1, v6  }
0x1a7: {  	vm1 =	vlt.u32 v5, $0x190;
	vm0 =	vlt.u32 v6, $0x29;
	v5 =	vadd.s32 v3, v7  }
0x1a8: {  	vm2 =	vlt.u32 v5, $0x190;
	vm0 =	vmand vm0, vm1  }
0x1a9: {  	v5 =	vadd.s32 v4, v8;
	vm0 =	vmand vm0, vm2  }
0x1aa: {  	v5 =	vnsel vm0, $0x0, v5  }
0x1ab: {  	[tilespmem:s20+$0xFFFFFFF0] =	vst v5  }
0x1ac: {  	v5 =	vld [tilespmem:s19+$0x0]  }
0x1ad: {  	v6 =	vld [tilespmem:s31+$0x0]  }
0x1ae: {  	v7 =	vld [tilespmem:s13+$0x0];
	_ =	sdelay $0x1  }
0x1af: {  	v8 =	vld [tilespmem:s14+$0x0]  }
.Ltmp8:
0x1b0: {  	v5 =	vadd.s32 v3, v5;
	(pc) =	sbr.rel @p0 .LBB2_14-.Ltmp8, $4  }
0x1b1: {  	v6 =	vadd.s32 v2, v6  }
0x1b2: {  	v7 =	vadd.s32 v1, v7;
	vm1 =	vlt.u32 v6, $0x190  }
0x1b3: {  	vm0 =	vlt.u32 v5, $0x190;
	vm2 =	vlt.u32 v7, $0x29  }
0x1b4: {  	s20 =	sadd.s32 $0x20, s20;
	s19 =	sadd.s32 $0x20, s19;
	s31 =	sadd.s32 $0x20, s31;
	v5 =	vadd.s32 v4, v8;
	vm1 =	vmand vm2, vm1  }
0x1b5: {  	vm0 =	vmand vm1, vm0  }
0x1b6: {  	v1 =	vnsel vm0, $0x0, v5  }
0x1b7: {  	[tilespmem:s16+$0x0] =	vst v1  }
0x1b8: {  	[tilespmem:s23], [sflag:$0x1] =	stream.indirect.gather [hbm4b:s4+s12], $0x1, s22, s12, $0xb8;
	[tilespmem:$0x1F520] =	vst v63  }
.LBB2_16:
0x1b9: {  	s6 =	sshll.u32 s2, $0x4  }
0x1ba: {  	s6 =	sadd.s32 $0x7F, s6  }
0x1bb: {  	s7 =	sshra.s32 s6, $0x1F  }
0x1bc: {  	s8 =	sshrl.u32 s7, $0x19  }
0x1bd: {  	s6 =	sadd.s32 s8, s6  }
0x1be: {  	s6 =	sshra.s32 s6, $0x7  }
0x1bf: {  	s16 =	sadd.s32 s7, s6  }
0x1c0: {  	p0 =	sgt.s32 s16, $0x0  }
.Ltmp9:
0x1c1: {  	_ = 	snop;
	(pc) =	sbr.rel @!p0 .LBB2_20-.Ltmp9, $1  }
0x1c2: {  	_ =	sdelay $0x3  }
0x1c3: {  	p0 =	seq.s32 s16, $0x1  }
.Ltmp10:
0x1c4: {  	_ = 	snop;
	(pc) =	sbr.rel @p0 .LBB2_19-.Ltmp10, $4  }
0x1c5: {  	s13 =	simm.s32 $0x3E80;
	s14 =	simm.s32 $0x12D10  }
0x1c6: {  	[tilespmem:s14], [sflag:$0x2] =	stream.indirect.gather [hbm4b:s5+s24], $0x10, s13, s24, $0xb8;
	[tilespmem:$0x1F520] =	vst v63  }
0x1c7: {  	_ =	swait.ge [sflag:s25], $0x800  }
0x1c8: {  	s16 =	sadd.s32 $0xFFFFFFFF, s16;
	[sflag:s25] =	ssyncset.done $0x0  }
.LBB2_18:
0x1c9: {  	[sflag:s25] =	ssyncadd.s32 $0xFFFFF800  }
0x1ca: {  	s13 =	sadd.s32 $0x80, s13;
	s14 =	sadd.s32 $0x800, s14;
	p0 =	seq.s32 s16, $0x1  }
.Ltmp11:
0x1cb: {  	s16 =	sadd.s32 $0xFFFFFFFF, s16;
	(pc) =	sbr.rel @!p0 .LBB2_18-.Ltmp11, $4  }
0x1cc: {  	_ = 	snop  }
0x1cd: {  	[tilespmem:s14], [sflag:$0x2] =	stream.indirect.gather [hbm4b:s5+s24], $0x10, s13, s24, $0xb8;
	[tilespmem:$0x1F520] =	vst v63  }
0x1ce: {  	_ =	swait.ge [sflag:s25], $0x800  }
0x1cf: {  	[sflag:s25] =	ssyncset.done $0x0  }
.LBB2_19:
0x1d0: {  	[sflag:s25] =	ssyncadd.s32 $0xFFFFF800  }
.LBB2_20:
0x1d1: {  	p0 =	slt.s32 s2, $0x1  }
.Ltmp12:
0x1d2: {  	_ = 	snop;
	(pc) =	sbr.rel @p0 .LBB2_27-.Ltmp12, $1  }
0x1d3: {  	_ =	sdelay $0x3  }
0x1d4: {  	s0 =	sadd.s32 s1, s0  }
0x1d5: {  	s26 =	simm.s32 $0x4B80;
	p1 =	sne.s32 s0, $0x1  }
.Ltmp13:
0x1d6: {  	v1 =	vld [tilespmem:s26+$0x0];
	(pc) =	sbr.rel @!p1 .LBB2_22-.Ltmp13, $2  }
0x1d7: {  	_ =	sdelay $0x2  }
0x1d8: {  	s31 =	simm.s32 $0x12D90;
	p0 =	por $0x0, $0x0;
	s0 =	sadd.s32 $0xFFFFFFFF, s0  }
0x1d9: {  	(v2sf) =	vpush v1, $0x0;
	_ =	sdelay $0xc  }
0x1da: {  	v1 =	vld [tilespmem:s31+$0xFFFFFF80];
	_ =	sdelay $0x1  }
0x1db: {  	s1 =	spop (v2sf)  }
0x1dc: {  	s1 =	sshll.u32 s1, $0xA  }
0x1dd: {  	s1 =	sshra.s32 s1, $0x2  }
0x1de: {  	[tilespmem:s1+$0x6500] =	vst.add.f32.msk $0xffff, v1  }
0x1df: {  	v1 =	vld [tilespmem:s31+$0xFFFFFF90];
	_ =	sdelay $0x4  }
0x1e0: {  	[tilespmem:s1+$0x6510] =	vst.add.f32.msk $0xffff, v1  }
0x1e1: {  	v1 =	vld [tilespmem:s31+$0xFFFFFFA0];
	_ =	sdelay $0x4  }
0x1e2: {  	[tilespmem:s1+$0x6520] =	vst.add.f32.msk $0xffff, v1  }
0x1e3: {  	v1 =	vld [tilespmem:s31+$0xFFFFFFB0];
	_ =	sdelay $0x4  }
0x1e4: {  	[tilespmem:s1+$0x6530] =	vst.add.f32.msk $0xffff, v1  }
0x1e5: {  	v1 =	vld [tilespmem:s31+$0xFFFFFFC0];
	_ =	sdelay $0x4  }
0x1e6: {  	[tilespmem:s1+$0x6540] =	vst.add.f32.msk $0xffff, v1  }
0x1e7: {  	v1 =	vld [tilespmem:s31+$0xFFFFFFD0];
	_ =	sdelay $0x4  }
0x1e8: {  	[tilespmem:s1+$0x6550] =	vst.add.f32.msk $0xffff, v1  }
0x1e9: {  	v1 =	vld [tilespmem:s31+$0xFFFFFFE0];
	_ =	sdelay $0x4  }
0x1ea: {  	[tilespmem:s1+$0x6560] =	vst.add.f32.msk $0xffff, v1  }
0x1eb: {  	v1 =	vld [tilespmem:s31+$0xFFFFFFF0];
	_ =	sdelay $0x4  }
0x1ec: {  	[tilespmem:s1+$0x6570] =	vst.add.f32.msk $0xffff, v1  }
0x1ed: {  	v1 =	vld [tilespmem:s31+$0x0];
	_ =	sdelay $0x4  }
0x1ee: {  	[tilespmem:s1+$0x6580] =	vst.add.f32.msk $0xffff, v1  }
0x1ef: {  	v1 =	vld [tilespmem:s31+$0x10];
	_ =	sdelay $0x4  }
0x1f0: {  	[tilespmem:s1+$0x6590] =	vst.add.f32.msk $0xffff, v1  }
0x1f1: {  	v1 =	vld [tilespmem:s31+$0x20];
	_ =	sdelay $0x4  }
0x1f2: {  	[tilespmem:s1+$0x65A0] =	vst.add.f32.msk $0xffff, v1  }
0x1f3: {  	v1 =	vld [tilespmem:s31+$0x30];
	_ =	sdelay $0x4  }
0x1f4: {  	[tilespmem:s1+$0x65B0] =	vst.add.f32.msk $0xffff, v1  }
0x1f5: {  	v1 =	vld [tilespmem:s31+$0x40];
	_ =	sdelay $0x4  }
0x1f6: {  	[tilespmem:s1+$0x65C0] =	vst.add.f32.msk $0xffff, v1  }
0x1f7: {  	v1 =	vld [tilespmem:s31+$0x50];
	_ =	sdelay $0x4  }
0x1f8: {  	[tilespmem:s1+$0x65D0] =	vst.add.f32.msk $0xffff, v1  }
0x1f9: {  	v1 =	vld [tilespmem:s31+$0x60];
	_ =	sdelay $0x4  }
0x1fa: {  	[tilespmem:s1+$0x65E0] =	vst.add.f32.msk $0xffff, v1  }
0x1fb: {  	v1 =	vld [tilespmem:s31+$0x70];
	_ =	sdelay $0x4  }
0x1fc: {  	p1 =	sne.s32 s0, $0x1;
	[tilespmem:s1+$0x65F0] =	vst.add.f32.msk $0xffff, v1;
	s1 =	simm.s32 $0x4B81  }
.Ltmp14:
0x1fd: {  	v1 =	vld [tilespmem:s1+$0x0];
	(pc) =	sbr.rel @!p1 .LBB2_24-.Ltmp14, $2  }
0x1fe: {  	_ =	sdelay $0x2  }
0x1ff: {  	s2 =	sadd.s32 $0xFFFFFFFF, s0;
	p0 =	por $0x1, $0x1;
	s0 =	simm.s32 $0x12D90  }
.LBB2_25:
0x200: {  	p1 =	sne.s32 s2, $0x1;
	_ =	sdelay $0x3  }
0x201: {  	(v2sf) =	vpush v1, $0x0;
	_ =	sdelay $0xb  }
0x202: {  	s0 =	sadd.s32 $0x100, s0  }
0x203: {  	v1 =	vld [tilespmem:s0+$0xFFFFFF80];
	_ =	sdelay $0x1  }
0x204: {  	s6 =	spop (v2sf)  }
0x205: {  	s6 =	sshll.u32 s6, $0xA  }
0x206: {  	s13 =	sshra.s32 s6, $0x2  }
0x207: {  	[tilespmem:s13+$0x6500] =	vst.add.f32.msk $0xffff, v1  }
0x208: {  	v1 =	vld [tilespmem:s0+$0xFFFFFF90];
	_ =	sdelay $0x4  }
0x209: {  	[tilespmem:s13+$0x6510] =	vst.add.f32.msk $0xffff, v1  }
0x20a: {  	v1 =	vld [tilespmem:s0+$0xFFFFFFA0];
	_ =	sdelay $0x4  }
0x20b: {  	[tilespmem:s13+$0x6520] =	vst.add.f32.msk $0xffff, v1  }
0x20c: {  	v1 =	vld [tilespmem:s0+$0xFFFFFFB0];
	_ =	sdelay $0x4  }
0x20d: {  	[tilespmem:s13+$0x6530] =	vst.add.f32.msk $0xffff, v1  }
0x20e: {  	v1 =	vld [tilespmem:s0+$0xFFFFFFC0];
	_ =	sdelay $0x4  }
0x20f: {  	[tilespmem:s13+$0x6540] =	vst.add.f32.msk $0xffff, v1  }
0x210: {  	v1 =	vld [tilespmem:s0+$0xFFFFFFD0];
	_ =	sdelay $0x4  }
0x211: {  	[tilespmem:s13+$0x6550] =	vst.add.f32.msk $0xffff, v1  }
0x212: {  	v1 =	vld [tilespmem:s0+$0xFFFFFFE0];
	_ =	sdelay $0x4  }
0x213: {  	[tilespmem:s13+$0x6560] =	vst.add.f32.msk $0xffff, v1  }
0x214: {  	v1 =	vld [tilespmem:s0+$0xFFFFFFF0];
	_ =	sdelay $0x4  }
0x215: {  	[tilespmem:s13+$0x6570] =	vst.add.f32.msk $0xffff, v1  }
0x216: {  	v1 =	vld [tilespmem:s0+$0x0];
	_ =	sdelay $0x4  }
0x217: {  	[tilespmem:s13+$0x6580] =	vst.add.f32.msk $0xffff, v1  }
0x218: {  	v1 =	vld [tilespmem:s0+$0x10];
	_ =	sdelay $0x4  }
0x219: {  	[tilespmem:s13+$0x6590] =	vst.add.f32.msk $0xffff, v1  }
0x21a: {  	v1 =	vld [tilespmem:s0+$0x20];
	_ =	sdelay $0x4  }
0x21b: {  	[tilespmem:s13+$0x65A0] =	vst.add.f32.msk $0xffff, v1  }
0x21c: {  	v1 =	vld [tilespmem:s0+$0x30];
	_ =	sdelay $0x4  }
0x21d: {  	[tilespmem:s13+$0x65B0] =	vst.add.f32.msk $0xffff, v1  }
0x21e: {  	v1 =	vld [tilespmem:s0+$0x40];
	_ =	sdelay $0x4  }
0x21f: {  	[tilespmem:s13+$0x65C0] =	vst.add.f32.msk $0xffff, v1  }
0x220: {  	v1 =	vld [tilespmem:s0+$0x50];
	_ =	sdelay $0x4  }
0x221: {  	[tilespmem:s13+$0x65D0] =	vst.add.f32.msk $0xffff, v1  }
0x222: {  	v1 =	vld [tilespmem:s0+$0x60];
	_ =	sdelay $0x4  }
0x223: {  	[tilespmem:s13+$0x65E0] =	vst.add.f32.msk $0xffff, v1  }
0x224: {  	v1 =	vld [tilespmem:s0+$0x70];
	_ =	sdelay $0x1  }
.Ltmp15:
0x225: {  	(pc) =	sbr.rel @p1 .LBB2_25-.Ltmp15, $3  }
0x226: {  	_ =	sdelay $0x1  }
0x227: {  	s1 =	sadd.s32 $0x1, s1;
	[tilespmem:s13+$0x65F0] =	vst.add.f32.msk $0xffff, v1  }
0x228: {  	s2 =	sadd.s32 $0xFFFFFFFF, s2;
	v1 =	vld [tilespmem:s1+$0x0]  }
.Ltmp16:
0x229: {  	_ = 	snop;
	(pc) =	sbr.rel .LBB2_26-.Ltmp16, $1  }
0x22a: {  	_ =	sdelay $0x3  }
.LBB2_24:
.Ltmp17:
0x22b: {  	(pc) =	sbr.rel .LBB2_26-.Ltmp17, $2  }
0x22c: {  	_ =	sdelay $0x2  }
0x22d: {  	s0 =	simm.s32 $0x12D90  }
.LBB2_28:
0x22e: {  	s0 =	simm.s32 $0x6540  }
0x22f: {  	v3 =	vld [tilespmem:s0+$0xFFFFFFC0]  }
0x230: {  	v4 =	vld [tilespmem:s0+$0xFFFFFFD0]  }
0x231: {  	v5 =	vld [tilespmem:s0+$0xFFFFFFE0]  }
0x232: {  	v2 =	vld [tilespmem:s0+$0x0]  }
0x233: {  	v1 =	vld [tilespmem:s0+$0x10]  }
0x234: {  	v6 =	vmax.f32 v3, $0.0e+00;
	v3 =	vld [tilespmem:s0+$0x20]  }
0x235: {  	[tilespmem:s0+$0xFFFFFFC0] =	vst v6;
	v6 =	vmax.f32 v4, $0.0e+00;
	v4 =	vld [tilespmem:s0+$0x30]  }
0x236: {  	s1 =	simm.s32 $0x0;
	s2 =	simm.s32 $0x65C0;
	[tilespmem:s0+$0xFFFFFFD0] =	vst v6;
	v6 =	vmax.f32 v5, $0.0e+00;
	v5 =	vld [tilespmem:s0+$0xFFFFFFF0]  }
.LBB2_29:
0x237: {  	v7 =	vld [tilespmem:s2+$0xFFFFFFC0];
	[tilespmem:s0+$0xFFFFFFE0] =	vst v6;
	v2 =	vmax.f32 v2, $0.0e+00  }
0x238: {  	s1 =	sadd.s32 $0x8, s1;
	v6 =	vld [tilespmem:s2+$0xFFFFFFD0];
	[tilespmem:s0+$0x0] =	vst v2;
	v1 =	vmax.f32 v1, $0.0e+00  }
0x239: {  	p0 =	slt.u32 s1, $0xC78;
	v8 =	vld [tilespmem:s2+$0xFFFFFFE0];
	[tilespmem:s0+$0x10] =	vst v1;
	v1 =	vmax.f32 v3, $0.0e+00  }
.Ltmp18:
0x23a: {  	v2 =	vld [tilespmem:s2+$0x0];
	[tilespmem:s0+$0x20] =	vst v1;
	v3 =	vmax.f32 v4, $0.0e+00;
	(pc) =	sbr.rel @p0 .LBB2_29-.Ltmp18, $4  }
0x23b: {  	v1 =	vld [tilespmem:s2+$0x10];
	v4 =	vmax.f32 v5, $0.0e+00;
	[tilespmem:s0+$0x30] =	vst v3  }
0x23c: {  	v5 =	vmax.f32 v7, $0.0e+00;
	v3 =	vld [tilespmem:s2+$0x20];
	[tilespmem:s0+$0xFFFFFFF0] =	vst v4;
	s0 =	smov.u32 s2  }
0x23d: {  	[tilespmem:s2+$0xFFFFFFC0] =	vst v5;
	v5 =	vmax.f32 v6, $0.0e+00;
	v4 =	vld [tilespmem:s2+$0x30]  }
0x23e: {  	s2 =	sadd.s32 $0x80, s2;
	[tilespmem:s0+$0xFFFFFFD0] =	vst v5;
	v6 =	vmax.f32 v8, $0.0e+00;
	v5 =	vld [tilespmem:s0+$0xFFFFFFF0]  }
0x23f: {  	[tilespmem:s0+$0xFFFFFFE0] =	vst v6;
	v2 =	vmax.f32 v2, $0.0e+00  }
0x240: {  	[tilespmem:s0+$0x0] =	vst v2;
	v1 =	vmax.f32 v1, $0.0e+00  }
0x241: {  	[tilespmem:s0+$0x10] =	vst v1;
	v1 =	vmax.f32 v3, $0.0e+00  }
0x242: {  	[tilespmem:s0+$0x20] =	vst v1;
	v1 =	vmax.f32 v4, $0.0e+00  }
0x243: {  	v2 =	vmax.f32 v5, $0.0e+00;
	[tilespmem:s0+$0x30] =	vst v1  }
0x244: {  	s30 =	rddreg [dreg:$0x7];
	s1 =	simm.s32 $0x6500;
	[tilespmem:s0+$0xFFFFFFF0] =	vst v2  }
0x245: {  	[hbm4b:s30+s3] =	stream.linear.scatter [tilespmem:s1], [sflag:$0x3], $0xC800, $0x38;
	[tilespmem:$0x1F520] =	vst v63  }
0x246: {  	_ =	swait.ge [sflag:s11], $0xC800  }
0x247: {  	s28 =	sadd.s32 $0x1, s28;
	s31 =	rddreg [dreg:$0x8]  }
0x248: {  	p0 =	sne.s32 s28, s31  }
.Ltmp19:
0x249: {  	_ = 	snop;
	(pc) =	sbr.rel @p0 .LBB2_1-.Ltmp19, $3  }
0x24a: {  	_ =	sdelay $0x1  }
0x24b: {  	[sflag:s11] =	ssyncset.done $0x0  }
0x24c: {  	[sflag:s11] =	ssyncadd.s32 $0xFFFF3800  }
0x24d: {  	_ =	sfence.sel $0x180000  }
0x24e: {  	[bflag:$0x0] =	sbarrier.arrive $0xFFFF  }
0x24f: {  	_ =	strace $0x90000047  }
0x250: {  	s0 =	stileid.u32;
	[bflag:$0x2] =	sbarrier.arrive $0xFFFF  }
0x251: {  	p0 =	sne.s32 s0, $0x0;
	s0 =	rddreg [dreg:$0x3]  }
0x252: {  	s0 =	sadd.s32 @!p0 $0x100000, s0  }
0x253: {  	[sflag:s0] =	ssyncadd.tile.s32 @!p0 $0x1;
	_ =	shalt  }
.Lfunc_end2:
_tile_overlayer_lowered:
.L_overlay_start_2:
0x254: {  	(tag) =	ssettag $0x2  }
0x255: {  	s0 =	rddreg [dreg:$0x0];
	s2 =	stileid.u32  }
0x256: {  	s1 =	rddreg [dreg:$0x1];
	p0 =	sne.s32 s2, $0x0  }
0x257: {  	s3 =	rddreg [dreg:$0x2];
	[bflag:$0x3] =	sbarrier.arrive $0xFFFF;
	s2 =	simm.s32 @!p0 $0x1C03  }
0x258: {  	[timem:s3], [sflag:s2] =	dma.local @!p0 [hbm:s0], s1  }
0x259: {  	s0 =	simm.s32 @!p0 $0x3  }
0x25a: {  	_ =	swait.ge @!p0 [sflag:s0], s1  }
0x25b: {  	s1 =	ssub.s32 @!p0 $0x0, s1;
	[sflag:s0] =	ssyncset.done @!p0 $0x0  }
0x25c: {  	[sflag:s0] =	ssyncadd.s32 @!p0 s1  }
0x25d: {  	[bflag:$0x3] =	sbarrier.arrive $0xFFFF  }
0x25e: {  	_ =	shalt  }

</sc_bundles>
